<compile_context>
chip_gen: v7x
topology: tpu7x:2x2x1
jax: 0.10.2.dev20260603
libtpu: 0.0.44.dev20260713+nightly
codegen_flags: <defaults>
</compile_context>

<pallas_src>
import functools

import numpy as np
import jax
import jax.numpy as jnp
from jax import lax
from jax.experimental import pallas as pl
from jax.experimental.pallas import tpu as pltpu
from jax.experimental.pallas import tpu_sc as plsc

MUL = 16
DIMS = (1, 3, 5)
NPATH = len(DIMS)
OUT_DIM = MUL * sum(DIMS)
SH_DIM = sum(DIMS)
WDIM = NPATH * MUL * MUL
TMPDIM = NPATH * MUL
SCALE = 1.0 / np.sqrt(MUL)

NC = 2
NS = 16
NW = NC * NS
CH = 128

def _build_consts():
    G = np.zeros((MUL, MUL * MUL), np.float32)
    SA = np.zeros((WDIM, OUT_DIM), np.float32)
    Bm = np.zeros((SH_DIM, OUT_DIM), np.float32)
    moff = 0
    shoff = 0
    for p, d in enumerate(DIMS):
        for u in range(MUL):
            for w in range(MUL):
                G[u, u * 16 + w] = 1.0
                for j in range(d):
                    SA[p * 256 + u * 16 + w, moff + w * d + j] = SCALE
        for w in range(MUL):
            for j in range(d):
                Bm[shoff + j, moff + w * d + j] = 1.0
        moff += MUL * d
        shoff += d
    return G, SA, Bm


_G, _SA, _B = _build_consts()


def _worker_range(S, T):
    c = lax.axis_index("c")
    s = lax.axis_index("s")
    w = s * NC + c
    start = w * S
    cnt = jnp.clip(T - start, 0, S)
    return start, cnt


def _gather_body(S, T, node_hbm, col_hbm, x_hbm, idx_v, gbuf, gsem, wsem):
    start, cnt = _worker_range(S, T)
    gc = cnt // 2
    pltpu.sync_copy(col_hbm.at[pl.ds(start, S)], idx_v)

    def g_desc(g, k, p):
        return pltpu.make_async_copy(node_hbm.at[idx_v.at[2 * g + k]],
                                     gbuf.at[p, k], gsem.at[p])

    def w_desc(g, k, p):
        return pltpu.make_async_copy(
            gbuf.at[p, k], x_hbm.at[pl.ds((start + 2 * g + k) * CH, CH)],
            wsem.at[p])

    @pl.when(gc > 0)
    def _():
        for k in range(2):
            g_desc(0, k, 0).start()

    def body(i, carry):
        for p in range(2):
            g = 2 * i + p

            @pl.when(g < gc)
            def _(g=g, p=p):
                for k in range(2):
                    g_desc(g, k, p).wait()

                @pl.when(g >= 1)
                def _():
                    for k in range(2):
                        w_desc(g - 1, k, 1 - p).wait()

                @pl.when(g + 1 < gc)
                def _():
                    for k in range(2):
                        g_desc(g + 1, k, 1 - p).start()

                for k in range(2):
                    w_desc(g, k, p).start()
        return carry

    lax.fori_loop(0, S // 4, body, 0)

    for p in range(2):
        @pl.when((gc > 0) & (lax.rem(gc - 1, 2) == p))
        def _(p=p):
            for k in range(2):
                w_desc(gc - 1, k, p).wait()


def _sc_gather(nf128, colp, E, S, T):
    mesh = plsc.VectorSubcoreMesh(core_axis_name="c", subcore_axis_name="s")
    return pl.kernel(
        functools.partial(_gather_body, S, T),
        out_type=jax.ShapeDtypeStruct((E, 128), jnp.float32),
        mesh=mesh,
        scratch_types=[
            pltpu.VMEM((S, CH), jnp.int32),
            pltpu.VMEM((2, 2, CH, 128), jnp.float32),
            pltpu.SemaphoreType.DMA((2,)),
            pltpu.SemaphoreType.DMA((2,)),
        ],
        compiler_params=pltpu.CompilerParams(use_tc_tiling_on_sc=True),
    )(nf128, colp)


def _msg_body(eat_ref, x_ref, sht_ref, w1t_ref, b1_ref, w2t_ref, b2_ref,
              g_ref, sa_ref, bm_ref, out0_ref, out1_ref):
    f32 = jnp.float32
    bf16 = jnp.bfloat16
    dn0 = (((0,), (0,)), ((), ()))
    h0 = lax.dot_general(eat_ref[...], w1t_ref[...], dn0,
                         preferred_element_type=f32)
    h0 = h0 + b1_ref[...]
    h = h0 * (1.0 / (1.0 + jnp.exp(-h0)))
    w = jnp.dot(h.astype(bf16), w2t_ref[...], preferred_element_type=f32)
    w = (w + b2_ref[...]).astype(bf16)
    xrep = jnp.dot(x_ref[...].astype(bf16), g_ref[...],
                   preferred_element_type=f32).astype(bf16)
    xe = jnp.concatenate([xrep, xrep, xrep], axis=1)
    texp = jnp.dot(xe * w, sa_ref[...], preferred_element_type=f32)
    shexp = lax.dot_general(sht_ref[...], bm_ref[...], dn0,
                            preferred_element_type=f32)
    msgs = texp * shexp
    out0_ref[...] = msgs[:, :128]
    out1_ref[...] = msgs[:, 128:]


def _tc_messages(edge_attr, x128, sh, W1, b1, W2, b2, EB):
    E = edge_attr.shape[0]
    grid = E // EB
    g128 = np.zeros((128, MUL * MUL), np.float32)
    g128[:MUL] = _G
    consts = (W1.T, b1[None, :], W2.T.astype(jnp.bfloat16), b2[None, :],
              jnp.asarray(g128).astype(jnp.bfloat16),
              jnp.asarray(_SA).astype(jnp.bfloat16), jnp.asarray(_B))

    def eb_spec(d):
        return pl.BlockSpec((EB, d), lambda i: (i, 0))

    def ebt_spec(d):
        return pl.BlockSpec((d, EB), lambda i: (0, i))

    def full_spec(a):
        return pl.BlockSpec(a.shape, lambda i: (0,) * a.ndim)

    return pl.pallas_call(
        _msg_body,
        grid=(grid,),
        in_specs=[ebt_spec(edge_attr.shape[1]), eb_spec(128),
                  ebt_spec(SH_DIM)]
        + [full_spec(cst) for cst in consts],
        out_specs=(eb_spec(128), eb_spec(MUL)),
        out_shape=(jax.ShapeDtypeStruct((E, 128), jnp.float32),
                   jax.ShapeDtypeStruct((E, MUL), jnp.float32)),
        compiler_params=pltpu.CompilerParams(
            vmem_limit_bytes=100 * 1024 * 1024),
    )(edge_attr.T, x128, sh.T, *consts)


def _scatter_body(S, T, npt, m0_hbm, m1_hbm, row_hbm, z0_hbm, z1_hbm,
                  p0_hbm, p1_hbm, idx_v, m0buf, m1buf, sh0, sh1, lsem, asem):
    c = lax.axis_index("c")
    s = lax.axis_index("s")
    start, cnt = _worker_range(S, T)
    pltpu.sync_copy(z0_hbm, sh0.at[pl.ds(s * npt, npt)])
    pltpu.sync_copy(z1_hbm, sh1.at[pl.ds(s * npt, npt)])
    plsc.subcore_barrier()

    def l_descs(j, p):
        e = (start + j) * CH
        return (pltpu.make_async_copy(m0_hbm.at[pl.ds(e, CH)],
                                      m0buf.at[p], lsem.at[p]),
                pltpu.make_async_copy(m1_hbm.at[pl.ds(e, CH)],
                                      m1buf.at[p], lsem.at[p]),
                pltpu.make_async_copy(row_hbm.at[pl.ds(e, CH)],
                                      idx_v.at[p], lsem.at[p]))

    def a_start(j, p):
        pltpu.async_copy(m0buf.at[p], sh0.at[idx_v.at[p]], asem.at[p],
                         add=True)
        pltpu.async_copy(m1buf.at[p], sh1.at[idx_v.at[p]], asem.at[p],
                         add=True)

    def a_wait(j, p):
        pltpu.make_async_copy(m0buf.at[p], sh0.at[idx_v.at[p]],
                              asem.at[p]).wait()
        pltpu.make_async_copy(m1buf.at[p], sh1.at[idx_v.at[p]],
                              asem.at[p]).wait()

    @pl.when(cnt > 0)
    def _():
        for d in l_descs(0, 0):
            d.start()

    def body(i, carry):
        for p in range(2):
            j = 2 * i + p

            @pl.when(j < cnt)
            def _(j=j, p=p):
                for d in l_descs(j, p):
                    d.wait()

                @pl.when(j >= 1)
                def _():
                    a_wait(j - 1, 1 - p)

                @pl.when(j + 1 < cnt)
                def _():
                    for d in l_descs(j + 1, 1 - p):
                        d.start()

                a_start(j, p)
        return carry

    lax.fori_loop(0, S // 2, body, 0)

    for p in range(2):
        @pl.when((cnt > 0) & (lax.rem(cnt - 1, 2) == p))
        def _(p=p):
            a_wait(cnt - 1, p)

    plsc.subcore_barrier()
    pltpu.sync_copy(sh0.at[pl.ds(s * npt, npt)],
                    p0_hbm.at[c, pl.ds(s * npt, npt)])
    pltpu.sync_copy(sh1.at[pl.ds(s * npt, npt)],
                    p1_hbm.at[c, pl.ds(s * npt, npt)])


def _sc_scatter(m0, m1, rowflat, npad, E, S, T):
    npt = npad // NS
    z0 = jnp.zeros((npt, 128), jnp.float32)
    z1 = jnp.zeros((npt, MUL), jnp.float32)
    mesh = plsc.VectorSubcoreMesh(core_axis_name="c", subcore_axis_name="s")
    return pl.kernel(
        functools.partial(_scatter_body, S, T, npt),
        out_type=(jax.ShapeDtypeStruct((NC, npad, 128), jnp.float32),
                  jax.ShapeDtypeStruct((NC, npad, MUL), jnp.float32)),
        mesh=mesh,
        scratch_types=[
            pltpu.VMEM((2, CH), jnp.int32),
            pltpu.VMEM((2, CH, 128), jnp.float32),
            pltpu.VMEM((2, CH, MUL), jnp.float32),
            pltpu.VMEM_SHARED((npad, 128), jnp.float32),
            pltpu.VMEM_SHARED((npad, MUL), jnp.float32),
            pltpu.SemaphoreType.DMA((2,)),
            pltpu.SemaphoreType.DMA((2,)),
        ],
        compiler_params=pltpu.CompilerParams(use_tc_tiling_on_sc=False),
    )(m0, m1, rowflat, z0, z1)


def _combine_body(p0_ref, p1_ref, nf_ref, wlin_ref, out_ref):
    si = jnp.dot(nf_ref[...], wlin_ref[...],
                 preferred_element_type=jnp.float32) * SCALE
    a0 = p0_ref[0] + p0_ref[1]
    a1 = p1_ref[0] + p1_ref[1]
    pad = jnp.zeros((si.shape[0], 128 - MUL), jnp.float32)
    sip = jnp.concatenate([si, pad], axis=1)
    out_ref[...] = jnp.concatenate([a0 + sip, a1], axis=1)


def _tc_combine(p0, p1, node_feat, Wlin, NB):
    N = node_feat.shape[0]
    grid = N // NB
    return pl.pallas_call(
        _combine_body,
        grid=(grid,),
        in_specs=[
            pl.BlockSpec((NC, NB, 128), lambda i: (0, i, 0)),
            pl.BlockSpec((NC, NB, MUL), lambda i: (0, i, 0)),
            pl.BlockSpec((NB, MUL), lambda i: (i, 0)),
            pl.BlockSpec((MUL, MUL), lambda i: (0, 0)),
        ],
        out_specs=pl.BlockSpec((NB, OUT_DIM), lambda i: (i, 0)),
        out_shape=jax.ShapeDtypeStruct((N, OUT_DIM), jnp.float32),
    )(p0, p1, node_feat, Wlin)


def kernel(node_feat, edge_index, edge_attr, sh, W1, b1, W2, b2, Wlin):
    N = node_feat.shape[0]
    E = edge_attr.shape[0]
    T = E // CH
    S = -(-T // NW)
    S += S % 2
    rowp = jnp.pad(edge_index[0], ((0, (NW * S - T) * CH),))
    colp = jnp.pad(edge_index[1].reshape(T, CH), ((0, NW * S - T), (0, 0)))
    nf128 = jnp.pad(node_feat, ((0, 0), (0, 128 - MUL)))
    x128 = _sc_gather(nf128, colp, E, S, T)
    m0, m1 = _tc_messages(edge_attr, x128, sh, W1, b1, W2, b2, EB=6400)
    npad = ((N + NW * 8 - 1) // (NW * 8)) * NW * 8
    p0, p1 = _sc_scatter(m0, m1, rowp, npad, E, S, T)
    return _tc_combine(p0, p1, node_feat, Wlin, NB=1000)

# --- scband reference (transcript-rebuilt; emitter-appended) ---
"""Pipeline reference for scband-macetensor-interaction-16819091931701 (READ-ONLY COPY).

The authoritative reference and input builder live on the scoring server;
editing this copy changes nothing except your own understanding.
"""

import jax, jax.numpy as jnp
import numpy as np

MUL = 16
DIMS = (1, 3, 5)            # 0e, 1o, 2e
OUT_DIM = MUL * sum(DIMS)   # 144
NUM_BASIS = 8
HIDDEN = 64
WEIGHT_NUMEL = len(DIMS) * MUL * MUL  # 768
N_NODES = 10000
N_EDGES = 160000
SH_DIM = sum(DIMS)          # 9


def setup_inputs(seed: int = 0) -> dict:
    key = jax.random.key(seed)
    ks = jax.random.split(key, 8)
    node_feat = jax.random.normal(ks[0], (N_NODES, MUL), dtype=jnp.float32)
    edge_index = jax.random.randint(ks[1], (2, N_EDGES), 0, N_NODES, dtype=jnp.int32)
    edge_attr = jax.random.normal(ks[2], (N_EDGES, NUM_BASIS), dtype=jnp.float32)
    sh = jax.random.normal(ks[3], (N_EDGES, SH_DIM), dtype=jnp.float32)
    # radial MLP params (nn.Linear(num_basis,64), SiLU, nn.Linear(64, weight_numel))
    W1 = jax.random.normal(ks[4], (HIDDEN, NUM_BASIS), dtype=jnp.float32) / np.sqrt(NUM_BASIS)
    b1 = jnp.zeros((HIDDEN,), dtype=jnp.float32)
    W2 = jax.random.normal(ks[5], (WEIGHT_NUMEL, HIDDEN), dtype=jnp.float32) / np.sqrt(HIDDEN)
    b2 = jnp.zeros((WEIGHT_NUMEL,), dtype=jnp.float32)
    # e3nn o3.Linear('16x0e' -> '16x0e' path only); raw weight ~ N(0,1)
    Wlin = jax.random.normal(ks[6], (MUL, MUL), dtype=jnp.float32)
    return {"node_feat": node_feat, "edge_index": edge_index, "edge_attr": edge_attr,
            "sh": sh, "W1": W1, "b1": b1, "W2": W2, "b2": b2, "Wlin": Wlin}


def reference(node_feat, edge_index, edge_attr, sh, W1, b1, W2, b2, Wlin):
    row, col = edge_index[0], edge_index[1]
    # radial MLP -> per-edge tensor-product weights [E, 768]
    h = jax.nn.silu(edge_attr @ W1.T + b1)
    weights = h @ W2.T + b2
    x = jnp.take(node_feat, col, axis=0)  # gather source node feats [E, 16]
    # e3nn FullyConnectedTensorProduct('16x0e', '1x0e+1x1o+1x2e', '16x0e+16x1o+16x2e'):
    # three uvw paths 0e*l->l; w3j(0,l,l)=I/sqrt(2l+1); path alpha=sqrt((2l+1)/(mul_in1*mul_in2))
    # combined per-path factor = 1/sqrt(MUL)
    scale = 1.0 / np.sqrt(MUL)
    off_w = 0
    off_sh = 0
    msgs = []
    for d in DIMS:
        w = weights[:, off_w:off_w + MUL * MUL].reshape(-1, MUL, MUL)
        off_w += MUL * MUL
        tmp = jnp.einsum('eu,euw->ew', x, w) * scale          # [E, 16]
        shl = sh[:, off_sh:off_sh + d]                        # [E, d]
        off_sh += d
        msgs.append((tmp[:, :, None] * shl[:, None, :]).reshape(-1, MUL * d))
    messages = jnp.concatenate(msgs, axis=1)                  # [E, 144]
    out = jnp.zeros((node_feat.shape[0], OUT_DIM), dtype=node_feat.dtype)
    out = out.at[row].add(messages)                           # index_add over dst nodes
    # self interaction: o3.Linear only has the 0e->0e path; 1o/2e outputs are zero
    si0 = (node_feat @ Wlin) / np.sqrt(MUL)
    si = jnp.concatenate([si0, jnp.zeros((node_feat.shape[0], OUT_DIM - MUL), dtype=node_feat.dtype)], axis=1)
    return out + si


if False:  # reference __main__ guard neutralized (emitter)
    o = reference(**setup_inputs())
    print(o.shape, o.dtype)

if __name__ == "__main__":
    import jax
    _d = setup_inputs()
    print(jax.jit(kernel)(*tuple(_d.values())))

</pallas_src>

<mosaic_0001>
#map = affine_map<(d0, d1) -> (0, 0)>
module attributes {stable_mosaic.version = 14 : i64} {
  func.func @_gather_body(%arg0: i32, %arg1: i32, %arg2: memref<10000x128xf32, #tpu.memory_space<hbm>>, %arg3: memref<1280x128xi32, #tpu.memory_space<hbm>>, %arg4: memref<160000x128xf32, #tpu.memory_space<hbm>>, %arg5: memref<40x128xi32, #tpu.memory_space<vmem>>, %arg6: memref<2x2x128x128xf32, #tpu.memory_space<vmem>>, %arg7: memref<2x!tpu.dma_semaphore, #tpu.memory_space<semaphore_mem>>, %arg8: memref<2x!tpu.dma_semaphore, #tpu.memory_space<semaphore_mem>>) attributes {dimension_semantics = [#tpu.dimension_semantics<core_parallel>, #tpu.dimension_semantics<subcore_parallel>], iteration_bounds = array<i64: 2, 16>, scalar_prefetch = 0 : i64, scratch_operands = 4 : i64, tpu.core_type = #tpu.core_type<sc_vector_subcore>, window_params = [{transform_indices = #map}, {transform_indices = #map}, {transform_indices = #map}]} {
    %mul3A = arith.constant 2 : i32
    %mul3A_0 = arith.muli %arg1, %mul3A : i32
    %add3A = arith.addi %mul3A_0, %arg0 : i32
    %mul3A_1 = arith.constant 40 : i32
    %mul3A_2 = arith.muli %add3A, %mul3A_1 : i32
    %sub3A = arith.constant 1250 : i32
    %sub3A_3 = arith.subi %sub3A, %mul3A_2 : i32
    %jit3A = arith.constant 0 : i32
    %jit3A_4 = arith.constant 40 : i32
    %max3A = arith.maxsi %jit3A, %sub3A_3 : i32
    %min3A = arith.minsi %jit3A_4, %max3A : i32
    %jit3A_5 = arith.constant 2 : i32
    %div3A = arith.divsi %min3A, %jit3A_5 : i32
    %sign3A = arith.constant 0 : i32
    %sign3A_6 = arith.cmpi sgt, %min3A, %sign3A : i32
    %sign3A_7 = arith.extui %sign3A_6 : i1 to i32
    %sign3A_8 = arith.constant 0 : i32
    %sign3A_9 = arith.cmpi slt, %min3A, %sign3A_8 : i32
    %sign3A_10 = arith.extui %sign3A_9 : i1 to i32
    %sign3A_11 = arith.subi %sign3A_7, %sign3A_10 : i32
    %sign3A_12 = arith.constant 0 : i32
    %sign3A_13 = arith.cmpi sgt, %jit3A_5, %sign3A_12 : i32
    %sign3A_14 = arith.extui %sign3A_13 : i1 to i32
    %sign3A_15 = arith.constant 0 : i32
    %sign3A_16 = arith.cmpi slt, %jit3A_5, %sign3A_15 : i32
    %sign3A_17 = arith.extui %sign3A_16 : i1 to i32
    %sign3A_18 = arith.subi %sign3A_14, %sign3A_17 : i32
    %ne3A = arith.cmpi ne, %sign3A_11, %sign3A_18 : i32
    %rem3A = arith.remsi %min3A, %jit3A_5 : i32
    %ne3A_19 = arith.constant 0 : i32
    %ne3A_20 = arith.cmpi ne, %rem3A, %ne3A_19 : i32
    %and3A = arith.andi %ne3A, %ne3A_20 : i1
    %sub3A_21 = arith.constant 1 : i32
    %sub3A_22 = arith.subi %div3A, %sub3A_21 : i32
    %select_n3A = arith.select %and3A, %sub3A_22, %div3A : i32
    "tpu.region"() ({
      %run_scoped3A = tpu.sem_alloc : memref<!tpu.dma_semaphore, #tpu.memory_space<semaphore_mem>>
      %dma_start3A = arith.constant 0 : i32
      %dma_start3A_53 = tpu.memref_slice %arg3[%mul3A_2, %dma_start3A] : memref<1280x128xi32, #tpu.memory_space<hbm>> -> memref<40x128xi32, #tpu.memory_space<hbm>>
      %dma_start3A_54 = arith.constant 0 : i32
      %dma_start3A_55 = tpu.memref_slice %arg3[%mul3A_2, %dma_start3A_54] : memref<1280x128xi32, #tpu.memory_space<hbm>> -> memref<40x128xi32, #tpu.memory_space<hbm>>
      tpu.enqueue_dma source(%dma_start3A_55 : memref<40x128xi32, #tpu.memory_space<hbm>>) target(%arg5 : memref<40x128xi32, #tpu.memory_space<vmem>>) target_semaphore(%run_scoped3A : memref<!tpu.dma_semaphore, #tpu.memory_space<semaphore_mem>>)
      %dma_wait3A = arith.constant 0 : i32
      %dma_wait3A_56 = tpu.memref_slice %arg3[%mul3A_2, %dma_wait3A] : memref<1280x128xi32, #tpu.memory_space<hbm>> -> memref<40x128xi32, #tpu.memory_space<hbm>>
      %dma_wait3A_57 = arith.constant 0 : i32
      %dma_wait3A_58 = tpu.memref_slice %arg3[%mul3A_2, %dma_wait3A_57] : memref<1280x128xi32, #tpu.memory_space<hbm>> -> memref<40x128xi32, #tpu.memory_space<hbm>>
      tpu.wait_dma2 semaphore(%run_scoped3A : memref<!tpu.dma_semaphore, #tpu.memory_space<semaphore_mem>>) src(%dma_wait3A_58 : memref<40x128xi32, #tpu.memory_space<hbm>>) dst(%arg5 : memref<40x128xi32, #tpu.memory_space<vmem>>)
      tpu.yield
    }) : () -> ()
    %gt3A = arith.constant 0 : i32
    %gt3A_23 = arith.cmpi sgt, %select_n3A, %gt3A : i32
    %convert_element_type3A = arith.extui %gt3A_23 : i1 to i32
    %cond3A = arith.constant 0 : i32
    %cond3A_24 = arith.cmpi ne, %convert_element_type3A, %cond3A : i32
    scf.if %cond3A_24 {
      %dma_start3A = arith.constant 0 : i32
      %dma_start3A_53 = arith.constant 0 : i32
      %dma_start3A_54 = arith.constant 0 : i32
      %dma_start3A_55 = arith.constant 0 : i32
      %dma_start3A_56 = arith.constant 0 : i32
      %dma_start3A_57 = arith.constant 0 : i32
      %dma_start3A_58 = tpu.memref_slice %arg6[%dma_start3A_53, %dma_start3A_54, %dma_start3A_56, %dma_start3A_57] : memref<2x2x128x128xf32, #tpu.memory_space<vmem>> -> memref<1x1x128x128xf32, #tpu.memory_space<vmem>>
      %dma_start3A_59 = tpu.memref_squeeze %dma_start3A_58 : memref<1x1x128x128xf32, #tpu.memory_space<vmem>> -> memref<128x128xf32, #tpu.memory_space<vmem>>
      %dma_start3A_60 = arith.constant 0 : i32
      %dma_start3A_61 = tpu.memref_slice %arg5[%dma_start3A, %dma_start3A_60] : memref<40x128xi32, #tpu.memory_space<vmem>> -> memref<1x128xi32, #tpu.memory_space<vmem>>
      %dma_start3A_62 = tpu.memref_squeeze %dma_start3A_61 : memref<1x128xi32, #tpu.memory_space<vmem>> -> memref<128xi32, #tpu.memory_space<vmem>>
      %dma_start3A_63 = arith.constant 0 : i32
      %dma_start3A_64 = arith.constant 0 : i32
      %dma_start3A_65 = tpu.memref_slice %arg2[%dma_start3A_63, %dma_start3A_64] : memref<10000x128xf32, #tpu.memory_space<hbm>> -> memref<10000x128xf32, #tpu.memory_space<hbm>>
      %dma_start3A_66 = tpu.memref_slice %arg7[%dma_start3A_55] : memref<2x!tpu.dma_semaphore, #tpu.memory_space<semaphore_mem>> -> memref<1x!tpu.dma_semaphore, #tpu.memory_space<semaphore_mem>>
      %dma_start3A_67 = tpu.memref_squeeze %dma_start3A_66 : memref<1x!tpu.dma_semaphore, #tpu.memory_space<semaphore_mem>> -> memref<!tpu.dma_semaphore, #tpu.memory_space<semaphore_mem>>
      tpu.enqueue_indirect_dma source(%dma_start3A_65 : memref<10000x128xf32, #tpu.memory_space<hbm>>) target(%dma_start3A_59 : memref<128x128xf32, #tpu.memory_space<vmem>>) offsets(%dma_start3A_62 : memref<128xi32, #tpu.memory_space<vmem>>) semaphore(%dma_start3A_67 : memref<!tpu.dma_semaphore, #tpu.memory_space<semaphore_mem>>)
      %dma_start3A_68 = arith.constant 1 : i32
      %dma_start3A_69 = arith.constant 0 : i32
      %dma_start3A_70 = arith.constant 1 : i32
      %dma_start3A_71 = arith.constant 0 : i32
      %dma_start3A_72 = arith.constant 0 : i32
      %dma_start3A_73 = arith.constant 0 : i32
      %dma_start3A_74 = tpu.memref_slice %arg6[%dma_start3A_69, %dma_start3A_70, %dma_start3A_72, %dma_start3A_73] : memref<2x2x128x128xf32, #tpu.memory_space<vmem>> -> memref<1x1x128x128xf32, #tpu.memory_space<vmem>>
      %dma_start3A_75 = tpu.memref_squeeze %dma_start3A_74 : memref<1x1x128x128xf32, #tpu.memory_space<vmem>> -> memref<128x128xf32, #tpu.memory_space<vmem>>
      %dma_start3A_76 = arith.constant 0 : i32
      %dma_start3A_77 = tpu.memref_slice %arg5[%dma_start3A_68, %dma_start3A_76] : memref<40x128xi32, #tpu.memory_space<vmem>> -> memref<1x128xi32, #tpu.memory_space<vmem>>
      %dma_start3A_78 = tpu.memref_squeeze %dma_start3A_77 : memref<1x128xi32, #tpu.memory_space<vmem>> -> memref<128xi32, #tpu.memory_space<vmem>>
      %dma_start3A_79 = arith.constant 0 : i32
      %dma_start3A_80 = arith.constant 0 : i32
      %dma_start3A_81 = tpu.memref_slice %arg2[%dma_start3A_79, %dma_start3A_80] : memref<10000x128xf32, #tpu.memory_space<hbm>> -> memref<10000x128xf32, #tpu.memory_space<hbm>>
      %dma_start3A_82 = tpu.memref_slice %arg7[%dma_start3A_71] : memref<2x!tpu.dma_semaphore, #tpu.memory_space<semaphore_mem>> -> memref<1x!tpu.dma_semaphore, #tpu.memory_space<semaphore_mem>>
      %dma_start3A_83 = tpu.memref_squeeze %dma_start3A_82 : memref<1x!tpu.dma_semaphore, #tpu.memory_space<semaphore_mem>> -> memref<!tpu.dma_semaphore, #tpu.memory_space<semaphore_mem>>
      tpu.enqueue_indirect_dma source(%dma_start3A_81 : memref<10000x128xf32, #tpu.memory_space<hbm>>) target(%dma_start3A_75 : memref<128x128xf32, #tpu.memory_space<vmem>>) offsets(%dma_start3A_78 : memref<128xi32, #tpu.memory_space<vmem>>) semaphore(%dma_start3A_83 : memref<!tpu.dma_semaphore, #tpu.memory_space<semaphore_mem>>)
    } else {
    }
    %scan3A = arith.constant 0 : i32
    %scan3A_25 = arith.constant 0 : i32
    %scan3A_26 = arith.constant 10 : i32
    %scan3A_27 = arith.addi %scan3A_25, %scan3A_26 : i32
    %scan3A_28 = arith.constant 1 : i32
    scf.for %scan3A_53 = %scan3A_25 to %scan3A_27 step %scan3A_28  : i32 {
      %mul3A_54 = arith.constant 2 : i32
      %mul3A_55 = arith.muli %mul3A_54, %scan3A_53 : i32
      %add3A_56 = arith.constant 0 : i32
      %add3A_57 = arith.addi %mul3A_55, %add3A_56 : i32
      %lt3A = arith.cmpi slt, %add3A_57, %select_n3A : i32
      %convert_element_type3A_58 = arith.extui %lt3A : i1 to i32
      %cond3A_59 = arith.constant 0 : i32
      %cond3A_60 = arith.cmpi ne, %convert_element_type3A_58, %cond3A_59 : i32
      scf.if %cond3A_60 {
        %mul3A_69 = arith.constant 2 : i32
        %mul3A_70 = arith.muli %mul3A_69, %add3A_57 : i32
        %add3A_71 = arith.constant 0 : i32
        %add3A_72 = arith.addi %mul3A_70, %add3A_71 : i32
        %dma_wait3A = arith.constant 0 : i32
        %dma_wait3A_73 = arith.constant 0 : i32
        %dma_wait3A_74 = arith.constant 0 : i32
        %dma_wait3A_75 = arith.constant 0 : i32
        %dma_wait3A_76 = arith.constant 0 : i32
        %dma_wait3A_77 = tpu.memref_slice %arg6[%dma_wait3A, %dma_wait3A_73, %dma_wait3A_75, %dma_wait3A_76] : memref<2x2x128x128xf32, #tpu.memory_space<vmem>> -> memref<1x1x128x128xf32, #tpu.memory_space<vmem>>
        %dma_wait3A_78 = tpu.memref_squeeze %dma_wait3A_77 : memref<1x1x128x128xf32, #tpu.memory_space<vmem>> -> memref<128x128xf32, #tpu.memory_space<vmem>>
        %dma_wait3A_79 = arith.constant 0 : i32
        %dma_wait3A_80 = tpu.memref_slice %arg5[%add3A_72, %dma_wait3A_79] : memref<40x128xi32, #tpu.memory_space<vmem>> -> memref<1x128xi32, #tpu.memory_space<vmem>>
        %dma_wait3A_81 = tpu.memref_squeeze %dma_wait3A_80 : memref<1x128xi32, #tpu.memory_space<vmem>> -> memref<128xi32, #tpu.memory_space<vmem>>
        %dma_wait3A_82 = arith.constant 0 : i32
        %dma_wait3A_83 = arith.constant 0 : i32
        %dma_wait3A_84 = tpu.memref_slice %arg2[%dma_wait3A_82, %dma_wait3A_83] : memref<10000x128xf32, #tpu.memory_space<hbm>> -> memref<10000x128xf32, #tpu.memory_space<hbm>>
        %dma_wait3A_85 = tpu.memref_slice %arg7[%dma_wait3A_74] : memref<2x!tpu.dma_semaphore, #tpu.memory_space<semaphore_mem>> -> memref<1x!tpu.dma_semaphore, #tpu.memory_space<semaphore_mem>>
        %dma_wait3A_86 = tpu.memref_squeeze %dma_wait3A_85 : memref<1x!tpu.dma_semaphore, #tpu.memory_space<semaphore_mem>> -> memref<!tpu.dma_semaphore, #tpu.memory_space<semaphore_mem>>
        tpu.wait_indirect_dma semaphore(%dma_wait3A_86 : memref<!tpu.dma_semaphore, #tpu.memory_space<semaphore_mem>>) src(%dma_wait3A_84 : memref<10000x128xf32, #tpu.memory_space<hbm>>) dst(%dma_wait3A_78 : memref<128x128xf32, #tpu.memory_space<vmem>>)
        %mul3A_87 = arith.constant 2 : i32
        %mul3A_88 = arith.muli %mul3A_87, %add3A_57 : i32
        %add3A_89 = arith.constant 1 : i32
        %add3A_90 = arith.addi %mul3A_88, %add3A_89 : i32
        %dma_wait3A_91 = arith.constant 0 : i32
        %dma_wait3A_92 = arith.constant 1 : i32
        %dma_wait3A_93 = arith.constant 0 : i32
        %dma_wait3A_94 = arith.constant 0 : i32
        %dma_wait3A_95 = arith.constant 0 : i32
        %dma_wait3A_96 = tpu.memref_slice %arg6[%dma_wait3A_91, %dma_wait3A_92, %dma_wait3A_94, %dma_wait3A_95] : memref<2x2x128x128xf32, #tpu.memory_space<vmem>> -> memref<1x1x128x128xf32, #tpu.memory_space<vmem>>
        %dma_wait3A_97 = tpu.memref_squeeze %dma_wait3A_96 : memref<1x1x128x128xf32, #tpu.memory_space<vmem>> -> memref<128x128xf32, #tpu.memory_space<vmem>>
        %dma_wait3A_98 = arith.constant 0 : i32
        %dma_wait3A_99 = tpu.memref_slice %arg5[%add3A_90, %dma_wait3A_98] : memref<40x128xi32, #tpu.memory_space<vmem>> -> memref<1x128xi32, #tpu.memory_space<vmem>>
        %dma_wait3A_100 = tpu.memref_squeeze %dma_wait3A_99 : memref<1x128xi32, #tpu.memory_space<vmem>> -> memref<128xi32, #tpu.memory_space<vmem>>
        %dma_wait3A_101 = arith.constant 0 : i32
        %dma_wait3A_102 = arith.constant 0 : i32
        %dma_wait3A_103 = tpu.memref_slice %arg2[%dma_wait3A_101, %dma_wait3A_102] : memref<10000x128xf32, #tpu.memory_space<hbm>> -> memref<10000x128xf32, #tpu.memory_space<hbm>>
        %dma_wait3A_104 = tpu.memref_slice %arg7[%dma_wait3A_93] : memref<2x!tpu.dma_semaphore, #tpu.memory_space<semaphore_mem>> -> memref<1x!tpu.dma_semaphore, #tpu.memory_space<semaphore_mem>>
        %dma_wait3A_105 = tpu.memref_squeeze %dma_wait3A_104 : memref<1x!tpu.dma_semaphore, #tpu.memory_space<semaphore_mem>> -> memref<!tpu.dma_semaphore, #tpu.memory_space<semaphore_mem>>
        tpu.wait_indirect_dma semaphore(%dma_wait3A_105 : memref<!tpu.dma_semaphore, #tpu.memory_space<semaphore_mem>>) src(%dma_wait3A_103 : memref<10000x128xf32, #tpu.memory_space<hbm>>) dst(%dma_wait3A_97 : memref<128x128xf32, #tpu.memory_space<vmem>>)
        %ge3A = arith.constant 1 : i32
        %ge3A_106 = arith.cmpi sge, %add3A_57, %ge3A : i32
        %convert_element_type3A_107 = arith.extui %ge3A_106 : i1 to i32
        %cond3A_108 = arith.constant 0 : i32
        %cond3A_109 = arith.cmpi ne, %convert_element_type3A_107, %cond3A_108 : i32
        scf.if %cond3A_109 {
          %sub3A_163 = arith.constant 1 : i32
          %sub3A_164 = arith.subi %add3A_57, %sub3A_163 : i32
          %mul3A_165 = arith.constant 2 : i32
          %mul3A_166 = arith.muli %mul3A_165, %sub3A_164 : i32
          %add3A_167 = arith.addi %mul3A_2, %mul3A_166 : i32
          %add3A_168 = arith.constant 0 : i32
          %add3A_169 = arith.addi %add3A_167, %add3A_168 : i32
          %mul3A_170 = arith.constant 128 : i32
          %mul3A_171 = arith.muli %add3A_169, %mul3A_170 : i32
          %dma_wait3A_172 = arith.constant 1 : i32
          %dma_wait3A_173 = arith.constant 0 : i32
          %dma_wait3A_174 = arith.constant 1 : i32
          %dma_wait3A_175 = arith.constant 0 : i32
          %dma_wait3A_176 = arith.constant 0 : i32
          %dma_wait3A_177 = tpu.memref_slice %arg6[%dma_wait3A_172, %dma_wait3A_173, %dma_wait3A_175, %dma_wait3A_176] : memref<2x2x128x128xf32, #tpu.memory_space<vmem>> -> memref<1x1x128x128xf32, #tpu.memory_space<vmem>>
          %dma_wait3A_178 = tpu.memref_squeeze %dma_wait3A_177 : memref<1x1x128x128xf32, #tpu.memory_space<vmem>> -> memref<128x128xf32, #tpu.memory_space<vmem>>
          %dma_wait3A_179 = arith.constant 0 : i32
          %dma_wait3A_180 = tpu.memref_slice %arg4[%mul3A_171, %dma_wait3A_179] : memref<160000x128xf32, #tpu.memory_space<hbm>> -> memref<128x128xf32, #tpu.memory_space<hbm>>
          %dma_wait3A_181 = tpu.memref_slice %arg8[%dma_wait3A_174] : memref<2x!tpu.dma_semaphore, #tpu.memory_space<semaphore_mem>> -> memref<1x!tpu.dma_semaphore, #tpu.memory_space<semaphore_mem>>
          %dma_wait3A_182 = tpu.memref_squeeze %dma_wait3A_181 : memref<1x!tpu.dma_semaphore, #tpu.memory_space<semaphore_mem>> -> memref<!tpu.dma_semaphore, #tpu.memory_space<semaphore_mem>>
          %dma_wait3A_183 = arith.constant 0 : i32
          %dma_wait3A_184 = tpu.memref_slice %arg4[%mul3A_171, %dma_wait3A_183] : memref<160000x128xf32, #tpu.memory_space<hbm>> -> memref<128x128xf32, #tpu.memory_space<hbm>>
          %dma_wait3A_185 = arith.constant 0 : i32
          %dma_wait3A_186 = arith.constant 0 : i32
          %dma_wait3A_187 = tpu.memref_slice %arg6[%dma_wait3A_172, %dma_wait3A_173, %dma_wait3A_185, %dma_wait3A_186] : memref<2x2x128x128xf32, #tpu.memory_space<vmem>> -> memref<1x1x128x128xf32, #tpu.memory_space<vmem>>
          %dma_wait3A_188 = tpu.memref_squeeze %dma_wait3A_187 : memref<1x1x128x128xf32, #tpu.memory_space<vmem>> -> memref<128x128xf32, #tpu.memory_space<vmem>>
          tpu.wait_dma2 semaphore(%dma_wait3A_182 : memref<!tpu.dma_semaphore, #tpu.memory_space<semaphore_mem>>) src(%dma_wait3A_188 : memref<128x128xf32, #tpu.memory_space<vmem>>) dst(%dma_wait3A_184 : memref<128x128xf32, #tpu.memory_space<hbm>>)
          %sub3A_189 = arith.constant 1 : i32
          %sub3A_190 = arith.subi %add3A_57, %sub3A_189 : i32
          %mul3A_191 = arith.constant 2 : i32
          %mul3A_192 = arith.muli %mul3A_191, %sub3A_190 : i32
          %add3A_193 = arith.addi %mul3A_2, %mul3A_192 : i32
          %add3A_194 = arith.constant 1 : i32
          %add3A_195 = arith.addi %add3A_193, %add3A_194 : i32
          %mul3A_196 = arith.constant 128 : i32
          %mul3A_197 = arith.muli %add3A_195, %mul3A_196 : i32
          %dma_wait3A_198 = arith.constant 1 : i32
          %dma_wait3A_199 = arith.constant 1 : i32
          %dma_wait3A_200 = arith.constant 1 : i32
          %dma_wait3A_201 = arith.constant 0 : i32
          %dma_wait3A_202 = arith.constant 0 : i32
          %dma_wait3A_203 = tpu.memref_slice %arg6[%dma_wait3A_198, %dma_wait3A_199, %dma_wait3A_201, %dma_wait3A_202] : memref<2x2x128x128xf32, #tpu.memory_space<vmem>> -> memref<1x1x128x128xf32, #tpu.memory_space<vmem>>
          %dma_wait3A_204 = tpu.memref_squeeze %dma_wait3A_203 : memref<1x1x128x128xf32, #tpu.memory_space<vmem>> -> memref<128x128xf32, #tpu.memory_space<vmem>>
          %dma_wait3A_205 = arith.constant 0 : i32
          %dma_wait3A_206 = tpu.memref_slice %arg4[%mul3A_197, %dma_wait3A_205] : memref<160000x128xf32, #tpu.memory_space<hbm>> -> memref<128x128xf32, #tpu.memory_space<hbm>>
          %dma_wait3A_207 = tpu.memref_slice %arg8[%dma_wait3A_200] : memref<2x!tpu.dma_semaphore, #tpu.memory_space<semaphore_mem>> -> memref<1x!tpu.dma_semaphore, #tpu.memory_space<semaphore_mem>>
          %dma_wait3A_208 = tpu.memref_squeeze %dma_wait3A_207 : memref<1x!tpu.dma_semaphore, #tpu.memory_space<semaphore_mem>> -> memref<!tpu.dma_semaphore, #tpu.memory_space<semaphore_mem>>
          %dma_wait3A_209 = arith.constant 0 : i32
          %dma_wait3A_210 = tpu.memref_slice %arg4[%mul3A_197, %dma_wait3A_209] : memref<160000x128xf32, #tpu.memory_space<hbm>> -> memref<128x128xf32, #tpu.memory_space<hbm>>
          %dma_wait3A_211 = arith.constant 0 : i32
          %dma_wait3A_212 = arith.constant 0 : i32
          %dma_wait3A_213 = tpu.memref_slice %arg6[%dma_wait3A_198, %dma_wait3A_199, %dma_wait3A_211, %dma_wait3A_212] : memref<2x2x128x128xf32, #tpu.memory_space<vmem>> -> memref<1x1x128x128xf32, #tpu.memory_space<vmem>>
          %dma_wait3A_214 = tpu.memref_squeeze %dma_wait3A_213 : memref<1x1x128x128xf32, #tpu.memory_space<vmem>> -> memref<128x128xf32, #tpu.memory_space<vmem>>
          tpu.wait_dma2 semaphore(%dma_wait3A_208 : memref<!tpu.dma_semaphore, #tpu.memory_space<semaphore_mem>>) src(%dma_wait3A_214 : memref<128x128xf32, #tpu.memory_space<vmem>>) dst(%dma_wait3A_210 : memref<128x128xf32, #tpu.memory_space<hbm>>)
        } else {
        }
        %add3A_110 = arith.constant 1 : i32
        %add3A_111 = arith.addi %add3A_57, %add3A_110 : i32
        %lt3A_112 = arith.cmpi slt, %add3A_111, %select_n3A : i32
        %convert_element_type3A_113 = arith.extui %lt3A_112 : i1 to i32
        %cond3A_114 = arith.constant 0 : i32
        %cond3A_115 = arith.cmpi ne, %convert_element_type3A_113, %cond3A_114 : i32
        scf.if %cond3A_115 {
          %add3A_163 = arith.constant 1 : i32
          %add3A_164 = arith.addi %add3A_57, %add3A_163 : i32
          %mul3A_165 = arith.constant 2 : i32
          %mul3A_166 = arith.muli %mul3A_165, %add3A_164 : i32
          %add3A_167 = arith.constant 0 : i32
          %add3A_168 = arith.addi %mul3A_166, %add3A_167 : i32
          %dma_start3A_169 = arith.constant 1 : i32
          %dma_start3A_170 = arith.constant 0 : i32
          %dma_start3A_171 = arith.constant 1 : i32
          %dma_start3A_172 = arith.constant 0 : i32
          %dma_start3A_173 = arith.constant 0 : i32
          %dma_start3A_174 = tpu.memref_slice %arg6[%dma_start3A_169, %dma_start3A_170, %dma_start3A_172, %dma_start3A_173] : memref<2x2x128x128xf32, #tpu.memory_space<vmem>> -> memref<1x1x128x128xf32, #tpu.memory_space<vmem>>
          %dma_start3A_175 = tpu.memref_squeeze %dma_start3A_174 : memref<1x1x128x128xf32, #tpu.memory_space<vmem>> -> memref<128x128xf32, #tpu.memory_space<vmem>>
          %dma_start3A_176 = arith.constant 0 : i32
          %dma_start3A_177 = tpu.memref_slice %arg5[%add3A_168, %dma_start3A_176] : memref<40x128xi32, #tpu.memory_space<vmem>> -> memref<1x128xi32, #tpu.memory_space<vmem>>
          %dma_start3A_178 = tpu.memref_squeeze %dma_start3A_177 : memref<1x128xi32, #tpu.memory_space<vmem>> -> memref<128xi32, #tpu.memory_space<vmem>>
          %dma_start3A_179 = arith.constant 0 : i32
          %dma_start3A_180 = arith.constant 0 : i32
          %dma_start3A_181 = tpu.memref_slice %arg2[%dma_start3A_179, %dma_start3A_180] : memref<10000x128xf32, #tpu.memory_space<hbm>> -> memref<10000x128xf32, #tpu.memory_space<hbm>>
          %dma_start3A_182 = tpu.memref_slice %arg7[%dma_start3A_171] : memref<2x!tpu.dma_semaphore, #tpu.memory_space<semaphore_mem>> -> memref<1x!tpu.dma_semaphore, #tpu.memory_space<semaphore_mem>>
          %dma_start3A_183 = tpu.memref_squeeze %dma_start3A_182 : memref<1x!tpu.dma_semaphore, #tpu.memory_space<semaphore_mem>> -> memref<!tpu.dma_semaphore, #tpu.memory_space<semaphore_mem>>
          tpu.enqueue_indirect_dma source(%dma_start3A_181 : memref<10000x128xf32, #tpu.memory_space<hbm>>) target(%dma_start3A_175 : memref<128x128xf32, #tpu.memory_space<vmem>>) offsets(%dma_start3A_178 : memref<128xi32, #tpu.memory_space<vmem>>) semaphore(%dma_start3A_183 : memref<!tpu.dma_semaphore, #tpu.memory_space<semaphore_mem>>)
          %add3A_184 = arith.constant 1 : i32
          %add3A_185 = arith.addi %add3A_57, %add3A_184 : i32
          %mul3A_186 = arith.constant 2 : i32
          %mul3A_187 = arith.muli %mul3A_186, %add3A_185 : i32
          %add3A_188 = arith.constant 1 : i32
          %add3A_189 = arith.addi %mul3A_187, %add3A_188 : i32
          %dma_start3A_190 = arith.constant 1 : i32
          %dma_start3A_191 = arith.constant 1 : i32
          %dma_start3A_192 = arith.constant 1 : i32
          %dma_start3A_193 = arith.constant 0 : i32
          %dma_start3A_194 = arith.constant 0 : i32
          %dma_start3A_195 = tpu.memref_slice %arg6[%dma_start3A_190, %dma_start3A_191, %dma_start3A_193, %dma_start3A_194] : memref<2x2x128x128xf32, #tpu.memory_space<vmem>> -> memref<1x1x128x128xf32, #tpu.memory_space<vmem>>
          %dma_start3A_196 = tpu.memref_squeeze %dma_start3A_195 : memref<1x1x128x128xf32, #tpu.memory_space<vmem>> -> memref<128x128xf32, #tpu.memory_space<vmem>>
          %dma_start3A_197 = arith.constant 0 : i32
          %dma_start3A_198 = tpu.memref_slice %arg5[%add3A_189, %dma_start3A_197] : memref<40x128xi32, #tpu.memory_space<vmem>> -> memref<1x128xi32, #tpu.memory_space<vmem>>
          %dma_start3A_199 = tpu.memref_squeeze %dma_start3A_198 : memref<1x128xi32, #tpu.memory_space<vmem>> -> memref<128xi32, #tpu.memory_space<vmem>>
          %dma_start3A_200 = arith.constant 0 : i32
          %dma_start3A_201 = arith.constant 0 : i32
          %dma_start3A_202 = tpu.memref_slice %arg2[%dma_start3A_200, %dma_start3A_201] : memref<10000x128xf32, #tpu.memory_space<hbm>> -> memref<10000x128xf32, #tpu.memory_space<hbm>>
          %dma_start3A_203 = tpu.memref_slice %arg7[%dma_start3A_192] : memref<2x!tpu.dma_semaphore, #tpu.memory_space<semaphore_mem>> -> memref<1x!tpu.dma_semaphore, #tpu.memory_space<semaphore_mem>>
          %dma_start3A_204 = tpu.memref_squeeze %dma_start3A_203 : memref<1x!tpu.dma_semaphore, #tpu.memory_space<semaphore_mem>> -> memref<!tpu.dma_semaphore, #tpu.memory_space<semaphore_mem>>
          tpu.enqueue_indirect_dma source(%dma_start3A_202 : memref<10000x128xf32, #tpu.memory_space<hbm>>) target(%dma_start3A_196 : memref<128x128xf32, #tpu.memory_space<vmem>>) offsets(%dma_start3A_199 : memref<128xi32, #tpu.memory_space<vmem>>) semaphore(%dma_start3A_204 : memref<!tpu.dma_semaphore, #tpu.memory_space<semaphore_mem>>)
        } else {
        }
        %mul3A_116 = arith.constant 2 : i32
        %mul3A_117 = arith.muli %mul3A_116, %add3A_57 : i32
        %add3A_118 = arith.addi %mul3A_2, %mul3A_117 : i32
        %add3A_119 = arith.constant 0 : i32
        %add3A_120 = arith.addi %add3A_118, %add3A_119 : i32
        %mul3A_121 = arith.constant 128 : i32
        %mul3A_122 = arith.muli %add3A_120, %mul3A_121 : i32
        %dma_start3A = arith.constant 0 : i32
        %dma_start3A_123 = arith.constant 0 : i32
        %dma_start3A_124 = arith.constant 0 : i32
        %dma_start3A_125 = arith.constant 0 : i32
        %dma_start3A_126 = arith.constant 0 : i32
        %dma_start3A_127 = tpu.memref_slice %arg6[%dma_start3A, %dma_start3A_123, %dma_start3A_125, %dma_start3A_126] : memref<2x2x128x128xf32, #tpu.memory_space<vmem>> -> memref<1x1x128x128xf32, #tpu.memory_space<vmem>>
        %dma_start3A_128 = tpu.memref_squeeze %dma_start3A_127 : memref<1x1x128x128xf32, #tpu.memory_space<vmem>> -> memref<128x128xf32, #tpu.memory_space<vmem>>
        %dma_start3A_129 = arith.constant 0 : i32
        %dma_start3A_130 = tpu.memref_slice %arg4[%mul3A_122, %dma_start3A_129] : memref<160000x128xf32, #tpu.memory_space<hbm>> -> memref<128x128xf32, #tpu.memory_space<hbm>>
        %dma_start3A_131 = tpu.memref_slice %arg8[%dma_start3A_124] : memref<2x!tpu.dma_semaphore, #tpu.memory_space<semaphore_mem>> -> memref<1x!tpu.dma_semaphore, #tpu.memory_space<semaphore_mem>>
        %dma_start3A_132 = tpu.memref_squeeze %dma_start3A_131 : memref<1x!tpu.dma_semaphore, #tpu.memory_space<semaphore_mem>> -> memref<!tpu.dma_semaphore, #tpu.memory_space<semaphore_mem>>
        %dma_start3A_133 = arith.constant 0 : i32
        %dma_start3A_134 = tpu.memref_slice %arg4[%mul3A_122, %dma_start3A_133] : memref<160000x128xf32, #tpu.memory_space<hbm>> -> memref<128x128xf32, #tpu.memory_space<hbm>>
        %dma_start3A_135 = arith.constant 0 : i32
        %dma_start3A_136 = arith.constant 0 : i32
        %dma_start3A_137 = tpu.memref_slice %arg6[%dma_start3A, %dma_start3A_123, %dma_start3A_135, %dma_start3A_136] : memref<2x2x128x128xf32, #tpu.memory_space<vmem>> -> memref<1x1x128x128xf32, #tpu.memory_space<vmem>>
        %dma_start3A_138 = tpu.memref_squeeze %dma_start3A_137 : memref<1x1x128x128xf32, #tpu.memory_space<vmem>> -> memref<128x128xf32, #tpu.memory_space<vmem>>
        tpu.enqueue_dma source(%dma_start3A_138 : memref<128x128xf32, #tpu.memory_space<vmem>>) target(%dma_start3A_134 : memref<128x128xf32, #tpu.memory_space<hbm>>) target_semaphore(%dma_start3A_132 : memref<!tpu.dma_semaphore, #tpu.memory_space<semaphore_mem>>)
        %mul3A_139 = arith.constant 2 : i32
        %mul3A_140 = arith.muli %mul3A_139, %add3A_57 : i32
        %add3A_141 = arith.addi %mul3A_2, %mul3A_140 : i32
        %add3A_142 = arith.constant 1 : i32
        %add3A_143 = arith.addi %add3A_141, %add3A_142 : i32
        %mul3A_144 = arith.constant 128 : i32
        %mul3A_145 = arith.muli %add3A_143, %mul3A_144 : i32
        %dma_start3A_146 = arith.constant 0 : i32
        %dma_start3A_147 = arith.constant 1 : i32
        %dma_start3A_148 = arith.constant 0 : i32
        %dma_start3A_149 = arith.constant 0 : i32
        %dma_start3A_150 = arith.constant 0 : i32
        %dma_start3A_151 = tpu.memref_slice %arg6[%dma_start3A_146, %dma_start3A_147, %dma_start3A_149, %dma_start3A_150] : memref<2x2x128x128xf32, #tpu.memory_space<vmem>> -> memref<1x1x128x128xf32, #tpu.memory_space<vmem>>
        %dma_start3A_152 = tpu.memref_squeeze %dma_start3A_151 : memref<1x1x128x128xf32, #tpu.memory_space<vmem>> -> memref<128x128xf32, #tpu.memory_space<vmem>>
        %dma_start3A_153 = arith.constant 0 : i32
        %dma_start3A_154 = tpu.memref_slice %arg4[%mul3A_145, %dma_start3A_153] : memref<160000x128xf32, #tpu.memory_space<hbm>> -> memref<128x128xf32, #tpu.memory_space<hbm>>
        %dma_start3A_155 = tpu.memref_slice %arg8[%dma_start3A_148] : memref<2x!tpu.dma_semaphore, #tpu.memory_space<semaphore_mem>> -> memref<1x!tpu.dma_semaphore, #tpu.memory_space<semaphore_mem>>
        %dma_start3A_156 = tpu.memref_squeeze %dma_start3A_155 : memref<1x!tpu.dma_semaphore, #tpu.memory_space<semaphore_mem>> -> memref<!tpu.dma_semaphore, #tpu.memory_space<semaphore_mem>>
        %dma_start3A_157 = arith.constant 0 : i32
        %dma_start3A_158 = tpu.memref_slice %arg4[%mul3A_145, %dma_start3A_157] : memref<160000x128xf32, #tpu.memory_space<hbm>> -> memref<128x128xf32, #tpu.memory_space<hbm>>
        %dma_start3A_159 = arith.constant 0 : i32
        %dma_start3A_160 = arith.constant 0 : i32
        %dma_start3A_161 = tpu.memref_slice %arg6[%dma_start3A_146, %dma_start3A_147, %dma_start3A_159, %dma_start3A_160] : memref<2x2x128x128xf32, #tpu.memory_space<vmem>> -> memref<1x1x128x128xf32, #tpu.memory_space<vmem>>
        %dma_start3A_162 = tpu.memref_squeeze %dma_start3A_161 : memref<1x1x128x128xf32, #tpu.memory_space<vmem>> -> memref<128x128xf32, #tpu.memory_space<vmem>>
        tpu.enqueue_dma source(%dma_start3A_162 : memref<128x128xf32, #tpu.memory_space<vmem>>) target(%dma_start3A_158 : memref<128x128xf32, #tpu.memory_space<hbm>>) target_semaphore(%dma_start3A_156 : memref<!tpu.dma_semaphore, #tpu.memory_space<semaphore_mem>>)
      } else {
      }
      %mul3A_61 = arith.constant 2 : i32
      %mul3A_62 = arith.muli %mul3A_61, %scan3A_53 : i32
      %add3A_63 = arith.constant 1 : i32
      %add3A_64 = arith.addi %mul3A_62, %add3A_63 : i32
      %lt3A_65 = arith.cmpi slt, %add3A_64, %select_n3A : i32
      %convert_element_type3A_66 = arith.extui %lt3A_65 : i1 to i32
      %cond3A_67 = arith.constant 0 : i32
      %cond3A_68 = arith.cmpi ne, %convert_element_type3A_66, %cond3A_67 : i32
      scf.if %cond3A_68 {
        %mul3A_69 = arith.constant 2 : i32
        %mul3A_70 = arith.muli %mul3A_69, %add3A_64 : i32
        %add3A_71 = arith.constant 0 : i32
        %add3A_72 = arith.addi %mul3A_70, %add3A_71 : i32
        %dma_wait3A = arith.constant 1 : i32
        %dma_wait3A_73 = arith.constant 0 : i32
        %dma_wait3A_74 = arith.constant 1 : i32
        %dma_wait3A_75 = arith.constant 0 : i32
        %dma_wait3A_76 = arith.constant 0 : i32
        %dma_wait3A_77 = tpu.memref_slice %arg6[%dma_wait3A, %dma_wait3A_73, %dma_wait3A_75, %dma_wait3A_76] : memref<2x2x128x128xf32, #tpu.memory_space<vmem>> -> memref<1x1x128x128xf32, #tpu.memory_space<vmem>>
        %dma_wait3A_78 = tpu.memref_squeeze %dma_wait3A_77 : memref<1x1x128x128xf32, #tpu.memory_space<vmem>> -> memref<128x128xf32, #tpu.memory_space<vmem>>
        %dma_wait3A_79 = arith.constant 0 : i32
        %dma_wait3A_80 = tpu.memref_slice %arg5[%add3A_72, %dma_wait3A_79] : memref<40x128xi32, #tpu.memory_space<vmem>> -> memref<1x128xi32, #tpu.memory_space<vmem>>
        %dma_wait3A_81 = tpu.memref_squeeze %dma_wait3A_80 : memref<1x128xi32, #tpu.memory_space<vmem>> -> memref<128xi32, #tpu.memory_space<vmem>>
        %dma_wait3A_82 = arith.constant 0 : i32
        %dma_wait3A_83 = arith.constant 0 : i32
        %dma_wait3A_84 = tpu.memref_slice %arg2[%dma_wait3A_82, %dma_wait3A_83] : memref<10000x128xf32, #tpu.memory_space<hbm>> -> memref<10000x128xf32, #tpu.memory_space<hbm>>
        %dma_wait3A_85 = tpu.memref_slice %arg7[%dma_wait3A_74] : memref<2x!tpu.dma_semaphore, #tpu.memory_space<semaphore_mem>> -> memref<1x!tpu.dma_semaphore, #tpu.memory_space<semaphore_mem>>
        %dma_wait3A_86 = tpu.memref_squeeze %dma_wait3A_85 : memref<1x!tpu.dma_semaphore, #tpu.memory_space<semaphore_mem>> -> memref<!tpu.dma_semaphore, #tpu.memory_space<semaphore_mem>>
        tpu.wait_indirect_dma semaphore(%dma_wait3A_86 : memref<!tpu.dma_semaphore, #tpu.memory_space<semaphore_mem>>) src(%dma_wait3A_84 : memref<10000x128xf32, #tpu.memory_space<hbm>>) dst(%dma_wait3A_78 : memref<128x128xf32, #tpu.memory_space<vmem>>)
        %mul3A_87 = arith.constant 2 : i32
        %mul3A_88 = arith.muli %mul3A_87, %add3A_64 : i32
        %add3A_89 = arith.constant 1 : i32
        %add3A_90 = arith.addi %mul3A_88, %add3A_89 : i32
        %dma_wait3A_91 = arith.constant 1 : i32
        %dma_wait3A_92 = arith.constant 1 : i32
        %dma_wait3A_93 = arith.constant 1 : i32
        %dma_wait3A_94 = arith.constant 0 : i32
        %dma_wait3A_95 = arith.constant 0 : i32
        %dma_wait3A_96 = tpu.memref_slice %arg6[%dma_wait3A_91, %dma_wait3A_92, %dma_wait3A_94, %dma_wait3A_95] : memref<2x2x128x128xf32, #tpu.memory_space<vmem>> -> memref<1x1x128x128xf32, #tpu.memory_space<vmem>>
        %dma_wait3A_97 = tpu.memref_squeeze %dma_wait3A_96 : memref<1x1x128x128xf32, #tpu.memory_space<vmem>> -> memref<128x128xf32, #tpu.memory_space<vmem>>
        %dma_wait3A_98 = arith.constant 0 : i32
        %dma_wait3A_99 = tpu.memref_slice %arg5[%add3A_90, %dma_wait3A_98] : memref<40x128xi32, #tpu.memory_space<vmem>> -> memref<1x128xi32, #tpu.memory_space<vmem>>
        %dma_wait3A_100 = tpu.memref_squeeze %dma_wait3A_99 : memref<1x128xi32, #tpu.memory_space<vmem>> -> memref<128xi32, #tpu.memory_space<vmem>>
        %dma_wait3A_101 = arith.constant 0 : i32
        %dma_wait3A_102 = arith.constant 0 : i32
        %dma_wait3A_103 = tpu.memref_slice %arg2[%dma_wait3A_101, %dma_wait3A_102] : memref<10000x128xf32, #tpu.memory_space<hbm>> -> memref<10000x128xf32, #tpu.memory_space<hbm>>
        %dma_wait3A_104 = tpu.memref_slice %arg7[%dma_wait3A_93] : memref<2x!tpu.dma_semaphore, #tpu.memory_space<semaphore_mem>> -> memref<1x!tpu.dma_semaphore, #tpu.memory_space<semaphore_mem>>
        %dma_wait3A_105 = tpu.memref_squeeze %dma_wait3A_104 : memref<1x!tpu.dma_semaphore, #tpu.memory_space<semaphore_mem>> -> memref<!tpu.dma_semaphore, #tpu.memory_space<semaphore_mem>>
        tpu.wait_indirect_dma semaphore(%dma_wait3A_105 : memref<!tpu.dma_semaphore, #tpu.memory_space<semaphore_mem>>) src(%dma_wait3A_103 : memref<10000x128xf32, #tpu.memory_space<hbm>>) dst(%dma_wait3A_97 : memref<128x128xf32, #tpu.memory_space<vmem>>)
        %ge3A = arith.constant 1 : i32
        %ge3A_106 = arith.cmpi sge, %add3A_64, %ge3A : i32
        %convert_element_type3A_107 = arith.extui %ge3A_106 : i1 to i32
        %cond3A_108 = arith.constant 0 : i32
        %cond3A_109 = arith.cmpi ne, %convert_element_type3A_107, %cond3A_108 : i32
        scf.if %cond3A_109 {
          %sub3A_163 = arith.constant 1 : i32
          %sub3A_164 = arith.subi %add3A_64, %sub3A_163 : i32
          %mul3A_165 = arith.constant 2 : i32
          %mul3A_166 = arith.muli %mul3A_165, %sub3A_164 : i32
          %add3A_167 = arith.addi %mul3A_2, %mul3A_166 : i32
          %add3A_168 = arith.constant 0 : i32
          %add3A_169 = arith.addi %add3A_167, %add3A_168 : i32
          %mul3A_170 = arith.constant 128 : i32
          %mul3A_171 = arith.muli %add3A_169, %mul3A_170 : i32
          %dma_wait3A_172 = arith.constant 0 : i32
          %dma_wait3A_173 = arith.constant 0 : i32
          %dma_wait3A_174 = arith.constant 0 : i32
          %dma_wait3A_175 = arith.constant 0 : i32
          %dma_wait3A_176 = arith.constant 0 : i32
          %dma_wait3A_177 = tpu.memref_slice %arg6[%dma_wait3A_172, %dma_wait3A_173, %dma_wait3A_175, %dma_wait3A_176] : memref<2x2x128x128xf32, #tpu.memory_space<vmem>> -> memref<1x1x128x128xf32, #tpu.memory_space<vmem>>
          %dma_wait3A_178 = tpu.memref_squeeze %dma_wait3A_177 : memref<1x1x128x128xf32, #tpu.memory_space<vmem>> -> memref<128x128xf32, #tpu.memory_space<vmem>>
          %dma_wait3A_179 = arith.constant 0 : i32
          %dma_wait3A_180 = tpu.memref_slice %arg4[%mul3A_171, %dma_wait3A_179] : memref<160000x128xf32, #tpu.memory_space<hbm>> -> memref<128x128xf32, #tpu.memory_space<hbm>>
          %dma_wait3A_181 = tpu.memref_slice %arg8[%dma_wait3A_174] : memref<2x!tpu.dma_semaphore, #tpu.memory_space<semaphore_mem>> -> memref<1x!tpu.dma_semaphore, #tpu.memory_space<semaphore_mem>>
          %dma_wait3A_182 = tpu.memref_squeeze %dma_wait3A_181 : memref<1x!tpu.dma_semaphore, #tpu.memory_space<semaphore_mem>> -> memref<!tpu.dma_semaphore, #tpu.memory_space<semaphore_mem>>
          %dma_wait3A_183 = arith.constant 0 : i32
          %dma_wait3A_184 = tpu.memref_slice %arg4[%mul3A_171, %dma_wait3A_183] : memref<160000x128xf32, #tpu.memory_space<hbm>> -> memref<128x128xf32, #tpu.memory_space<hbm>>
          %dma_wait3A_185 = arith.constant 0 : i32
          %dma_wait3A_186 = arith.constant 0 : i32
          %dma_wait3A_187 = tpu.memref_slice %arg6[%dma_wait3A_172, %dma_wait3A_173, %dma_wait3A_185, %dma_wait3A_186] : memref<2x2x128x128xf32, #tpu.memory_space<vmem>> -> memref<1x1x128x128xf32, #tpu.memory_space<vmem>>
          %dma_wait3A_188 = tpu.memref_squeeze %dma_wait3A_187 : memref<1x1x128x128xf32, #tpu.memory_space<vmem>> -> memref<128x128xf32, #tpu.memory_space<vmem>>
          tpu.wait_dma2 semaphore(%dma_wait3A_182 : memref<!tpu.dma_semaphore, #tpu.memory_space<semaphore_mem>>) src(%dma_wait3A_188 : memref<128x128xf32, #tpu.memory_space<vmem>>) dst(%dma_wait3A_184 : memref<128x128xf32, #tpu.memory_space<hbm>>)
          %sub3A_189 = arith.constant 1 : i32
          %sub3A_190 = arith.subi %add3A_64, %sub3A_189 : i32
          %mul3A_191 = arith.constant 2 : i32
          %mul3A_192 = arith.muli %mul3A_191, %sub3A_190 : i32
          %add3A_193 = arith.addi %mul3A_2, %mul3A_192 : i32
          %add3A_194 = arith.constant 1 : i32
          %add3A_195 = arith.addi %add3A_193, %add3A_194 : i32
          %mul3A_196 = arith.constant 128 : i32
          %mul3A_197 = arith.muli %add3A_195, %mul3A_196 : i32
          %dma_wait3A_198 = arith.constant 0 : i32
          %dma_wait3A_199 = arith.constant 1 : i32
          %dma_wait3A_200 = arith.constant 0 : i32
          %dma_wait3A_201 = arith.constant 0 : i32
          %dma_wait3A_202 = arith.constant 0 : i32
          %dma_wait3A_203 = tpu.memref_slice %arg6[%dma_wait3A_198, %dma_wait3A_199, %dma_wait3A_201, %dma_wait3A_202] : memref<2x2x128x128xf32, #tpu.memory_space<vmem>> -> memref<1x1x128x128xf32, #tpu.memory_space<vmem>>
          %dma_wait3A_204 = tpu.memref_squeeze %dma_wait3A_203 : memref<1x1x128x128xf32, #tpu.memory_space<vmem>> -> memref<128x128xf32, #tpu.memory_space<vmem>>
          %dma_wait3A_205 = arith.constant 0 : i32
          %dma_wait3A_206 = tpu.memref_slice %arg4[%mul3A_197, %dma_wait3A_205] : memref<160000x128xf32, #tpu.memory_space<hbm>> -> memref<128x128xf32, #tpu.memory_space<hbm>>
          %dma_wait3A_207 = tpu.memref_slice %arg8[%dma_wait3A_200] : memref<2x!tpu.dma_semaphore, #tpu.memory_space<semaphore_mem>> -> memref<1x!tpu.dma_semaphore, #tpu.memory_space<semaphore_mem>>
          %dma_wait3A_208 = tpu.memref_squeeze %dma_wait3A_207 : memref<1x!tpu.dma_semaphore, #tpu.memory_space<semaphore_mem>> -> memref<!tpu.dma_semaphore, #tpu.memory_space<semaphore_mem>>
          %dma_wait3A_209 = arith.constant 0 : i32
          %dma_wait3A_210 = tpu.memref_slice %arg4[%mul3A_197, %dma_wait3A_209] : memref<160000x128xf32, #tpu.memory_space<hbm>> -> memref<128x128xf32, #tpu.memory_space<hbm>>
          %dma_wait3A_211 = arith.constant 0 : i32
          %dma_wait3A_212 = arith.constant 0 : i32
          %dma_wait3A_213 = tpu.memref_slice %arg6[%dma_wait3A_198, %dma_wait3A_199, %dma_wait3A_211, %dma_wait3A_212] : memref<2x2x128x128xf32, #tpu.memory_space<vmem>> -> memref<1x1x128x128xf32, #tpu.memory_space<vmem>>
          %dma_wait3A_214 = tpu.memref_squeeze %dma_wait3A_213 : memref<1x1x128x128xf32, #tpu.memory_space<vmem>> -> memref<128x128xf32, #tpu.memory_space<vmem>>
          tpu.wait_dma2 semaphore(%dma_wait3A_208 : memref<!tpu.dma_semaphore, #tpu.memory_space<semaphore_mem>>) src(%dma_wait3A_214 : memref<128x128xf32, #tpu.memory_space<vmem>>) dst(%dma_wait3A_210 : memref<128x128xf32, #tpu.memory_space<hbm>>)
        } else {
        }
        %add3A_110 = arith.constant 1 : i32
        %add3A_111 = arith.addi %add3A_64, %add3A_110 : i32
        %lt3A_112 = arith.cmpi slt, %add3A_111, %select_n3A : i32
        %convert_element_type3A_113 = arith.extui %lt3A_112 : i1 to i32
        %cond3A_114 = arith.constant 0 : i32
        %cond3A_115 = arith.cmpi ne, %convert_element_type3A_113, %cond3A_114 : i32
        scf.if %cond3A_115 {
          %add3A_163 = arith.constant 1 : i32
          %add3A_164 = arith.addi %add3A_64, %add3A_163 : i32
          %mul3A_165 = arith.constant 2 : i32
          %mul3A_166 = arith.muli %mul3A_165, %add3A_164 : i32
          %add3A_167 = arith.constant 0 : i32
          %add3A_168 = arith.addi %mul3A_166, %add3A_167 : i32
          %dma_start3A_169 = arith.constant 0 : i32
          %dma_start3A_170 = arith.constant 0 : i32
          %dma_start3A_171 = arith.constant 0 : i32
          %dma_start3A_172 = arith.constant 0 : i32
          %dma_start3A_173 = arith.constant 0 : i32
          %dma_start3A_174 = tpu.memref_slice %arg6[%dma_start3A_169, %dma_start3A_170, %dma_start3A_172, %dma_start3A_173] : memref<2x2x128x128xf32, #tpu.memory_space<vmem>> -> memref<1x1x128x128xf32, #tpu.memory_space<vmem>>
          %dma_start3A_175 = tpu.memref_squeeze %dma_start3A_174 : memref<1x1x128x128xf32, #tpu.memory_space<vmem>> -> memref<128x128xf32, #tpu.memory_space<vmem>>
          %dma_start3A_176 = arith.constant 0 : i32
          %dma_start3A_177 = tpu.memref_slice %arg5[%add3A_168, %dma_start3A_176] : memref<40x128xi32, #tpu.memory_space<vmem>> -> memref<1x128xi32, #tpu.memory_space<vmem>>
          %dma_start3A_178 = tpu.memref_squeeze %dma_start3A_177 : memref<1x128xi32, #tpu.memory_space<vmem>> -> memref<128xi32, #tpu.memory_space<vmem>>
          %dma_start3A_179 = arith.constant 0 : i32
          %dma_start3A_180 = arith.constant 0 : i32
          %dma_start3A_181 = tpu.memref_slice %arg2[%dma_start3A_179, %dma_start3A_180] : memref<10000x128xf32, #tpu.memory_space<hbm>> -> memref<10000x128xf32, #tpu.memory_space<hbm>>
          %dma_start3A_182 = tpu.memref_slice %arg7[%dma_start3A_171] : memref<2x!tpu.dma_semaphore, #tpu.memory_space<semaphore_mem>> -> memref<1x!tpu.dma_semaphore, #tpu.memory_space<semaphore_mem>>
          %dma_start3A_183 = tpu.memref_squeeze %dma_start3A_182 : memref<1x!tpu.dma_semaphore, #tpu.memory_space<semaphore_mem>> -> memref<!tpu.dma_semaphore, #tpu.memory_space<semaphore_mem>>
          tpu.enqueue_indirect_dma source(%dma_start3A_181 : memref<10000x128xf32, #tpu.memory_space<hbm>>) target(%dma_start3A_175 : memref<128x128xf32, #tpu.memory_space<vmem>>) offsets(%dma_start3A_178 : memref<128xi32, #tpu.memory_space<vmem>>) semaphore(%dma_start3A_183 : memref<!tpu.dma_semaphore, #tpu.memory_space<semaphore_mem>>)
          %add3A_184 = arith.constant 1 : i32
          %add3A_185 = arith.addi %add3A_64, %add3A_184 : i32
          %mul3A_186 = arith.constant 2 : i32
          %mul3A_187 = arith.muli %mul3A_186, %add3A_185 : i32
          %add3A_188 = arith.constant 1 : i32
          %add3A_189 = arith.addi %mul3A_187, %add3A_188 : i32
          %dma_start3A_190 = arith.constant 0 : i32
          %dma_start3A_191 = arith.constant 1 : i32
          %dma_start3A_192 = arith.constant 0 : i32
          %dma_start3A_193 = arith.constant 0 : i32
          %dma_start3A_194 = arith.constant 0 : i32
          %dma_start3A_195 = tpu.memref_slice %arg6[%dma_start3A_190, %dma_start3A_191, %dma_start3A_193, %dma_start3A_194] : memref<2x2x128x128xf32, #tpu.memory_space<vmem>> -> memref<1x1x128x128xf32, #tpu.memory_space<vmem>>
          %dma_start3A_196 = tpu.memref_squeeze %dma_start3A_195 : memref<1x1x128x128xf32, #tpu.memory_space<vmem>> -> memref<128x128xf32, #tpu.memory_space<vmem>>
          %dma_start3A_197 = arith.constant 0 : i32
          %dma_start3A_198 = tpu.memref_slice %arg5[%add3A_189, %dma_start3A_197] : memref<40x128xi32, #tpu.memory_space<vmem>> -> memref<1x128xi32, #tpu.memory_space<vmem>>
          %dma_start3A_199 = tpu.memref_squeeze %dma_start3A_198 : memref<1x128xi32, #tpu.memory_space<vmem>> -> memref<128xi32, #tpu.memory_space<vmem>>
          %dma_start3A_200 = arith.constant 0 : i32
          %dma_start3A_201 = arith.constant 0 : i32
          %dma_start3A_202 = tpu.memref_slice %arg2[%dma_start3A_200, %dma_start3A_201] : memref<10000x128xf32, #tpu.memory_space<hbm>> -> memref<10000x128xf32, #tpu.memory_space<hbm>>
          %dma_start3A_203 = tpu.memref_slice %arg7[%dma_start3A_192] : memref<2x!tpu.dma_semaphore, #tpu.memory_space<semaphore_mem>> -> memref<1x!tpu.dma_semaphore, #tpu.memory_space<semaphore_mem>>
          %dma_start3A_204 = tpu.memref_squeeze %dma_start3A_203 : memref<1x!tpu.dma_semaphore, #tpu.memory_space<semaphore_mem>> -> memref<!tpu.dma_semaphore, #tpu.memory_space<semaphore_mem>>
          tpu.enqueue_indirect_dma source(%dma_start3A_202 : memref<10000x128xf32, #tpu.memory_space<hbm>>) target(%dma_start3A_196 : memref<128x128xf32, #tpu.memory_space<vmem>>) offsets(%dma_start3A_199 : memref<128xi32, #tpu.memory_space<vmem>>) semaphore(%dma_start3A_204 : memref<!tpu.dma_semaphore, #tpu.memory_space<semaphore_mem>>)
        } else {
        }
        %mul3A_116 = arith.constant 2 : i32
        %mul3A_117 = arith.muli %mul3A_116, %add3A_64 : i32
        %add3A_118 = arith.addi %mul3A_2, %mul3A_117 : i32
        %add3A_119 = arith.constant 0 : i32
        %add3A_120 = arith.addi %add3A_118, %add3A_119 : i32
        %mul3A_121 = arith.constant 128 : i32
        %mul3A_122 = arith.muli %add3A_120, %mul3A_121 : i32
        %dma_start3A = arith.constant 1 : i32
        %dma_start3A_123 = arith.constant 0 : i32
        %dma_start3A_124 = arith.constant 1 : i32
        %dma_start3A_125 = arith.constant 0 : i32
        %dma_start3A_126 = arith.constant 0 : i32
        %dma_start3A_127 = tpu.memref_slice %arg6[%dma_start3A, %dma_start3A_123, %dma_start3A_125, %dma_start3A_126] : memref<2x2x128x128xf32, #tpu.memory_space<vmem>> -> memref<1x1x128x128xf32, #tpu.memory_space<vmem>>
        %dma_start3A_128 = tpu.memref_squeeze %dma_start3A_127 : memref<1x1x128x128xf32, #tpu.memory_space<vmem>> -> memref<128x128xf32, #tpu.memory_space<vmem>>
        %dma_start3A_129 = arith.constant 0 : i32
        %dma_start3A_130 = tpu.memref_slice %arg4[%mul3A_122, %dma_start3A_129] : memref<160000x128xf32, #tpu.memory_space<hbm>> -> memref<128x128xf32, #tpu.memory_space<hbm>>
        %dma_start3A_131 = tpu.memref_slice %arg8[%dma_start3A_124] : memref<2x!tpu.dma_semaphore, #tpu.memory_space<semaphore_mem>> -> memref<1x!tpu.dma_semaphore, #tpu.memory_space<semaphore_mem>>
        %dma_start3A_132 = tpu.memref_squeeze %dma_start3A_131 : memref<1x!tpu.dma_semaphore, #tpu.memory_space<semaphore_mem>> -> memref<!tpu.dma_semaphore, #tpu.memory_space<semaphore_mem>>
        %dma_start3A_133 = arith.constant 0 : i32
        %dma_start3A_134 = tpu.memref_slice %arg4[%mul3A_122, %dma_start3A_133] : memref<160000x128xf32, #tpu.memory_space<hbm>> -> memref<128x128xf32, #tpu.memory_space<hbm>>
        %dma_start3A_135 = arith.constant 0 : i32
        %dma_start3A_136 = arith.constant 0 : i32
        %dma_start3A_137 = tpu.memref_slice %arg6[%dma_start3A, %dma_start3A_123, %dma_start3A_135, %dma_start3A_136] : memref<2x2x128x128xf32, #tpu.memory_space<vmem>> -> memref<1x1x128x128xf32, #tpu.memory_space<vmem>>
        %dma_start3A_138 = tpu.memref_squeeze %dma_start3A_137 : memref<1x1x128x128xf32, #tpu.memory_space<vmem>> -> memref<128x128xf32, #tpu.memory_space<vmem>>
        tpu.enqueue_dma source(%dma_start3A_138 : memref<128x128xf32, #tpu.memory_space<vmem>>) target(%dma_start3A_134 : memref<128x128xf32, #tpu.memory_space<hbm>>) target_semaphore(%dma_start3A_132 : memref<!tpu.dma_semaphore, #tpu.memory_space<semaphore_mem>>)
        %mul3A_139 = arith.constant 2 : i32
        %mul3A_140 = arith.muli %mul3A_139, %add3A_64 : i32
        %add3A_141 = arith.addi %mul3A_2, %mul3A_140 : i32
        %add3A_142 = arith.constant 1 : i32
        %add3A_143 = arith.addi %add3A_141, %add3A_142 : i32
        %mul3A_144 = arith.constant 128 : i32
        %mul3A_145 = arith.muli %add3A_143, %mul3A_144 : i32
        %dma_start3A_146 = arith.constant 1 : i32
        %dma_start3A_147 = arith.constant 1 : i32
        %dma_start3A_148 = arith.constant 1 : i32
        %dma_start3A_149 = arith.constant 0 : i32
        %dma_start3A_150 = arith.constant 0 : i32
        %dma_start3A_151 = tpu.memref_slice %arg6[%dma_start3A_146, %dma_start3A_147, %dma_start3A_149, %dma_start3A_150] : memref<2x2x128x128xf32, #tpu.memory_space<vmem>> -> memref<1x1x128x128xf32, #tpu.memory_space<vmem>>
        %dma_start3A_152 = tpu.memref_squeeze %dma_start3A_151 : memref<1x1x128x128xf32, #tpu.memory_space<vmem>> -> memref<128x128xf32, #tpu.memory_space<vmem>>
        %dma_start3A_153 = arith.constant 0 : i32
        %dma_start3A_154 = tpu.memref_slice %arg4[%mul3A_145, %dma_start3A_153] : memref<160000x128xf32, #tpu.memory_space<hbm>> -> memref<128x128xf32, #tpu.memory_space<hbm>>
        %dma_start3A_155 = tpu.memref_slice %arg8[%dma_start3A_148] : memref<2x!tpu.dma_semaphore, #tpu.memory_space<semaphore_mem>> -> memref<1x!tpu.dma_semaphore, #tpu.memory_space<semaphore_mem>>
        %dma_start3A_156 = tpu.memref_squeeze %dma_start3A_155 : memref<1x!tpu.dma_semaphore, #tpu.memory_space<semaphore_mem>> -> memref<!tpu.dma_semaphore, #tpu.memory_space<semaphore_mem>>
        %dma_start3A_157 = arith.constant 0 : i32
        %dma_start3A_158 = tpu.memref_slice %arg4[%mul3A_145, %dma_start3A_157] : memref<160000x128xf32, #tpu.memory_space<hbm>> -> memref<128x128xf32, #tpu.memory_space<hbm>>
        %dma_start3A_159 = arith.constant 0 : i32
        %dma_start3A_160 = arith.constant 0 : i32
        %dma_start3A_161 = tpu.memref_slice %arg6[%dma_start3A_146, %dma_start3A_147, %dma_start3A_159, %dma_start3A_160] : memref<2x2x128x128xf32, #tpu.memory_space<vmem>> -> memref<1x1x128x128xf32, #tpu.memory_space<vmem>>
        %dma_start3A_162 = tpu.memref_squeeze %dma_start3A_161 : memref<1x1x128x128xf32, #tpu.memory_space<vmem>> -> memref<128x128xf32, #tpu.memory_space<vmem>>
        tpu.enqueue_dma source(%dma_start3A_162 : memref<128x128xf32, #tpu.memory_space<vmem>>) target(%dma_start3A_158 : memref<128x128xf32, #tpu.memory_space<hbm>>) target_semaphore(%dma_start3A_156 : memref<!tpu.dma_semaphore, #tpu.memory_space<semaphore_mem>>)
      } else {
      }
    }
    %scan3A_29 = arith.constant 10 : i32
    %gt3A_30 = arith.constant 0 : i32
    %gt3A_31 = arith.cmpi sgt, %select_n3A, %gt3A_30 : i32
    %sub3A_32 = arith.constant 1 : i32
    %sub3A_33 = arith.subi %select_n3A, %sub3A_32 : i32
    %rem3A_34 = arith.constant 2 : i32
    %rem3A_35 = arith.remsi %sub3A_33, %rem3A_34 : i32
    %eq3A = arith.constant 0 : i32
    %eq3A_36 = arith.cmpi eq, %rem3A_35, %eq3A : i32
    %and3A_37 = arith.andi %gt3A_31, %eq3A_36 : i1
    %convert_element_type3A_38 = arith.extui %and3A_37 : i1 to i32
    %cond3A_39 = arith.constant 0 : i32
    %cond3A_40 = arith.cmpi ne, %convert_element_type3A_38, %cond3A_39 : i32
    scf.if %cond3A_40 {
      %sub3A_53 = arith.constant 1 : i32
      %sub3A_54 = arith.subi %select_n3A, %sub3A_53 : i32
      %mul3A_55 = arith.constant 2 : i32
      %mul3A_56 = arith.muli %mul3A_55, %sub3A_54 : i32
      %add3A_57 = arith.addi %mul3A_2, %mul3A_56 : i32
      %add3A_58 = arith.constant 0 : i32
      %add3A_59 = arith.addi %add3A_57, %add3A_58 : i32
      %mul3A_60 = arith.constant 128 : i32
      %mul3A_61 = arith.muli %add3A_59, %mul3A_60 : i32
      %dma_wait3A = arith.constant 0 : i32
      %dma_wait3A_62 = arith.constant 0 : i32
      %dma_wait3A_63 = arith.constant 0 : i32
      %dma_wait3A_64 = arith.constant 0 : i32
      %dma_wait3A_65 = arith.constant 0 : i32
      %dma_wait3A_66 = tpu.memref_slice %arg6[%dma_wait3A, %dma_wait3A_62, %dma_wait3A_64, %dma_wait3A_65] : memref<2x2x128x128xf32, #tpu.memory_space<vmem>> -> memref<1x1x128x128xf32, #tpu.memory_space<vmem>>
      %dma_wait3A_67 = tpu.memref_squeeze %dma_wait3A_66 : memref<1x1x128x128xf32, #tpu.memory_space<vmem>> -> memref<128x128xf32, #tpu.memory_space<vmem>>
      %dma_wait3A_68 = arith.constant 0 : i32
      %dma_wait3A_69 = tpu.memref_slice %arg4[%mul3A_61, %dma_wait3A_68] : memref<160000x128xf32, #tpu.memory_space<hbm>> -> memref<128x128xf32, #tpu.memory_space<hbm>>
      %dma_wait3A_70 = tpu.memref_slice %arg8[%dma_wait3A_63] : memref<2x!tpu.dma_semaphore, #tpu.memory_space<semaphore_mem>> -> memref<1x!tpu.dma_semaphore, #tpu.memory_space<semaphore_mem>>
      %dma_wait3A_71 = tpu.memref_squeeze %dma_wait3A_70 : memref<1x!tpu.dma_semaphore, #tpu.memory_space<semaphore_mem>> -> memref<!tpu.dma_semaphore, #tpu.memory_space<semaphore_mem>>
      %dma_wait3A_72 = arith.constant 0 : i32
      %dma_wait3A_73 = tpu.memref_slice %arg4[%mul3A_61, %dma_wait3A_72] : memref<160000x128xf32, #tpu.memory_space<hbm>> -> memref<128x128xf32, #tpu.memory_space<hbm>>
      %dma_wait3A_74 = arith.constant 0 : i32
      %dma_wait3A_75 = arith.constant 0 : i32
      %dma_wait3A_76 = tpu.memref_slice %arg6[%dma_wait3A, %dma_wait3A_62, %dma_wait3A_74, %dma_wait3A_75] : memref<2x2x128x128xf32, #tpu.memory_space<vmem>> -> memref<1x1x128x128xf32, #tpu.memory_space<vmem>>
      %dma_wait3A_77 = tpu.memref_squeeze %dma_wait3A_76 : memref<1x1x128x128xf32, #tpu.memory_space<vmem>> -> memref<128x128xf32, #tpu.memory_space<vmem>>
      tpu.wait_dma2 semaphore(%dma_wait3A_71 : memref<!tpu.dma_semaphore, #tpu.memory_space<semaphore_mem>>) src(%dma_wait3A_77 : memref<128x128xf32, #tpu.memory_space<vmem>>) dst(%dma_wait3A_73 : memref<128x128xf32, #tpu.memory_space<hbm>>)
      %sub3A_78 = arith.constant 1 : i32
      %sub3A_79 = arith.subi %select_n3A, %sub3A_78 : i32
      %mul3A_80 = arith.constant 2 : i32
      %mul3A_81 = arith.muli %mul3A_80, %sub3A_79 : i32
      %add3A_82 = arith.addi %mul3A_2, %mul3A_81 : i32
      %add3A_83 = arith.constant 1 : i32
      %add3A_84 = arith.addi %add3A_82, %add3A_83 : i32
      %mul3A_85 = arith.constant 128 : i32
      %mul3A_86 = arith.muli %add3A_84, %mul3A_85 : i32
      %dma_wait3A_87 = arith.constant 0 : i32
      %dma_wait3A_88 = arith.constant 1 : i32
      %dma_wait3A_89 = arith.constant 0 : i32
      %dma_wait3A_90 = arith.constant 0 : i32
      %dma_wait3A_91 = arith.constant 0 : i32
      %dma_wait3A_92 = tpu.memref_slice %arg6[%dma_wait3A_87, %dma_wait3A_88, %dma_wait3A_90, %dma_wait3A_91] : memref<2x2x128x128xf32, #tpu.memory_space<vmem>> -> memref<1x1x128x128xf32, #tpu.memory_space<vmem>>
      %dma_wait3A_93 = tpu.memref_squeeze %dma_wait3A_92 : memref<1x1x128x128xf32, #tpu.memory_space<vmem>> -> memref<128x128xf32, #tpu.memory_space<vmem>>
      %dma_wait3A_94 = arith.constant 0 : i32
      %dma_wait3A_95 = tpu.memref_slice %arg4[%mul3A_86, %dma_wait3A_94] : memref<160000x128xf32, #tpu.memory_space<hbm>> -> memref<128x128xf32, #tpu.memory_space<hbm>>
      %dma_wait3A_96 = tpu.memref_slice %arg8[%dma_wait3A_89] : memref<2x!tpu.dma_semaphore, #tpu.memory_space<semaphore_mem>> -> memref<1x!tpu.dma_semaphore, #tpu.memory_space<semaphore_mem>>
      %dma_wait3A_97 = tpu.memref_squeeze %dma_wait3A_96 : memref<1x!tpu.dma_semaphore, #tpu.memory_space<semaphore_mem>> -> memref<!tpu.dma_semaphore, #tpu.memory_space<semaphore_mem>>
      %dma_wait3A_98 = arith.constant 0 : i32
      %dma_wait3A_99 = tpu.memref_slice %arg4[%mul3A_86, %dma_wait3A_98] : memref<160000x128xf32, #tpu.memory_space<hbm>> -> memref<128x128xf32, #tpu.memory_space<hbm>>
      %dma_wait3A_100 = arith.constant 0 : i32
      %dma_wait3A_101 = arith.constant 0 : i32
      %dma_wait3A_102 = tpu.memref_slice %arg6[%dma_wait3A_87, %dma_wait3A_88, %dma_wait3A_100, %dma_wait3A_101] : memref<2x2x128x128xf32, #tpu.memory_space<vmem>> -> memref<1x1x128x128xf32, #tpu.memory_space<vmem>>
      %dma_wait3A_103 = tpu.memref_squeeze %dma_wait3A_102 : memref<1x1x128x128xf32, #tpu.memory_space<vmem>> -> memref<128x128xf32, #tpu.memory_space<vmem>>
      tpu.wait_dma2 semaphore(%dma_wait3A_97 : memref<!tpu.dma_semaphore, #tpu.memory_space<semaphore_mem>>) src(%dma_wait3A_103 : memref<128x128xf32, #tpu.memory_space<vmem>>) dst(%dma_wait3A_99 : memref<128x128xf32, #tpu.memory_space<hbm>>)
    } else {
    }
    %gt3A_41 = arith.constant 0 : i32
    %gt3A_42 = arith.cmpi sgt, %select_n3A, %gt3A_41 : i32
    %sub3A_43 = arith.constant 1 : i32
    %sub3A_44 = arith.subi %select_n3A, %sub3A_43 : i32
    %rem3A_45 = arith.constant 2 : i32
    %rem3A_46 = arith.remsi %sub3A_44, %rem3A_45 : i32
    %eq3A_47 = arith.constant 1 : i32
    %eq3A_48 = arith.cmpi eq, %rem3A_46, %eq3A_47 : i32
    %and3A_49 = arith.andi %gt3A_42, %eq3A_48 : i1
    %convert_element_type3A_50 = arith.extui %and3A_49 : i1 to i32
    %cond3A_51 = arith.constant 0 : i32
    %cond3A_52 = arith.cmpi ne, %convert_element_type3A_50, %cond3A_51 : i32
    scf.if %cond3A_52 {
      %sub3A_53 = arith.constant 1 : i32
      %sub3A_54 = arith.subi %select_n3A, %sub3A_53 : i32
      %mul3A_55 = arith.constant 2 : i32
      %mul3A_56 = arith.muli %mul3A_55, %sub3A_54 : i32
      %add3A_57 = arith.addi %mul3A_2, %mul3A_56 : i32
      %add3A_58 = arith.constant 0 : i32
      %add3A_59 = arith.addi %add3A_57, %add3A_58 : i32
      %mul3A_60 = arith.constant 128 : i32
      %mul3A_61 = arith.muli %add3A_59, %mul3A_60 : i32
      %dma_wait3A = arith.constant 1 : i32
      %dma_wait3A_62 = arith.constant 0 : i32
      %dma_wait3A_63 = arith.constant 1 : i32
      %dma_wait3A_64 = arith.constant 0 : i32
      %dma_wait3A_65 = arith.constant 0 : i32
      %dma_wait3A_66 = tpu.memref_slice %arg6[%dma_wait3A, %dma_wait3A_62, %dma_wait3A_64, %dma_wait3A_65] : memref<2x2x128x128xf32, #tpu.memory_space<vmem>> -> memref<1x1x128x128xf32, #tpu.memory_space<vmem>>
      %dma_wait3A_67 = tpu.memref_squeeze %dma_wait3A_66 : memref<1x1x128x128xf32, #tpu.memory_space<vmem>> -> memref<128x128xf32, #tpu.memory_space<vmem>>
      %dma_wait3A_68 = arith.constant 0 : i32
      %dma_wait3A_69 = tpu.memref_slice %arg4[%mul3A_61, %dma_wait3A_68] : memref<160000x128xf32, #tpu.memory_space<hbm>> -> memref<128x128xf32, #tpu.memory_space<hbm>>
      %dma_wait3A_70 = tpu.memref_slice %arg8[%dma_wait3A_63] : memref<2x!tpu.dma_semaphore, #tpu.memory_space<semaphore_mem>> -> memref<1x!tpu.dma_semaphore, #tpu.memory_space<semaphore_mem>>
      %dma_wait3A_71 = tpu.memref_squeeze %dma_wait3A_70 : memref<1x!tpu.dma_semaphore, #tpu.memory_space<semaphore_mem>> -> memref<!tpu.dma_semaphore, #tpu.memory_space<semaphore_mem>>
      %dma_wait3A_72 = arith.constant 0 : i32
      %dma_wait3A_73 = tpu.memref_slice %arg4[%mul3A_61, %dma_wait3A_72] : memref<160000x128xf32, #tpu.memory_space<hbm>> -> memref<128x128xf32, #tpu.memory_space<hbm>>
      %dma_wait3A_74 = arith.constant 0 : i32
      %dma_wait3A_75 = arith.constant 0 : i32
      %dma_wait3A_76 = tpu.memref_slice %arg6[%dma_wait3A, %dma_wait3A_62, %dma_wait3A_74, %dma_wait3A_75] : memref<2x2x128x128xf32, #tpu.memory_space<vmem>> -> memref<1x1x128x128xf32, #tpu.memory_space<vmem>>
      %dma_wait3A_77 = tpu.memref_squeeze %dma_wait3A_76 : memref<1x1x128x128xf32, #tpu.memory_space<vmem>> -> memref<128x128xf32, #tpu.memory_space<vmem>>
      tpu.wait_dma2 semaphore(%dma_wait3A_71 : memref<!tpu.dma_semaphore, #tpu.memory_space<semaphore_mem>>) src(%dma_wait3A_77 : memref<128x128xf32, #tpu.memory_space<vmem>>) dst(%dma_wait3A_73 : memref<128x128xf32, #tpu.memory_space<hbm>>)
      %sub3A_78 = arith.constant 1 : i32
      %sub3A_79 = arith.subi %select_n3A, %sub3A_78 : i32
      %mul3A_80 = arith.constant 2 : i32
      %mul3A_81 = arith.muli %mul3A_80, %sub3A_79 : i32
      %add3A_82 = arith.addi %mul3A_2, %mul3A_81 : i32
      %add3A_83 = arith.constant 1 : i32
      %add3A_84 = arith.addi %add3A_82, %add3A_83 : i32
      %mul3A_85 = arith.constant 128 : i32
      %mul3A_86 = arith.muli %add3A_84, %mul3A_85 : i32
      %dma_wait3A_87 = arith.constant 1 : i32
      %dma_wait3A_88 = arith.constant 1 : i32
      %dma_wait3A_89 = arith.constant 1 : i32
      %dma_wait3A_90 = arith.constant 0 : i32
      %dma_wait3A_91 = arith.constant 0 : i32
      %dma_wait3A_92 = tpu.memref_slice %arg6[%dma_wait3A_87, %dma_wait3A_88, %dma_wait3A_90, %dma_wait3A_91] : memref<2x2x128x128xf32, #tpu.memory_space<vmem>> -> memref<1x1x128x128xf32, #tpu.memory_space<vmem>>
      %dma_wait3A_93 = tpu.memref_squeeze %dma_wait3A_92 : memref<1x1x128x128xf32, #tpu.memory_space<vmem>> -> memref<128x128xf32, #tpu.memory_space<vmem>>
      %dma_wait3A_94 = arith.constant 0 : i32
      %dma_wait3A_95 = tpu.memref_slice %arg4[%mul3A_86, %dma_wait3A_94] : memref<160000x128xf32, #tpu.memory_space<hbm>> -> memref<128x128xf32, #tpu.memory_space<hbm>>
      %dma_wait3A_96 = tpu.memref_slice %arg8[%dma_wait3A_89] : memref<2x!tpu.dma_semaphore, #tpu.memory_space<semaphore_mem>> -> memref<1x!tpu.dma_semaphore, #tpu.memory_space<semaphore_mem>>
      %dma_wait3A_97 = tpu.memref_squeeze %dma_wait3A_96 : memref<1x!tpu.dma_semaphore, #tpu.memory_space<semaphore_mem>> -> memref<!tpu.dma_semaphore, #tpu.memory_space<semaphore_mem>>
      %dma_wait3A_98 = arith.constant 0 : i32
      %dma_wait3A_99 = tpu.memref_slice %arg4[%mul3A_86, %dma_wait3A_98] : memref<160000x128xf32, #tpu.memory_space<hbm>> -> memref<128x128xf32, #tpu.memory_space<hbm>>
      %dma_wait3A_100 = arith.constant 0 : i32
      %dma_wait3A_101 = arith.constant 0 : i32
      %dma_wait3A_102 = tpu.memref_slice %arg6[%dma_wait3A_87, %dma_wait3A_88, %dma_wait3A_100, %dma_wait3A_101] : memref<2x2x128x128xf32, #tpu.memory_space<vmem>> -> memref<1x1x128x128xf32, #tpu.memory_space<vmem>>
      %dma_wait3A_103 = tpu.memref_squeeze %dma_wait3A_102 : memref<1x1x128x128xf32, #tpu.memory_space<vmem>> -> memref<128x128xf32, #tpu.memory_space<vmem>>
      tpu.wait_dma2 semaphore(%dma_wait3A_97 : memref<!tpu.dma_semaphore, #tpu.memory_space<semaphore_mem>>) src(%dma_wait3A_103 : memref<128x128xf32, #tpu.memory_space<vmem>>) dst(%dma_wait3A_99 : memref<128x128xf32, #tpu.memory_space<hbm>>)
    } else {
    }
    return
  }
}

#map = affine_map<(d0, d1) -> (0, 0)>
#map1 = affine_map<(d0, d1) -> (0)>
#map2 = affine_map<(d0, d1) -> (0, 0, 0)>
module attributes {stable_mosaic.version = 14 : i64} {
  func.func @_scatter_body(%arg0: i32, %arg1: i32, %arg2: memref<160000x128xf32, #tpu.memory_space<hbm>>, %arg3: memref<160000x16xf32, #tpu.memory_space<hbm>>, %arg4: memref<163840xi32, #tpu.memory_space<hbm>>, %arg5: memref<640x128xf32, #tpu.memory_space<hbm>>, %arg6: memref<640x16xf32, #tpu.memory_space<hbm>>, %arg7: memref<2x10240x128xf32, #tpu.memory_space<hbm>>, %arg8: memref<2x10240x16xf32, #tpu.memory_space<hbm>>, %arg9: memref<2x128xi32, #tpu.memory_space<vmem>>, %arg10: memref<2x128x128xf32, #tpu.memory_space<vmem>>, %arg11: memref<2x128x16xf32, #tpu.memory_space<vmem>>, %arg12: memref<10240x128xf32, #tpu.memory_space<vmem_shared>>, %arg13: memref<10240x16xf32, #tpu.memory_space<vmem_shared>>, %arg14: memref<2x!tpu.dma_semaphore, #tpu.memory_space<semaphore_mem>>, %arg15: memref<2x!tpu.dma_semaphore, #tpu.memory_space<semaphore_mem>>) attributes {dimension_semantics = [#tpu.dimension_semantics<core_parallel>, #tpu.dimension_semantics<subcore_parallel>], iteration_bounds = array<i64: 2, 16>, scalar_prefetch = 0 : i64, scratch_operands = 7 : i64, tpu.core_type = #tpu.core_type<sc_vector_subcore>, window_params = [{transform_indices = #map}, {transform_indices = #map}, {transform_indices = #map1}, {transform_indices = #map}, {transform_indices = #map}, {transform_indices = #map2}, {transform_indices = #map2}]} {
    %mul3A = arith.constant 2 : i32
    %mul3A_0 = arith.muli %arg1, %mul3A : i32
    %add3A = arith.addi %mul3A_0, %arg0 : i32
    %mul3A_1 = arith.constant 40 : i32
    %mul3A_2 = arith.muli %add3A, %mul3A_1 : i32
    %sub3A = arith.constant 1250 : i32
    %sub3A_3 = arith.subi %sub3A, %mul3A_2 : i32
    %jit3A = arith.constant 0 : i32
    %jit3A_4 = arith.constant 40 : i32
    %max3A = arith.maxsi %jit3A, %sub3A_3 : i32
    %min3A = arith.minsi %jit3A_4, %max3A : i32
    %mul3A_5 = arith.constant 640 : i32
    %mul3A_6 = arith.muli %arg1, %mul3A_5 : i32
    "tpu.region"() ({
      %run_scoped3A = tpu.sem_alloc : memref<!tpu.dma_semaphore, #tpu.memory_space<semaphore_mem>>
      %dma_start3A = arith.constant 0 : i32
      %dma_start3A_46 = tpu.memref_slice %arg12[%mul3A_6, %dma_start3A] : memref<10240x128xf32, #tpu.memory_space<vmem_shared>> -> memref<640x128xf32, #tpu.memory_space<vmem_shared>>
      tpu.enqueue_dma source(%arg5 : memref<640x128xf32, #tpu.memory_space<hbm>>) target(%dma_start3A_46 : memref<640x128xf32, #tpu.memory_space<vmem_shared>>) target_semaphore(%run_scoped3A : memref<!tpu.dma_semaphore, #tpu.memory_space<semaphore_mem>>)
      %dma_wait3A = arith.constant 0 : i32
      %dma_wait3A_47 = tpu.memref_slice %arg12[%mul3A_6, %dma_wait3A] : memref<10240x128xf32, #tpu.memory_space<vmem_shared>> -> memref<640x128xf32, #tpu.memory_space<vmem_shared>>
      tpu.wait_dma2 semaphore(%run_scoped3A : memref<!tpu.dma_semaphore, #tpu.memory_space<semaphore_mem>>) src(%arg5 : memref<640x128xf32, #tpu.memory_space<hbm>>) dst(%dma_wait3A_47 : memref<640x128xf32, #tpu.memory_space<vmem_shared>>)
      tpu.yield
    }) : () -> ()
    %mul3A_7 = arith.constant 640 : i32
    %mul3A_8 = arith.muli %arg1, %mul3A_7 : i32
    "tpu.region"() ({
      %run_scoped3A = tpu.sem_alloc : memref<!tpu.dma_semaphore, #tpu.memory_space<semaphore_mem>>
      %dma_start3A = arith.constant 0 : i32
      %dma_start3A_46 = tpu.memref_slice %arg13[%mul3A_8, %dma_start3A] : memref<10240x16xf32, #tpu.memory_space<vmem_shared>> -> memref<640x16xf32, #tpu.memory_space<vmem_shared>>
      tpu.enqueue_dma source(%arg6 : memref<640x16xf32, #tpu.memory_space<hbm>>) target(%dma_start3A_46 : memref<640x16xf32, #tpu.memory_space<vmem_shared>>) target_semaphore(%run_scoped3A : memref<!tpu.dma_semaphore, #tpu.memory_space<semaphore_mem>>)
      %dma_wait3A = arith.constant 0 : i32
      %dma_wait3A_47 = tpu.memref_slice %arg13[%mul3A_8, %dma_wait3A] : memref<10240x16xf32, #tpu.memory_space<vmem_shared>> -> memref<640x16xf32, #tpu.memory_space<vmem_shared>>
      tpu.wait_dma2 semaphore(%run_scoped3A : memref<!tpu.dma_semaphore, #tpu.memory_space<semaphore_mem>>) src(%arg6 : memref<640x16xf32, #tpu.memory_space<hbm>>) dst(%dma_wait3A_47 : memref<640x16xf32, #tpu.memory_space<vmem_shared>>)
      tpu.yield
    }) : () -> ()
    %barrier3A = arith.constant 0 : index
    tpu.barrier barrier_id(%barrier3A)
    %gt3A = arith.constant 0 : i32
    %gt3A_9 = arith.cmpi sgt, %min3A, %gt3A : i32
    %convert_element_type3A = arith.extui %gt3A_9 : i1 to i32
    %cond3A = arith.constant 0 : i32
    %cond3A_10 = arith.cmpi ne, %convert_element_type3A, %cond3A : i32
    scf.if %cond3A_10 {
      %add3A_46 = arith.constant 0 : i32
      %add3A_47 = arith.addi %mul3A_2, %add3A_46 : i32
      %mul3A_48 = arith.constant 128 : i32
      %mul3A_49 = arith.muli %add3A_47, %mul3A_48 : i32
      %dma_start3A = arith.constant 0 : i32
      %dma_start3A_50 = arith.constant 0 : i32
      %dma_start3A_51 = arith.constant 0 : i32
      %dma_start3A_52 = arith.constant 0 : i32
      %dma_start3A_53 = tpu.memref_slice %arg10[%dma_start3A, %dma_start3A_51, %dma_start3A_52] : memref<2x128x128xf32, #tpu.memory_space<vmem>> -> memref<1x128x128xf32, #tpu.memory_space<vmem>>
      %dma_start3A_54 = tpu.memref_squeeze %dma_start3A_53 : memref<1x128x128xf32, #tpu.memory_space<vmem>> -> memref<128x128xf32, #tpu.memory_space<vmem>>
      %dma_start3A_55 = arith.constant 0 : i32
      %dma_start3A_56 = tpu.memref_slice %arg2[%mul3A_49, %dma_start3A_55] : memref<160000x128xf32, #tpu.memory_space<hbm>> -> memref<128x128xf32, #tpu.memory_space<hbm>>
      %dma_start3A_57 = tpu.memref_slice %arg14[%dma_start3A_50] : memref<2x!tpu.dma_semaphore, #tpu.memory_space<semaphore_mem>> -> memref<1x!tpu.dma_semaphore, #tpu.memory_space<semaphore_mem>>
      %dma_start3A_58 = tpu.memref_squeeze %dma_start3A_57 : memref<1x!tpu.dma_semaphore, #tpu.memory_space<semaphore_mem>> -> memref<!tpu.dma_semaphore, #tpu.memory_space<semaphore_mem>>
      %dma_start3A_59 = arith.constant 0 : i32
      %dma_start3A_60 = arith.constant 0 : i32
      %dma_start3A_61 = tpu.memref_slice %arg10[%dma_start3A, %dma_start3A_59, %dma_start3A_60] : memref<2x128x128xf32, #tpu.memory_space<vmem>> -> memref<1x128x128xf32, #tpu.memory_space<vmem>>
      %dma_start3A_62 = tpu.memref_squeeze %dma_start3A_61 : memref<1x128x128xf32, #tpu.memory_space<vmem>> -> memref<128x128xf32, #tpu.memory_space<vmem>>
      %dma_start3A_63 = arith.constant 0 : i32
      %dma_start3A_64 = tpu.memref_slice %arg2[%mul3A_49, %dma_start3A_63] : memref<160000x128xf32, #tpu.memory_space<hbm>> -> memref<128x128xf32, #tpu.memory_space<hbm>>
      tpu.enqueue_dma source(%dma_start3A_64 : memref<128x128xf32, #tpu.memory_space<hbm>>) target(%dma_start3A_62 : memref<128x128xf32, #tpu.memory_space<vmem>>) target_semaphore(%dma_start3A_58 : memref<!tpu.dma_semaphore, #tpu.memory_space<semaphore_mem>>)
      %dma_start3A_65 = arith.constant 0 : i32
      %dma_start3A_66 = arith.constant 0 : i32
      %dma_start3A_67 = arith.constant 0 : i32
      %dma_start3A_68 = arith.constant 0 : i32
      %dma_start3A_69 = tpu.memref_slice %arg11[%dma_start3A_65, %dma_start3A_67, %dma_start3A_68] : memref<2x128x16xf32, #tpu.memory_space<vmem>> -> memref<1x128x16xf32, #tpu.memory_space<vmem>>
      %dma_start3A_70 = tpu.memref_squeeze %dma_start3A_69 : memref<1x128x16xf32, #tpu.memory_space<vmem>> -> memref<128x16xf32, #tpu.memory_space<vmem>>
      %dma_start3A_71 = arith.constant 0 : i32
      %dma_start3A_72 = tpu.memref_slice %arg3[%mul3A_49, %dma_start3A_71] : memref<160000x16xf32, #tpu.memory_space<hbm>> -> memref<128x16xf32, #tpu.memory_space<hbm>>
      %dma_start3A_73 = tpu.memref_slice %arg14[%dma_start3A_66] : memref<2x!tpu.dma_semaphore, #tpu.memory_space<semaphore_mem>> -> memref<1x!tpu.dma_semaphore, #tpu.memory_space<semaphore_mem>>
      %dma_start3A_74 = tpu.memref_squeeze %dma_start3A_73 : memref<1x!tpu.dma_semaphore, #tpu.memory_space<semaphore_mem>> -> memref<!tpu.dma_semaphore, #tpu.memory_space<semaphore_mem>>
      %dma_start3A_75 = arith.constant 0 : i32
      %dma_start3A_76 = arith.constant 0 : i32
      %dma_start3A_77 = tpu.memref_slice %arg11[%dma_start3A_65, %dma_start3A_75, %dma_start3A_76] : memref<2x128x16xf32, #tpu.memory_space<vmem>> -> memref<1x128x16xf32, #tpu.memory_space<vmem>>
      %dma_start3A_78 = tpu.memref_squeeze %dma_start3A_77 : memref<1x128x16xf32, #tpu.memory_space<vmem>> -> memref<128x16xf32, #tpu.memory_space<vmem>>
      %dma_start3A_79 = arith.constant 0 : i32
      %dma_start3A_80 = tpu.memref_slice %arg3[%mul3A_49, %dma_start3A_79] : memref<160000x16xf32, #tpu.memory_space<hbm>> -> memref<128x16xf32, #tpu.memory_space<hbm>>
      tpu.enqueue_dma source(%dma_start3A_80 : memref<128x16xf32, #tpu.memory_space<hbm>>) target(%dma_start3A_78 : memref<128x16xf32, #tpu.memory_space<vmem>>) target_semaphore(%dma_start3A_74 : memref<!tpu.dma_semaphore, #tpu.memory_space<semaphore_mem>>)
      %dma_start3A_81 = arith.constant 0 : i32
      %dma_start3A_82 = arith.constant 0 : i32
      %dma_start3A_83 = arith.constant 0 : i32
      %dma_start3A_84 = tpu.memref_slice %arg9[%dma_start3A_81, %dma_start3A_83] : memref<2x128xi32, #tpu.memory_space<vmem>> -> memref<1x128xi32, #tpu.memory_space<vmem>>
      %dma_start3A_85 = tpu.memref_squeeze %dma_start3A_84 : memref<1x128xi32, #tpu.memory_space<vmem>> -> memref<128xi32, #tpu.memory_space<vmem>>
      %dma_start3A_86 = tpu.memref_slice %arg4[%mul3A_49] : memref<163840xi32, #tpu.memory_space<hbm>> -> memref<128xi32, #tpu.memory_space<hbm>>
      %dma_start3A_87 = tpu.memref_slice %arg14[%dma_start3A_82] : memref<2x!tpu.dma_semaphore, #tpu.memory_space<semaphore_mem>> -> memref<1x!tpu.dma_semaphore, #tpu.memory_space<semaphore_mem>>
      %dma_start3A_88 = tpu.memref_squeeze %dma_start3A_87 : memref<1x!tpu.dma_semaphore, #tpu.memory_space<semaphore_mem>> -> memref<!tpu.dma_semaphore, #tpu.memory_space<semaphore_mem>>
      %dma_start3A_89 = arith.constant 0 : i32
      %dma_start3A_90 = tpu.memref_slice %arg9[%dma_start3A_81, %dma_start3A_89] : memref<2x128xi32, #tpu.memory_space<vmem>> -> memref<1x128xi32, #tpu.memory_space<vmem>>
      %dma_start3A_91 = tpu.memref_squeeze %dma_start3A_90 : memref<1x128xi32, #tpu.memory_space<vmem>> -> memref<128xi32, #tpu.memory_space<vmem>>
      %dma_start3A_92 = tpu.memref_slice %arg4[%mul3A_49] : memref<163840xi32, #tpu.memory_space<hbm>> -> memref<128xi32, #tpu.memory_space<hbm>>
      tpu.enqueue_dma source(%dma_start3A_92 : memref<128xi32, #tpu.memory_space<hbm>>) target(%dma_start3A_91 : memref<128xi32, #tpu.memory_space<vmem>>) target_semaphore(%dma_start3A_88 : memref<!tpu.dma_semaphore, #tpu.memory_space<semaphore_mem>>)
    } else {
    }
    %scan3A = arith.constant 0 : i32
    %scan3A_11 = arith.constant 0 : i32
    %scan3A_12 = arith.constant 20 : i32
    %scan3A_13 = arith.addi %scan3A_11, %scan3A_12 : i32
    %scan3A_14 = arith.constant 1 : i32
    scf.for %scan3A_46 = %scan3A_11 to %scan3A_13 step %scan3A_14  : i32 {
      %mul3A_47 = arith.constant 2 : i32
      %mul3A_48 = arith.muli %mul3A_47, %scan3A_46 : i32
      %add3A_49 = arith.constant 0 : i32
      %add3A_50 = arith.addi %mul3A_48, %add3A_49 : i32
      %lt3A = arith.cmpi slt, %add3A_50, %min3A : i32
      %convert_element_type3A_51 = arith.extui %lt3A : i1 to i32
      %cond3A_52 = arith.constant 0 : i32
      %cond3A_53 = arith.cmpi ne, %convert_element_type3A_51, %cond3A_52 : i32
      scf.if %cond3A_53 {
        %add3A_62 = arith.addi %mul3A_2, %add3A_50 : i32
        %mul3A_63 = arith.constant 128 : i32
        %mul3A_64 = arith.muli %add3A_62, %mul3A_63 : i32
        %dma_wait3A = arith.constant 0 : i32
        %dma_wait3A_65 = arith.constant 0 : i32
        %dma_wait3A_66 = arith.constant 0 : i32
        %dma_wait3A_67 = arith.constant 0 : i32
        %dma_wait3A_68 = tpu.memref_slice %arg10[%dma_wait3A, %dma_wait3A_66, %dma_wait3A_67] : memref<2x128x128xf32, #tpu.memory_space<vmem>> -> memref<1x128x128xf32, #tpu.memory_space<vmem>>
        %dma_wait3A_69 = tpu.memref_squeeze %dma_wait3A_68 : memref<1x128x128xf32, #tpu.memory_space<vmem>> -> memref<128x128xf32, #tpu.memory_space<vmem>>
        %dma_wait3A_70 = arith.constant 0 : i32
        %dma_wait3A_71 = tpu.memref_slice %arg2[%mul3A_64, %dma_wait3A_70] : memref<160000x128xf32, #tpu.memory_space<hbm>> -> memref<128x128xf32, #tpu.memory_space<hbm>>
        %dma_wait3A_72 = tpu.memref_slice %arg14[%dma_wait3A_65] : memref<2x!tpu.dma_semaphore, #tpu.memory_space<semaphore_mem>> -> memref<1x!tpu.dma_semaphore, #tpu.memory_space<semaphore_mem>>
        %dma_wait3A_73 = tpu.memref_squeeze %dma_wait3A_72 : memref<1x!tpu.dma_semaphore, #tpu.memory_space<semaphore_mem>> -> memref<!tpu.dma_semaphore, #tpu.memory_space<semaphore_mem>>
        %dma_wait3A_74 = arith.constant 0 : i32
        %dma_wait3A_75 = arith.constant 0 : i32
        %dma_wait3A_76 = tpu.memref_slice %arg10[%dma_wait3A, %dma_wait3A_74, %dma_wait3A_75] : memref<2x128x128xf32, #tpu.memory_space<vmem>> -> memref<1x128x128xf32, #tpu.memory_space<vmem>>
        %dma_wait3A_77 = tpu.memref_squeeze %dma_wait3A_76 : memref<1x128x128xf32, #tpu.memory_space<vmem>> -> memref<128x128xf32, #tpu.memory_space<vmem>>
        %dma_wait3A_78 = arith.constant 0 : i32
        %dma_wait3A_79 = tpu.memref_slice %arg2[%mul3A_64, %dma_wait3A_78] : memref<160000x128xf32, #tpu.memory_space<hbm>> -> memref<128x128xf32, #tpu.memory_space<hbm>>
        tpu.wait_dma2 semaphore(%dma_wait3A_73 : memref<!tpu.dma_semaphore, #tpu.memory_space<semaphore_mem>>) src(%dma_wait3A_79 : memref<128x128xf32, #tpu.memory_space<hbm>>) dst(%dma_wait3A_77 : memref<128x128xf32, #tpu.memory_space<vmem>>)
        %dma_wait3A_80 = arith.constant 0 : i32
        %dma_wait3A_81 = arith.constant 0 : i32
        %dma_wait3A_82 = arith.constant 0 : i32
        %dma_wait3A_83 = arith.constant 0 : i32
        %dma_wait3A_84 = tpu.memref_slice %arg11[%dma_wait3A_80, %dma_wait3A_82, %dma_wait3A_83] : memref<2x128x16xf32, #tpu.memory_space<vmem>> -> memref<1x128x16xf32, #tpu.memory_space<vmem>>
        %dma_wait3A_85 = tpu.memref_squeeze %dma_wait3A_84 : memref<1x128x16xf32, #tpu.memory_space<vmem>> -> memref<128x16xf32, #tpu.memory_space<vmem>>
        %dma_wait3A_86 = arith.constant 0 : i32
        %dma_wait3A_87 = tpu.memref_slice %arg3[%mul3A_64, %dma_wait3A_86] : memref<160000x16xf32, #tpu.memory_space<hbm>> -> memref<128x16xf32, #tpu.memory_space<hbm>>
        %dma_wait3A_88 = tpu.memref_slice %arg14[%dma_wait3A_81] : memref<2x!tpu.dma_semaphore, #tpu.memory_space<semaphore_mem>> -> memref<1x!tpu.dma_semaphore, #tpu.memory_space<semaphore_mem>>
        %dma_wait3A_89 = tpu.memref_squeeze %dma_wait3A_88 : memref<1x!tpu.dma_semaphore, #tpu.memory_space<semaphore_mem>> -> memref<!tpu.dma_semaphore, #tpu.memory_space<semaphore_mem>>
        %dma_wait3A_90 = arith.constant 0 : i32
        %dma_wait3A_91 = arith.constant 0 : i32
        %dma_wait3A_92 = tpu.memref_slice %arg11[%dma_wait3A_80, %dma_wait3A_90, %dma_wait3A_91] : memref<2x128x16xf32, #tpu.memory_space<vmem>> -> memref<1x128x16xf32, #tpu.memory_space<vmem>>
        %dma_wait3A_93 = tpu.memref_squeeze %dma_wait3A_92 : memref<1x128x16xf32, #tpu.memory_space<vmem>> -> memref<128x16xf32, #tpu.memory_space<vmem>>
        %dma_wait3A_94 = arith.constant 0 : i32
        %dma_wait3A_95 = tpu.memref_slice %arg3[%mul3A_64, %dma_wait3A_94] : memref<160000x16xf32, #tpu.memory_space<hbm>> -> memref<128x16xf32, #tpu.memory_space<hbm>>
        tpu.wait_dma2 semaphore(%dma_wait3A_89 : memref<!tpu.dma_semaphore, #tpu.memory_space<semaphore_mem>>) src(%dma_wait3A_95 : memref<128x16xf32, #tpu.memory_space<hbm>>) dst(%dma_wait3A_93 : memref<128x16xf32, #tpu.memory_space<vmem>>)
        %dma_wait3A_96 = arith.constant 0 : i32
        %dma_wait3A_97 = arith.constant 0 : i32
        %dma_wait3A_98 = arith.constant 0 : i32
        %dma_wait3A_99 = tpu.memref_slice %arg9[%dma_wait3A_96, %dma_wait3A_98] : memref<2x128xi32, #tpu.memory_space<vmem>> -> memref<1x128xi32, #tpu.memory_space<vmem>>
        %dma_wait3A_100 = tpu.memref_squeeze %dma_wait3A_99 : memref<1x128xi32, #tpu.memory_space<vmem>> -> memref<128xi32, #tpu.memory_space<vmem>>
        %dma_wait3A_101 = tpu.memref_slice %arg4[%mul3A_64] : memref<163840xi32, #tpu.memory_space<hbm>> -> memref<128xi32, #tpu.memory_space<hbm>>
        %dma_wait3A_102 = tpu.memref_slice %arg14[%dma_wait3A_97] : memref<2x!tpu.dma_semaphore, #tpu.memory_space<semaphore_mem>> -> memref<1x!tpu.dma_semaphore, #tpu.memory_space<semaphore_mem>>
        %dma_wait3A_103 = tpu.memref_squeeze %dma_wait3A_102 : memref<1x!tpu.dma_semaphore, #tpu.memory_space<semaphore_mem>> -> memref<!tpu.dma_semaphore, #tpu.memory_space<semaphore_mem>>
        %dma_wait3A_104 = arith.constant 0 : i32
        %dma_wait3A_105 = tpu.memref_slice %arg9[%dma_wait3A_96, %dma_wait3A_104] : memref<2x128xi32, #tpu.memory_space<vmem>> -> memref<1x128xi32, #tpu.memory_space<vmem>>
        %dma_wait3A_106 = tpu.memref_squeeze %dma_wait3A_105 : memref<1x128xi32, #tpu.memory_space<vmem>> -> memref<128xi32, #tpu.memory_space<vmem>>
        %dma_wait3A_107 = tpu.memref_slice %arg4[%mul3A_64] : memref<163840xi32, #tpu.memory_space<hbm>> -> memref<128xi32, #tpu.memory_space<hbm>>
        tpu.wait_dma2 semaphore(%dma_wait3A_103 : memref<!tpu.dma_semaphore, #tpu.memory_space<semaphore_mem>>) src(%dma_wait3A_107 : memref<128xi32, #tpu.memory_space<hbm>>) dst(%dma_wait3A_106 : memref<128xi32, #tpu.memory_space<vmem>>)
        %ge3A = arith.constant 1 : i32
        %ge3A_108 = arith.cmpi sge, %add3A_50, %ge3A : i32
        %convert_element_type3A_109 = arith.extui %ge3A_108 : i1 to i32
        %cond3A_110 = arith.constant 0 : i32
        %cond3A_111 = arith.cmpi ne, %convert_element_type3A_109, %cond3A_110 : i32
        scf.if %cond3A_111 {
          %sub3A_147 = arith.constant 1 : i32
          %sub3A_148 = arith.subi %add3A_50, %sub3A_147 : i32
          %dma_wait3A_149 = arith.constant 1 : i32
          %dma_wait3A_150 = arith.constant 1 : i32
          %dma_wait3A_151 = arith.constant 1 : i32
          %dma_wait3A_152 = arith.constant 0 : i32
          %dma_wait3A_153 = arith.constant 0 : i32
          %dma_wait3A_154 = tpu.memref_slice %arg10[%dma_wait3A_149, %dma_wait3A_152, %dma_wait3A_153] : memref<2x128x128xf32, #tpu.memory_space<vmem>> -> memref<1x128x128xf32, #tpu.memory_space<vmem>>
          %dma_wait3A_155 = tpu.memref_squeeze %dma_wait3A_154 : memref<1x128x128xf32, #tpu.memory_space<vmem>> -> memref<128x128xf32, #tpu.memory_space<vmem>>
          %dma_wait3A_156 = arith.constant 0 : i32
          %dma_wait3A_157 = tpu.memref_slice %arg9[%dma_wait3A_150, %dma_wait3A_156] : memref<2x128xi32, #tpu.memory_space<vmem>> -> memref<1x128xi32, #tpu.memory_space<vmem>>
          %dma_wait3A_158 = tpu.memref_squeeze %dma_wait3A_157 : memref<1x128xi32, #tpu.memory_space<vmem>> -> memref<128xi32, #tpu.memory_space<vmem>>
          %dma_wait3A_159 = arith.constant 0 : i32
          %dma_wait3A_160 = arith.constant 0 : i32
          %dma_wait3A_161 = tpu.memref_slice %arg12[%dma_wait3A_159, %dma_wait3A_160] : memref<10240x128xf32, #tpu.memory_space<vmem_shared>> -> memref<10240x128xf32, #tpu.memory_space<vmem_shared>>
          %dma_wait3A_162 = tpu.memref_slice %arg15[%dma_wait3A_151] : memref<2x!tpu.dma_semaphore, #tpu.memory_space<semaphore_mem>> -> memref<1x!tpu.dma_semaphore, #tpu.memory_space<semaphore_mem>>
          %dma_wait3A_163 = tpu.memref_squeeze %dma_wait3A_162 : memref<1x!tpu.dma_semaphore, #tpu.memory_space<semaphore_mem>> -> memref<!tpu.dma_semaphore, #tpu.memory_space<semaphore_mem>>
          tpu.wait_indirect_dma semaphore(%dma_wait3A_163 : memref<!tpu.dma_semaphore, #tpu.memory_space<semaphore_mem>>) src(%dma_wait3A_155 : memref<128x128xf32, #tpu.memory_space<vmem>>) dst(%dma_wait3A_161 : memref<10240x128xf32, #tpu.memory_space<vmem_shared>>)
          %dma_wait3A_164 = arith.constant 1 : i32
          %dma_wait3A_165 = arith.constant 1 : i32
          %dma_wait3A_166 = arith.constant 1 : i32
          %dma_wait3A_167 = arith.constant 0 : i32
          %dma_wait3A_168 = arith.constant 0 : i32
          %dma_wait3A_169 = tpu.memref_slice %arg11[%dma_wait3A_164, %dma_wait3A_167, %dma_wait3A_168] : memref<2x128x16xf32, #tpu.memory_space<vmem>> -> memref<1x128x16xf32, #tpu.memory_space<vmem>>
          %dma_wait3A_170 = tpu.memref_squeeze %dma_wait3A_169 : memref<1x128x16xf32, #tpu.memory_space<vmem>> -> memref<128x16xf32, #tpu.memory_space<vmem>>
          %dma_wait3A_171 = arith.constant 0 : i32
          %dma_wait3A_172 = tpu.memref_slice %arg9[%dma_wait3A_165, %dma_wait3A_171] : memref<2x128xi32, #tpu.memory_space<vmem>> -> memref<1x128xi32, #tpu.memory_space<vmem>>
          %dma_wait3A_173 = tpu.memref_squeeze %dma_wait3A_172 : memref<1x128xi32, #tpu.memory_space<vmem>> -> memref<128xi32, #tpu.memory_space<vmem>>
          %dma_wait3A_174 = arith.constant 0 : i32
          %dma_wait3A_175 = arith.constant 0 : i32
          %dma_wait3A_176 = tpu.memref_slice %arg13[%dma_wait3A_174, %dma_wait3A_175] : memref<10240x16xf32, #tpu.memory_space<vmem_shared>> -> memref<10240x16xf32, #tpu.memory_space<vmem_shared>>
          %dma_wait3A_177 = tpu.memref_slice %arg15[%dma_wait3A_166] : memref<2x!tpu.dma_semaphore, #tpu.memory_space<semaphore_mem>> -> memref<1x!tpu.dma_semaphore, #tpu.memory_space<semaphore_mem>>
          %dma_wait3A_178 = tpu.memref_squeeze %dma_wait3A_177 : memref<1x!tpu.dma_semaphore, #tpu.memory_space<semaphore_mem>> -> memref<!tpu.dma_semaphore, #tpu.memory_space<semaphore_mem>>
          tpu.wait_indirect_dma semaphore(%dma_wait3A_178 : memref<!tpu.dma_semaphore, #tpu.memory_space<semaphore_mem>>) src(%dma_wait3A_170 : memref<128x16xf32, #tpu.memory_space<vmem>>) dst(%dma_wait3A_176 : memref<10240x16xf32, #tpu.memory_space<vmem_shared>>)
        } else {
        }
        %add3A_112 = arith.constant 1 : i32
        %add3A_113 = arith.addi %add3A_50, %add3A_112 : i32
        %lt3A_114 = arith.cmpi slt, %add3A_113, %min3A : i32
        %convert_element_type3A_115 = arith.extui %lt3A_114 : i1 to i32
        %cond3A_116 = arith.constant 0 : i32
        %cond3A_117 = arith.cmpi ne, %convert_element_type3A_115, %cond3A_116 : i32
        scf.if %cond3A_117 {
          %add3A_147 = arith.constant 1 : i32
          %add3A_148 = arith.addi %add3A_50, %add3A_147 : i32
          %add3A_149 = arith.addi %mul3A_2, %add3A_148 : i32
          %mul3A_150 = arith.constant 128 : i32
          %mul3A_151 = arith.muli %add3A_149, %mul3A_150 : i32
          %dma_start3A_152 = arith.constant 1 : i32
          %dma_start3A_153 = arith.constant 1 : i32
          %dma_start3A_154 = arith.constant 0 : i32
          %dma_start3A_155 = arith.constant 0 : i32
          %dma_start3A_156 = tpu.memref_slice %arg10[%dma_start3A_152, %dma_start3A_154, %dma_start3A_155] : memref<2x128x128xf32, #tpu.memory_space<vmem>> -> memref<1x128x128xf32, #tpu.memory_space<vmem>>
          %dma_start3A_157 = tpu.memref_squeeze %dma_start3A_156 : memref<1x128x128xf32, #tpu.memory_space<vmem>> -> memref<128x128xf32, #tpu.memory_space<vmem>>
          %dma_start3A_158 = arith.constant 0 : i32
          %dma_start3A_159 = tpu.memref_slice %arg2[%mul3A_151, %dma_start3A_158] : memref<160000x128xf32, #tpu.memory_space<hbm>> -> memref<128x128xf32, #tpu.memory_space<hbm>>
          %dma_start3A_160 = tpu.memref_slice %arg14[%dma_start3A_153] : memref<2x!tpu.dma_semaphore, #tpu.memory_space<semaphore_mem>> -> memref<1x!tpu.dma_semaphore, #tpu.memory_space<semaphore_mem>>
          %dma_start3A_161 = tpu.memref_squeeze %dma_start3A_160 : memref<1x!tpu.dma_semaphore, #tpu.memory_space<semaphore_mem>> -> memref<!tpu.dma_semaphore, #tpu.memory_space<semaphore_mem>>
          %dma_start3A_162 = arith.constant 0 : i32
          %dma_start3A_163 = arith.constant 0 : i32
          %dma_start3A_164 = tpu.memref_slice %arg10[%dma_start3A_152, %dma_start3A_162, %dma_start3A_163] : memref<2x128x128xf32, #tpu.memory_space<vmem>> -> memref<1x128x128xf32, #tpu.memory_space<vmem>>
          %dma_start3A_165 = tpu.memref_squeeze %dma_start3A_164 : memref<1x128x128xf32, #tpu.memory_space<vmem>> -> memref<128x128xf32, #tpu.memory_space<vmem>>
          %dma_start3A_166 = arith.constant 0 : i32
          %dma_start3A_167 = tpu.memref_slice %arg2[%mul3A_151, %dma_start3A_166] : memref<160000x128xf32, #tpu.memory_space<hbm>> -> memref<128x128xf32, #tpu.memory_space<hbm>>
          tpu.enqueue_dma source(%dma_start3A_167 : memref<128x128xf32, #tpu.memory_space<hbm>>) target(%dma_start3A_165 : memref<128x128xf32, #tpu.memory_space<vmem>>) target_semaphore(%dma_start3A_161 : memref<!tpu.dma_semaphore, #tpu.memory_space<semaphore_mem>>)
          %dma_start3A_168 = arith.constant 1 : i32
          %dma_start3A_169 = arith.constant 1 : i32
          %dma_start3A_170 = arith.constant 0 : i32
          %dma_start3A_171 = arith.constant 0 : i32
          %dma_start3A_172 = tpu.memref_slice %arg11[%dma_start3A_168, %dma_start3A_170, %dma_start3A_171] : memref<2x128x16xf32, #tpu.memory_space<vmem>> -> memref<1x128x16xf32, #tpu.memory_space<vmem>>
          %dma_start3A_173 = tpu.memref_squeeze %dma_start3A_172 : memref<1x128x16xf32, #tpu.memory_space<vmem>> -> memref<128x16xf32, #tpu.memory_space<vmem>>
          %dma_start3A_174 = arith.constant 0 : i32
          %dma_start3A_175 = tpu.memref_slice %arg3[%mul3A_151, %dma_start3A_174] : memref<160000x16xf32, #tpu.memory_space<hbm>> -> memref<128x16xf32, #tpu.memory_space<hbm>>
          %dma_start3A_176 = tpu.memref_slice %arg14[%dma_start3A_169] : memref<2x!tpu.dma_semaphore, #tpu.memory_space<semaphore_mem>> -> memref<1x!tpu.dma_semaphore, #tpu.memory_space<semaphore_mem>>
          %dma_start3A_177 = tpu.memref_squeeze %dma_start3A_176 : memref<1x!tpu.dma_semaphore, #tpu.memory_space<semaphore_mem>> -> memref<!tpu.dma_semaphore, #tpu.memory_space<semaphore_mem>>
          %dma_start3A_178 = arith.constant 0 : i32
          %dma_start3A_179 = arith.constant 0 : i32
          %dma_start3A_180 = tpu.memref_slice %arg11[%dma_start3A_168, %dma_start3A_178, %dma_start3A_179] : memref<2x128x16xf32, #tpu.memory_space<vmem>> -> memref<1x128x16xf32, #tpu.memory_space<vmem>>
          %dma_start3A_181 = tpu.memref_squeeze %dma_start3A_180 : memref<1x128x16xf32, #tpu.memory_space<vmem>> -> memref<128x16xf32, #tpu.memory_space<vmem>>
          %dma_start3A_182 = arith.constant 0 : i32
          %dma_start3A_183 = tpu.memref_slice %arg3[%mul3A_151, %dma_start3A_182] : memref<160000x16xf32, #tpu.memory_space<hbm>> -> memref<128x16xf32, #tpu.memory_space<hbm>>
          tpu.enqueue_dma source(%dma_start3A_183 : memref<128x16xf32, #tpu.memory_space<hbm>>) target(%dma_start3A_181 : memref<128x16xf32, #tpu.memory_space<vmem>>) target_semaphore(%dma_start3A_177 : memref<!tpu.dma_semaphore, #tpu.memory_space<semaphore_mem>>)
          %dma_start3A_184 = arith.constant 1 : i32
          %dma_start3A_185 = arith.constant 1 : i32
          %dma_start3A_186 = arith.constant 0 : i32
          %dma_start3A_187 = tpu.memref_slice %arg9[%dma_start3A_184, %dma_start3A_186] : memref<2x128xi32, #tpu.memory_space<vmem>> -> memref<1x128xi32, #tpu.memory_space<vmem>>
          %dma_start3A_188 = tpu.memref_squeeze %dma_start3A_187 : memref<1x128xi32, #tpu.memory_space<vmem>> -> memref<128xi32, #tpu.memory_space<vmem>>
          %dma_start3A_189 = tpu.memref_slice %arg4[%mul3A_151] : memref<163840xi32, #tpu.memory_space<hbm>> -> memref<128xi32, #tpu.memory_space<hbm>>
          %dma_start3A_190 = tpu.memref_slice %arg14[%dma_start3A_185] : memref<2x!tpu.dma_semaphore, #tpu.memory_space<semaphore_mem>> -> memref<1x!tpu.dma_semaphore, #tpu.memory_space<semaphore_mem>>
          %dma_start3A_191 = tpu.memref_squeeze %dma_start3A_190 : memref<1x!tpu.dma_semaphore, #tpu.memory_space<semaphore_mem>> -> memref<!tpu.dma_semaphore, #tpu.memory_space<semaphore_mem>>
          %dma_start3A_192 = arith.constant 0 : i32
          %dma_start3A_193 = tpu.memref_slice %arg9[%dma_start3A_184, %dma_start3A_192] : memref<2x128xi32, #tpu.memory_space<vmem>> -> memref<1x128xi32, #tpu.memory_space<vmem>>
          %dma_start3A_194 = tpu.memref_squeeze %dma_start3A_193 : memref<1x128xi32, #tpu.memory_space<vmem>> -> memref<128xi32, #tpu.memory_space<vmem>>
          %dma_start3A_195 = tpu.memref_slice %arg4[%mul3A_151] : memref<163840xi32, #tpu.memory_space<hbm>> -> memref<128xi32, #tpu.memory_space<hbm>>
          tpu.enqueue_dma source(%dma_start3A_195 : memref<128xi32, #tpu.memory_space<hbm>>) target(%dma_start3A_194 : memref<128xi32, #tpu.memory_space<vmem>>) target_semaphore(%dma_start3A_191 : memref<!tpu.dma_semaphore, #tpu.memory_space<semaphore_mem>>)
        } else {
        }
        %dma_start3A = arith.constant 0 : i32
        %dma_start3A_118 = arith.constant 0 : i32
        %dma_start3A_119 = arith.constant 0 : i32
        %dma_start3A_120 = arith.constant 0 : i32
        %dma_start3A_121 = arith.constant 0 : i32
        %dma_start3A_122 = tpu.memref_slice %arg10[%dma_start3A, %dma_start3A_120, %dma_start3A_121] : memref<2x128x128xf32, #tpu.memory_space<vmem>> -> memref<1x128x128xf32, #tpu.memory_space<vmem>>
        %dma_start3A_123 = tpu.memref_squeeze %dma_start3A_122 : memref<1x128x128xf32, #tpu.memory_space<vmem>> -> memref<128x128xf32, #tpu.memory_space<vmem>>
        %dma_start3A_124 = arith.constant 0 : i32
        %dma_start3A_125 = tpu.memref_slice %arg9[%dma_start3A_118, %dma_start3A_124] : memref<2x128xi32, #tpu.memory_space<vmem>> -> memref<1x128xi32, #tpu.memory_space<vmem>>
        %dma_start3A_126 = tpu.memref_squeeze %dma_start3A_125 : memref<1x128xi32, #tpu.memory_space<vmem>> -> memref<128xi32, #tpu.memory_space<vmem>>
        %dma_start3A_127 = arith.constant 0 : i32
        %dma_start3A_128 = arith.constant 0 : i32
        %dma_start3A_129 = tpu.memref_slice %arg12[%dma_start3A_127, %dma_start3A_128] : memref<10240x128xf32, #tpu.memory_space<vmem_shared>> -> memref<10240x128xf32, #tpu.memory_space<vmem_shared>>
        %dma_start3A_130 = tpu.memref_slice %arg15[%dma_start3A_119] : memref<2x!tpu.dma_semaphore, #tpu.memory_space<semaphore_mem>> -> memref<1x!tpu.dma_semaphore, #tpu.memory_space<semaphore_mem>>
        %dma_start3A_131 = tpu.memref_squeeze %dma_start3A_130 : memref<1x!tpu.dma_semaphore, #tpu.memory_space<semaphore_mem>> -> memref<!tpu.dma_semaphore, #tpu.memory_space<semaphore_mem>>
        tpu.enqueue_indirect_dma source(%dma_start3A_123 : memref<128x128xf32, #tpu.memory_space<vmem>>) target(%dma_start3A_129 : memref<10240x128xf32, #tpu.memory_space<vmem_shared>>) offsets(%dma_start3A_126 : memref<128xi32, #tpu.memory_space<vmem>>) semaphore(%dma_start3A_131 : memref<!tpu.dma_semaphore, #tpu.memory_space<semaphore_mem>>) {add = true}
        %dma_start3A_132 = arith.constant 0 : i32
        %dma_start3A_133 = arith.constant 0 : i32
        %dma_start3A_134 = arith.constant 0 : i32
        %dma_start3A_135 = arith.constant 0 : i32
        %dma_start3A_136 = arith.constant 0 : i32
        %dma_start3A_137 = tpu.memref_slice %arg11[%dma_start3A_132, %dma_start3A_135, %dma_start3A_136] : memref<2x128x16xf32, #tpu.memory_space<vmem>> -> memref<1x128x16xf32, #tpu.memory_space<vmem>>
        %dma_start3A_138 = tpu.memref_squeeze %dma_start3A_137 : memref<1x128x16xf32, #tpu.memory_space<vmem>> -> memref<128x16xf32, #tpu.memory_space<vmem>>
        %dma_start3A_139 = arith.constant 0 : i32
        %dma_start3A_140 = tpu.memref_slice %arg9[%dma_start3A_133, %dma_start3A_139] : memref<2x128xi32, #tpu.memory_space<vmem>> -> memref<1x128xi32, #tpu.memory_space<vmem>>
        %dma_start3A_141 = tpu.memref_squeeze %dma_start3A_140 : memref<1x128xi32, #tpu.memory_space<vmem>> -> memref<128xi32, #tpu.memory_space<vmem>>
        %dma_start3A_142 = arith.constant 0 : i32
        %dma_start3A_143 = arith.constant 0 : i32
        %dma_start3A_144 = tpu.memref_slice %arg13[%dma_start3A_142, %dma_start3A_143] : memref<10240x16xf32, #tpu.memory_space<vmem_shared>> -> memref<10240x16xf32, #tpu.memory_space<vmem_shared>>
        %dma_start3A_145 = tpu.memref_slice %arg15[%dma_start3A_134] : memref<2x!tpu.dma_semaphore, #tpu.memory_space<semaphore_mem>> -> memref<1x!tpu.dma_semaphore, #tpu.memory_space<semaphore_mem>>
        %dma_start3A_146 = tpu.memref_squeeze %dma_start3A_145 : memref<1x!tpu.dma_semaphore, #tpu.memory_space<semaphore_mem>> -> memref<!tpu.dma_semaphore, #tpu.memory_space<semaphore_mem>>
        tpu.enqueue_indirect_dma source(%dma_start3A_138 : memref<128x16xf32, #tpu.memory_space<vmem>>) target(%dma_start3A_144 : memref<10240x16xf32, #tpu.memory_space<vmem_shared>>) offsets(%dma_start3A_141 : memref<128xi32, #tpu.memory_space<vmem>>) semaphore(%dma_start3A_146 : memref<!tpu.dma_semaphore, #tpu.memory_space<semaphore_mem>>) {add = true}
      } else {
      }
      %mul3A_54 = arith.constant 2 : i32
      %mul3A_55 = arith.muli %mul3A_54, %scan3A_46 : i32
      %add3A_56 = arith.constant 1 : i32
      %add3A_57 = arith.addi %mul3A_55, %add3A_56 : i32
      %lt3A_58 = arith.cmpi slt, %add3A_57, %min3A : i32
      %convert_element_type3A_59 = arith.extui %lt3A_58 : i1 to i32
      %cond3A_60 = arith.constant 0 : i32
      %cond3A_61 = arith.cmpi ne, %convert_element_type3A_59, %cond3A_60 : i32
      scf.if %cond3A_61 {
        %add3A_62 = arith.addi %mul3A_2, %add3A_57 : i32
        %mul3A_63 = arith.constant 128 : i32
        %mul3A_64 = arith.muli %add3A_62, %mul3A_63 : i32
        %dma_wait3A = arith.constant 1 : i32
        %dma_wait3A_65 = arith.constant 1 : i32
        %dma_wait3A_66 = arith.constant 0 : i32
        %dma_wait3A_67 = arith.constant 0 : i32
        %dma_wait3A_68 = tpu.memref_slice %arg10[%dma_wait3A, %dma_wait3A_66, %dma_wait3A_67] : memref<2x128x128xf32, #tpu.memory_space<vmem>> -> memref<1x128x128xf32, #tpu.memory_space<vmem>>
        %dma_wait3A_69 = tpu.memref_squeeze %dma_wait3A_68 : memref<1x128x128xf32, #tpu.memory_space<vmem>> -> memref<128x128xf32, #tpu.memory_space<vmem>>
        %dma_wait3A_70 = arith.constant 0 : i32
        %dma_wait3A_71 = tpu.memref_slice %arg2[%mul3A_64, %dma_wait3A_70] : memref<160000x128xf32, #tpu.memory_space<hbm>> -> memref<128x128xf32, #tpu.memory_space<hbm>>
        %dma_wait3A_72 = tpu.memref_slice %arg14[%dma_wait3A_65] : memref<2x!tpu.dma_semaphore, #tpu.memory_space<semaphore_mem>> -> memref<1x!tpu.dma_semaphore, #tpu.memory_space<semaphore_mem>>
        %dma_wait3A_73 = tpu.memref_squeeze %dma_wait3A_72 : memref<1x!tpu.dma_semaphore, #tpu.memory_space<semaphore_mem>> -> memref<!tpu.dma_semaphore, #tpu.memory_space<semaphore_mem>>
        %dma_wait3A_74 = arith.constant 0 : i32
        %dma_wait3A_75 = arith.constant 0 : i32
        %dma_wait3A_76 = tpu.memref_slice %arg10[%dma_wait3A, %dma_wait3A_74, %dma_wait3A_75] : memref<2x128x128xf32, #tpu.memory_space<vmem>> -> memref<1x128x128xf32, #tpu.memory_space<vmem>>
        %dma_wait3A_77 = tpu.memref_squeeze %dma_wait3A_76 : memref<1x128x128xf32, #tpu.memory_space<vmem>> -> memref<128x128xf32, #tpu.memory_space<vmem>>
        %dma_wait3A_78 = arith.constant 0 : i32
        %dma_wait3A_79 = tpu.memref_slice %arg2[%mul3A_64, %dma_wait3A_78] : memref<160000x128xf32, #tpu.memory_space<hbm>> -> memref<128x128xf32, #tpu.memory_space<hbm>>
        tpu.wait_dma2 semaphore(%dma_wait3A_73 : memref<!tpu.dma_semaphore, #tpu.memory_space<semaphore_mem>>) src(%dma_wait3A_79 : memref<128x128xf32, #tpu.memory_space<hbm>>) dst(%dma_wait3A_77 : memref<128x128xf32, #tpu.memory_space<vmem>>)
        %dma_wait3A_80 = arith.constant 1 : i32
        %dma_wait3A_81 = arith.constant 1 : i32
        %dma_wait3A_82 = arith.constant 0 : i32
        %dma_wait3A_83 = arith.constant 0 : i32
        %dma_wait3A_84 = tpu.memref_slice %arg11[%dma_wait3A_80, %dma_wait3A_82, %dma_wait3A_83] : memref<2x128x16xf32, #tpu.memory_space<vmem>> -> memref<1x128x16xf32, #tpu.memory_space<vmem>>
        %dma_wait3A_85 = tpu.memref_squeeze %dma_wait3A_84 : memref<1x128x16xf32, #tpu.memory_space<vmem>> -> memref<128x16xf32, #tpu.memory_space<vmem>>
        %dma_wait3A_86 = arith.constant 0 : i32
        %dma_wait3A_87 = tpu.memref_slice %arg3[%mul3A_64, %dma_wait3A_86] : memref<160000x16xf32, #tpu.memory_space<hbm>> -> memref<128x16xf32, #tpu.memory_space<hbm>>
        %dma_wait3A_88 = tpu.memref_slice %arg14[%dma_wait3A_81] : memref<2x!tpu.dma_semaphore, #tpu.memory_space<semaphore_mem>> -> memref<1x!tpu.dma_semaphore, #tpu.memory_space<semaphore_mem>>
        %dma_wait3A_89 = tpu.memref_squeeze %dma_wait3A_88 : memref<1x!tpu.dma_semaphore, #tpu.memory_space<semaphore_mem>> -> memref<!tpu.dma_semaphore, #tpu.memory_space<semaphore_mem>>
        %dma_wait3A_90 = arith.constant 0 : i32
        %dma_wait3A_91 = arith.constant 0 : i32
        %dma_wait3A_92 = tpu.memref_slice %arg11[%dma_wait3A_80, %dma_wait3A_90, %dma_wait3A_91] : memref<2x128x16xf32, #tpu.memory_space<vmem>> -> memref<1x128x16xf32, #tpu.memory_space<vmem>>
        %dma_wait3A_93 = tpu.memref_squeeze %dma_wait3A_92 : memref<1x128x16xf32, #tpu.memory_space<vmem>> -> memref<128x16xf32, #tpu.memory_space<vmem>>
        %dma_wait3A_94 = arith.constant 0 : i32
        %dma_wait3A_95 = tpu.memref_slice %arg3[%mul3A_64, %dma_wait3A_94] : memref<160000x16xf32, #tpu.memory_space<hbm>> -> memref<128x16xf32, #tpu.memory_space<hbm>>
        tpu.wait_dma2 semaphore(%dma_wait3A_89 : memref<!tpu.dma_semaphore, #tpu.memory_space<semaphore_mem>>) src(%dma_wait3A_95 : memref<128x16xf32, #tpu.memory_space<hbm>>) dst(%dma_wait3A_93 : memref<128x16xf32, #tpu.memory_space<vmem>>)
        %dma_wait3A_96 = arith.constant 1 : i32
        %dma_wait3A_97 = arith.constant 1 : i32
        %dma_wait3A_98 = arith.constant 0 : i32
        %dma_wait3A_99 = tpu.memref_slice %arg9[%dma_wait3A_96, %dma_wait3A_98] : memref<2x128xi32, #tpu.memory_space<vmem>> -> memref<1x128xi32, #tpu.memory_space<vmem>>
        %dma_wait3A_100 = tpu.memref_squeeze %dma_wait3A_99 : memref<1x128xi32, #tpu.memory_space<vmem>> -> memref<128xi32, #tpu.memory_space<vmem>>
        %dma_wait3A_101 = tpu.memref_slice %arg4[%mul3A_64] : memref<163840xi32, #tpu.memory_space<hbm>> -> memref<128xi32, #tpu.memory_space<hbm>>
        %dma_wait3A_102 = tpu.memref_slice %arg14[%dma_wait3A_97] : memref<2x!tpu.dma_semaphore, #tpu.memory_space<semaphore_mem>> -> memref<1x!tpu.dma_semaphore, #tpu.memory_space<semaphore_mem>>
        %dma_wait3A_103 = tpu.memref_squeeze %dma_wait3A_102 : memref<1x!tpu.dma_semaphore, #tpu.memory_space<semaphore_mem>> -> memref<!tpu.dma_semaphore, #tpu.memory_space<semaphore_mem>>
        %dma_wait3A_104 = arith.constant 0 : i32
        %dma_wait3A_105 = tpu.memref_slice %arg9[%dma_wait3A_96, %dma_wait3A_104] : memref<2x128xi32, #tpu.memory_space<vmem>> -> memref<1x128xi32, #tpu.memory_space<vmem>>
        %dma_wait3A_106 = tpu.memref_squeeze %dma_wait3A_105 : memref<1x128xi32, #tpu.memory_space<vmem>> -> memref<128xi32, #tpu.memory_space<vmem>>
        %dma_wait3A_107 = tpu.memref_slice %arg4[%mul3A_64] : memref<163840xi32, #tpu.memory_space<hbm>> -> memref<128xi32, #tpu.memory_space<hbm>>
        tpu.wait_dma2 semaphore(%dma_wait3A_103 : memref<!tpu.dma_semaphore, #tpu.memory_space<semaphore_mem>>) src(%dma_wait3A_107 : memref<128xi32, #tpu.memory_space<hbm>>) dst(%dma_wait3A_106 : memref<128xi32, #tpu.memory_space<vmem>>)
        %ge3A = arith.constant 1 : i32
        %ge3A_108 = arith.cmpi sge, %add3A_57, %ge3A : i32
        %convert_element_type3A_109 = arith.extui %ge3A_108 : i1 to i32
        %cond3A_110 = arith.constant 0 : i32
        %cond3A_111 = arith.cmpi ne, %convert_element_type3A_109, %cond3A_110 : i32
        scf.if %cond3A_111 {
          %sub3A_147 = arith.constant 1 : i32
          %sub3A_148 = arith.subi %add3A_57, %sub3A_147 : i32
          %dma_wait3A_149 = arith.constant 0 : i32
          %dma_wait3A_150 = arith.constant 0 : i32
          %dma_wait3A_151 = arith.constant 0 : i32
          %dma_wait3A_152 = arith.constant 0 : i32
          %dma_wait3A_153 = arith.constant 0 : i32
          %dma_wait3A_154 = tpu.memref_slice %arg10[%dma_wait3A_149, %dma_wait3A_152, %dma_wait3A_153] : memref<2x128x128xf32, #tpu.memory_space<vmem>> -> memref<1x128x128xf32, #tpu.memory_space<vmem>>
          %dma_wait3A_155 = tpu.memref_squeeze %dma_wait3A_154 : memref<1x128x128xf32, #tpu.memory_space<vmem>> -> memref<128x128xf32, #tpu.memory_space<vmem>>
          %dma_wait3A_156 = arith.constant 0 : i32
          %dma_wait3A_157 = tpu.memref_slice %arg9[%dma_wait3A_150, %dma_wait3A_156] : memref<2x128xi32, #tpu.memory_space<vmem>> -> memref<1x128xi32, #tpu.memory_space<vmem>>
          %dma_wait3A_158 = tpu.memref_squeeze %dma_wait3A_157 : memref<1x128xi32, #tpu.memory_space<vmem>> -> memref<128xi32, #tpu.memory_space<vmem>>
          %dma_wait3A_159 = arith.constant 0 : i32
          %dma_wait3A_160 = arith.constant 0 : i32
          %dma_wait3A_161 = tpu.memref_slice %arg12[%dma_wait3A_159, %dma_wait3A_160] : memref<10240x128xf32, #tpu.memory_space<vmem_shared>> -> memref<10240x128xf32, #tpu.memory_space<vmem_shared>>
          %dma_wait3A_162 = tpu.memref_slice %arg15[%dma_wait3A_151] : memref<2x!tpu.dma_semaphore, #tpu.memory_space<semaphore_mem>> -> memref<1x!tpu.dma_semaphore, #tpu.memory_space<semaphore_mem>>
          %dma_wait3A_163 = tpu.memref_squeeze %dma_wait3A_162 : memref<1x!tpu.dma_semaphore, #tpu.memory_space<semaphore_mem>> -> memref<!tpu.dma_semaphore, #tpu.memory_space<semaphore_mem>>
          tpu.wait_indirect_dma semaphore(%dma_wait3A_163 : memref<!tpu.dma_semaphore, #tpu.memory_space<semaphore_mem>>) src(%dma_wait3A_155 : memref<128x128xf32, #tpu.memory_space<vmem>>) dst(%dma_wait3A_161 : memref<10240x128xf32, #tpu.memory_space<vmem_shared>>)
          %dma_wait3A_164 = arith.constant 0 : i32
          %dma_wait3A_165 = arith.constant 0 : i32
          %dma_wait3A_166 = arith.constant 0 : i32
          %dma_wait3A_167 = arith.constant 0 : i32
          %dma_wait3A_168 = arith.constant 0 : i32
          %dma_wait3A_169 = tpu.memref_slice %arg11[%dma_wait3A_164, %dma_wait3A_167, %dma_wait3A_168] : memref<2x128x16xf32, #tpu.memory_space<vmem>> -> memref<1x128x16xf32, #tpu.memory_space<vmem>>
          %dma_wait3A_170 = tpu.memref_squeeze %dma_wait3A_169 : memref<1x128x16xf32, #tpu.memory_space<vmem>> -> memref<128x16xf32, #tpu.memory_space<vmem>>
          %dma_wait3A_171 = arith.constant 0 : i32
          %dma_wait3A_172 = tpu.memref_slice %arg9[%dma_wait3A_165, %dma_wait3A_171] : memref<2x128xi32, #tpu.memory_space<vmem>> -> memref<1x128xi32, #tpu.memory_space<vmem>>
          %dma_wait3A_173 = tpu.memref_squeeze %dma_wait3A_172 : memref<1x128xi32, #tpu.memory_space<vmem>> -> memref<128xi32, #tpu.memory_space<vmem>>
          %dma_wait3A_174 = arith.constant 0 : i32
          %dma_wait3A_175 = arith.constant 0 : i32
          %dma_wait3A_176 = tpu.memref_slice %arg13[%dma_wait3A_174, %dma_wait3A_175] : memref<10240x16xf32, #tpu.memory_space<vmem_shared>> -> memref<10240x16xf32, #tpu.memory_space<vmem_shared>>
          %dma_wait3A_177 = tpu.memref_slice %arg15[%dma_wait3A_166] : memref<2x!tpu.dma_semaphore, #tpu.memory_space<semaphore_mem>> -> memref<1x!tpu.dma_semaphore, #tpu.memory_space<semaphore_mem>>
          %dma_wait3A_178 = tpu.memref_squeeze %dma_wait3A_177 : memref<1x!tpu.dma_semaphore, #tpu.memory_space<semaphore_mem>> -> memref<!tpu.dma_semaphore, #tpu.memory_space<semaphore_mem>>
          tpu.wait_indirect_dma semaphore(%dma_wait3A_178 : memref<!tpu.dma_semaphore, #tpu.memory_space<semaphore_mem>>) src(%dma_wait3A_170 : memref<128x16xf32, #tpu.memory_space<vmem>>) dst(%dma_wait3A_176 : memref<10240x16xf32, #tpu.memory_space<vmem_shared>>)
        } else {
        }
        %add3A_112 = arith.constant 1 : i32
        %add3A_113 = arith.addi %add3A_57, %add3A_112 : i32
        %lt3A_114 = arith.cmpi slt, %add3A_113, %min3A : i32
        %convert_element_type3A_115 = arith.extui %lt3A_114 : i1 to i32
        %cond3A_116 = arith.constant 0 : i32
        %cond3A_117 = arith.cmpi ne, %convert_element_type3A_115, %cond3A_116 : i32
        scf.if %cond3A_117 {
          %add3A_147 = arith.constant 1 : i32
          %add3A_148 = arith.addi %add3A_57, %add3A_147 : i32
          %add3A_149 = arith.addi %mul3A_2, %add3A_148 : i32
          %mul3A_150 = arith.constant 128 : i32
          %mul3A_151 = arith.muli %add3A_149, %mul3A_150 : i32
          %dma_start3A_152 = arith.constant 0 : i32
          %dma_start3A_153 = arith.constant 0 : i32
          %dma_start3A_154 = arith.constant 0 : i32
          %dma_start3A_155 = arith.constant 0 : i32
          %dma_start3A_156 = tpu.memref_slice %arg10[%dma_start3A_152, %dma_start3A_154, %dma_start3A_155] : memref<2x128x128xf32, #tpu.memory_space<vmem>> -> memref<1x128x128xf32, #tpu.memory_space<vmem>>
          %dma_start3A_157 = tpu.memref_squeeze %dma_start3A_156 : memref<1x128x128xf32, #tpu.memory_space<vmem>> -> memref<128x128xf32, #tpu.memory_space<vmem>>
          %dma_start3A_158 = arith.constant 0 : i32
          %dma_start3A_159 = tpu.memref_slice %arg2[%mul3A_151, %dma_start3A_158] : memref<160000x128xf32, #tpu.memory_space<hbm>> -> memref<128x128xf32, #tpu.memory_space<hbm>>
          %dma_start3A_160 = tpu.memref_slice %arg14[%dma_start3A_153] : memref<2x!tpu.dma_semaphore, #tpu.memory_space<semaphore_mem>> -> memref<1x!tpu.dma_semaphore, #tpu.memory_space<semaphore_mem>>
          %dma_start3A_161 = tpu.memref_squeeze %dma_start3A_160 : memref<1x!tpu.dma_semaphore, #tpu.memory_space<semaphore_mem>> -> memref<!tpu.dma_semaphore, #tpu.memory_space<semaphore_mem>>
          %dma_start3A_162 = arith.constant 0 : i32
          %dma_start3A_163 = arith.constant 0 : i32
          %dma_start3A_164 = tpu.memref_slice %arg10[%dma_start3A_152, %dma_start3A_162, %dma_start3A_163] : memref<2x128x128xf32, #tpu.memory_space<vmem>> -> memref<1x128x128xf32, #tpu.memory_space<vmem>>
          %dma_start3A_165 = tpu.memref_squeeze %dma_start3A_164 : memref<1x128x128xf32, #tpu.memory_space<vmem>> -> memref<128x128xf32, #tpu.memory_space<vmem>>
          %dma_start3A_166 = arith.constant 0 : i32
          %dma_start3A_167 = tpu.memref_slice %arg2[%mul3A_151, %dma_start3A_166] : memref<160000x128xf32, #tpu.memory_space<hbm>> -> memref<128x128xf32, #tpu.memory_space<hbm>>
          tpu.enqueue_dma source(%dma_start3A_167 : memref<128x128xf32, #tpu.memory_space<hbm>>) target(%dma_start3A_165 : memref<128x128xf32, #tpu.memory_space<vmem>>) target_semaphore(%dma_start3A_161 : memref<!tpu.dma_semaphore, #tpu.memory_space<semaphore_mem>>)
          %dma_start3A_168 = arith.constant 0 : i32
          %dma_start3A_169 = arith.constant 0 : i32
          %dma_start3A_170 = arith.constant 0 : i32
          %dma_start3A_171 = arith.constant 0 : i32
          %dma_start3A_172 = tpu.memref_slice %arg11[%dma_start3A_168, %dma_start3A_170, %dma_start3A_171] : memref<2x128x16xf32, #tpu.memory_space<vmem>> -> memref<1x128x16xf32, #tpu.memory_space<vmem>>
          %dma_start3A_173 = tpu.memref_squeeze %dma_start3A_172 : memref<1x128x16xf32, #tpu.memory_space<vmem>> -> memref<128x16xf32, #tpu.memory_space<vmem>>
          %dma_start3A_174 = arith.constant 0 : i32
          %dma_start3A_175 = tpu.memref_slice %arg3[%mul3A_151, %dma_start3A_174] : memref<160000x16xf32, #tpu.memory_space<hbm>> -> memref<128x16xf32, #tpu.memory_space<hbm>>
          %dma_start3A_176 = tpu.memref_slice %arg14[%dma_start3A_169] : memref<2x!tpu.dma_semaphore, #tpu.memory_space<semaphore_mem>> -> memref<1x!tpu.dma_semaphore, #tpu.memory_space<semaphore_mem>>
          %dma_start3A_177 = tpu.memref_squeeze %dma_start3A_176 : memref<1x!tpu.dma_semaphore, #tpu.memory_space<semaphore_mem>> -> memref<!tpu.dma_semaphore, #tpu.memory_space<semaphore_mem>>
          %dma_start3A_178 = arith.constant 0 : i32
          %dma_start3A_179 = arith.constant 0 : i32
          %dma_start3A_180 = tpu.memref_slice %arg11[%dma_start3A_168, %dma_start3A_178, %dma_start3A_179] : memref<2x128x16xf32, #tpu.memory_space<vmem>> -> memref<1x128x16xf32, #tpu.memory_space<vmem>>
          %dma_start3A_181 = tpu.memref_squeeze %dma_start3A_180 : memref<1x128x16xf32, #tpu.memory_space<vmem>> -> memref<128x16xf32, #tpu.memory_space<vmem>>
          %dma_start3A_182 = arith.constant 0 : i32
          %dma_start3A_183 = tpu.memref_slice %arg3[%mul3A_151, %dma_start3A_182] : memref<160000x16xf32, #tpu.memory_space<hbm>> -> memref<128x16xf32, #tpu.memory_space<hbm>>
          tpu.enqueue_dma source(%dma_start3A_183 : memref<128x16xf32, #tpu.memory_space<hbm>>) target(%dma_start3A_181 : memref<128x16xf32, #tpu.memory_space<vmem>>) target_semaphore(%dma_start3A_177 : memref<!tpu.dma_semaphore, #tpu.memory_space<semaphore_mem>>)
          %dma_start3A_184 = arith.constant 0 : i32
          %dma_start3A_185 = arith.constant 0 : i32
          %dma_start3A_186 = arith.constant 0 : i32
          %dma_start3A_187 = tpu.memref_slice %arg9[%dma_start3A_184, %dma_start3A_186] : memref<2x128xi32, #tpu.memory_space<vmem>> -> memref<1x128xi32, #tpu.memory_space<vmem>>
          %dma_start3A_188 = tpu.memref_squeeze %dma_start3A_187 : memref<1x128xi32, #tpu.memory_space<vmem>> -> memref<128xi32, #tpu.memory_space<vmem>>
          %dma_start3A_189 = tpu.memref_slice %arg4[%mul3A_151] : memref<163840xi32, #tpu.memory_space<hbm>> -> memref<128xi32, #tpu.memory_space<hbm>>
          %dma_start3A_190 = tpu.memref_slice %arg14[%dma_start3A_185] : memref<2x!tpu.dma_semaphore, #tpu.memory_space<semaphore_mem>> -> memref<1x!tpu.dma_semaphore, #tpu.memory_space<semaphore_mem>>
          %dma_start3A_191 = tpu.memref_squeeze %dma_start3A_190 : memref<1x!tpu.dma_semaphore, #tpu.memory_space<semaphore_mem>> -> memref<!tpu.dma_semaphore, #tpu.memory_space<semaphore_mem>>
          %dma_start3A_192 = arith.constant 0 : i32
          %dma_start3A_193 = tpu.memref_slice %arg9[%dma_start3A_184, %dma_start3A_192] : memref<2x128xi32, #tpu.memory_space<vmem>> -> memref<1x128xi32, #tpu.memory_space<vmem>>
          %dma_start3A_194 = tpu.memref_squeeze %dma_start3A_193 : memref<1x128xi32, #tpu.memory_space<vmem>> -> memref<128xi32, #tpu.memory_space<vmem>>
          %dma_start3A_195 = tpu.memref_slice %arg4[%mul3A_151] : memref<163840xi32, #tpu.memory_space<hbm>> -> memref<128xi32, #tpu.memory_space<hbm>>
          tpu.enqueue_dma source(%dma_start3A_195 : memref<128xi32, #tpu.memory_space<hbm>>) target(%dma_start3A_194 : memref<128xi32, #tpu.memory_space<vmem>>) target_semaphore(%dma_start3A_191 : memref<!tpu.dma_semaphore, #tpu.memory_space<semaphore_mem>>)
        } else {
        }
        %dma_start3A = arith.constant 1 : i32
        %dma_start3A_118 = arith.constant 1 : i32
        %dma_start3A_119 = arith.constant 1 : i32
        %dma_start3A_120 = arith.constant 0 : i32
        %dma_start3A_121 = arith.constant 0 : i32
        %dma_start3A_122 = tpu.memref_slice %arg10[%dma_start3A, %dma_start3A_120, %dma_start3A_121] : memref<2x128x128xf32, #tpu.memory_space<vmem>> -> memref<1x128x128xf32, #tpu.memory_space<vmem>>
        %dma_start3A_123 = tpu.memref_squeeze %dma_start3A_122 : memref<1x128x128xf32, #tpu.memory_space<vmem>> -> memref<128x128xf32, #tpu.memory_space<vmem>>
        %dma_start3A_124 = arith.constant 0 : i32
        %dma_start3A_125 = tpu.memref_slice %arg9[%dma_start3A_118, %dma_start3A_124] : memref<2x128xi32, #tpu.memory_space<vmem>> -> memref<1x128xi32, #tpu.memory_space<vmem>>
        %dma_start3A_126 = tpu.memref_squeeze %dma_start3A_125 : memref<1x128xi32, #tpu.memory_space<vmem>> -> memref<128xi32, #tpu.memory_space<vmem>>
        %dma_start3A_127 = arith.constant 0 : i32
        %dma_start3A_128 = arith.constant 0 : i32
        %dma_start3A_129 = tpu.memref_slice %arg12[%dma_start3A_127, %dma_start3A_128] : memref<10240x128xf32, #tpu.memory_space<vmem_shared>> -> memref<10240x128xf32, #tpu.memory_space<vmem_shared>>
        %dma_start3A_130 = tpu.memref_slice %arg15[%dma_start3A_119] : memref<2x!tpu.dma_semaphore, #tpu.memory_space<semaphore_mem>> -> memref<1x!tpu.dma_semaphore, #tpu.memory_space<semaphore_mem>>
        %dma_start3A_131 = tpu.memref_squeeze %dma_start3A_130 : memref<1x!tpu.dma_semaphore, #tpu.memory_space<semaphore_mem>> -> memref<!tpu.dma_semaphore, #tpu.memory_space<semaphore_mem>>
        tpu.enqueue_indirect_dma source(%dma_start3A_123 : memref<128x128xf32, #tpu.memory_space<vmem>>) target(%dma_start3A_129 : memref<10240x128xf32, #tpu.memory_space<vmem_shared>>) offsets(%dma_start3A_126 : memref<128xi32, #tpu.memory_space<vmem>>) semaphore(%dma_start3A_131 : memref<!tpu.dma_semaphore, #tpu.memory_space<semaphore_mem>>) {add = true}
        %dma_start3A_132 = arith.constant 1 : i32
        %dma_start3A_133 = arith.constant 1 : i32
        %dma_start3A_134 = arith.constant 1 : i32
        %dma_start3A_135 = arith.constant 0 : i32
        %dma_start3A_136 = arith.constant 0 : i32
        %dma_start3A_137 = tpu.memref_slice %arg11[%dma_start3A_132, %dma_start3A_135, %dma_start3A_136] : memref<2x128x16xf32, #tpu.memory_space<vmem>> -> memref<1x128x16xf32, #tpu.memory_space<vmem>>
        %dma_start3A_138 = tpu.memref_squeeze %dma_start3A_137 : memref<1x128x16xf32, #tpu.memory_space<vmem>> -> memref<128x16xf32, #tpu.memory_space<vmem>>
        %dma_start3A_139 = arith.constant 0 : i32
        %dma_start3A_140 = tpu.memref_slice %arg9[%dma_start3A_133, %dma_start3A_139] : memref<2x128xi32, #tpu.memory_space<vmem>> -> memref<1x128xi32, #tpu.memory_space<vmem>>
        %dma_start3A_141 = tpu.memref_squeeze %dma_start3A_140 : memref<1x128xi32, #tpu.memory_space<vmem>> -> memref<128xi32, #tpu.memory_space<vmem>>
        %dma_start3A_142 = arith.constant 0 : i32
        %dma_start3A_143 = arith.constant 0 : i32
        %dma_start3A_144 = tpu.memref_slice %arg13[%dma_start3A_142, %dma_start3A_143] : memref<10240x16xf32, #tpu.memory_space<vmem_shared>> -> memref<10240x16xf32, #tpu.memory_space<vmem_shared>>
        %dma_start3A_145 = tpu.memref_slice %arg15[%dma_start3A_134] : memref<2x!tpu.dma_semaphore, #tpu.memory_space<semaphore_mem>> -> memref<1x!tpu.dma_semaphore, #tpu.memory_space<semaphore_mem>>
        %dma_start3A_146 = tpu.memref_squeeze %dma_start3A_145 : memref<1x!tpu.dma_semaphore, #tpu.memory_space<semaphore_mem>> -> memref<!tpu.dma_semaphore, #tpu.memory_space<semaphore_mem>>
        tpu.enqueue_indirect_dma source(%dma_start3A_138 : memref<128x16xf32, #tpu.memory_space<vmem>>) target(%dma_start3A_144 : memref<10240x16xf32, #tpu.memory_space<vmem_shared>>) offsets(%dma_start3A_141 : memref<128xi32, #tpu.memory_space<vmem>>) semaphore(%dma_start3A_146 : memref<!tpu.dma_semaphore, #tpu.memory_space<semaphore_mem>>) {add = true}
      } else {
      }
    }
    %scan3A_15 = arith.constant 20 : i32
    %gt3A_16 = arith.constant 0 : i32
    %gt3A_17 = arith.cmpi sgt, %min3A, %gt3A_16 : i32
    %sub3A_18 = arith.constant 1 : i32
    %sub3A_19 = arith.subi %min3A, %sub3A_18 : i32
    %rem3A = arith.constant 2 : i32
    %rem3A_20 = arith.remsi %sub3A_19, %rem3A : i32
    %eq3A = arith.constant 0 : i32
    %eq3A_21 = arith.cmpi eq, %rem3A_20, %eq3A : i32
    %and3A = arith.andi %gt3A_17, %eq3A_21 : i1
    %convert_element_type3A_22 = arith.extui %and3A : i1 to i32
    %cond3A_23 = arith.constant 0 : i32
    %cond3A_24 = arith.cmpi ne, %convert_element_type3A_22, %cond3A_23 : i32
    scf.if %cond3A_24 {
      %sub3A_46 = arith.constant 1 : i32
      %sub3A_47 = arith.subi %min3A, %sub3A_46 : i32
      %dma_wait3A = arith.constant 0 : i32
      %dma_wait3A_48 = arith.constant 0 : i32
      %dma_wait3A_49 = arith.constant 0 : i32
      %dma_wait3A_50 = arith.constant 0 : i32
      %dma_wait3A_51 = arith.constant 0 : i32
      %dma_wait3A_52 = tpu.memref_slice %arg10[%dma_wait3A, %dma_wait3A_50, %dma_wait3A_51] : memref<2x128x128xf32, #tpu.memory_space<vmem>> -> memref<1x128x128xf32, #tpu.memory_space<vmem>>
      %dma_wait3A_53 = tpu.memref_squeeze %dma_wait3A_52 : memref<1x128x128xf32, #tpu.memory_space<vmem>> -> memref<128x128xf32, #tpu.memory_space<vmem>>
      %dma_wait3A_54 = arith.constant 0 : i32
      %dma_wait3A_55 = tpu.memref_slice %arg9[%dma_wait3A_48, %dma_wait3A_54] : memref<2x128xi32, #tpu.memory_space<vmem>> -> memref<1x128xi32, #tpu.memory_space<vmem>>
      %dma_wait3A_56 = tpu.memref_squeeze %dma_wait3A_55 : memref<1x128xi32, #tpu.memory_space<vmem>> -> memref<128xi32, #tpu.memory_space<vmem>>
      %dma_wait3A_57 = arith.constant 0 : i32
      %dma_wait3A_58 = arith.constant 0 : i32
      %dma_wait3A_59 = tpu.memref_slice %arg12[%dma_wait3A_57, %dma_wait3A_58] : memref<10240x128xf32, #tpu.memory_space<vmem_shared>> -> memref<10240x128xf32, #tpu.memory_space<vmem_shared>>
      %dma_wait3A_60 = tpu.memref_slice %arg15[%dma_wait3A_49] : memref<2x!tpu.dma_semaphore, #tpu.memory_space<semaphore_mem>> -> memref<1x!tpu.dma_semaphore, #tpu.memory_space<semaphore_mem>>
      %dma_wait3A_61 = tpu.memref_squeeze %dma_wait3A_60 : memref<1x!tpu.dma_semaphore, #tpu.memory_space<semaphore_mem>> -> memref<!tpu.dma_semaphore, #tpu.memory_space<semaphore_mem>>
      tpu.wait_indirect_dma semaphore(%dma_wait3A_61 : memref<!tpu.dma_semaphore, #tpu.memory_space<semaphore_mem>>) src(%dma_wait3A_53 : memref<128x128xf32, #tpu.memory_space<vmem>>) dst(%dma_wait3A_59 : memref<10240x128xf32, #tpu.memory_space<vmem_shared>>)
      %dma_wait3A_62 = arith.constant 0 : i32
      %dma_wait3A_63 = arith.constant 0 : i32
      %dma_wait3A_64 = arith.constant 0 : i32
      %dma_wait3A_65 = arith.constant 0 : i32
      %dma_wait3A_66 = arith.constant 0 : i32
      %dma_wait3A_67 = tpu.memref_slice %arg11[%dma_wait3A_62, %dma_wait3A_65, %dma_wait3A_66] : memref<2x128x16xf32, #tpu.memory_space<vmem>> -> memref<1x128x16xf32, #tpu.memory_space<vmem>>
      %dma_wait3A_68 = tpu.memref_squeeze %dma_wait3A_67 : memref<1x128x16xf32, #tpu.memory_space<vmem>> -> memref<128x16xf32, #tpu.memory_space<vmem>>
      %dma_wait3A_69 = arith.constant 0 : i32
      %dma_wait3A_70 = tpu.memref_slice %arg9[%dma_wait3A_63, %dma_wait3A_69] : memref<2x128xi32, #tpu.memory_space<vmem>> -> memref<1x128xi32, #tpu.memory_space<vmem>>
      %dma_wait3A_71 = tpu.memref_squeeze %dma_wait3A_70 : memref<1x128xi32, #tpu.memory_space<vmem>> -> memref<128xi32, #tpu.memory_space<vmem>>
      %dma_wait3A_72 = arith.constant 0 : i32
      %dma_wait3A_73 = arith.constant 0 : i32
      %dma_wait3A_74 = tpu.memref_slice %arg13[%dma_wait3A_72, %dma_wait3A_73] : memref<10240x16xf32, #tpu.memory_space<vmem_shared>> -> memref<10240x16xf32, #tpu.memory_space<vmem_shared>>
      %dma_wait3A_75 = tpu.memref_slice %arg15[%dma_wait3A_64] : memref<2x!tpu.dma_semaphore, #tpu.memory_space<semaphore_mem>> -> memref<1x!tpu.dma_semaphore, #tpu.memory_space<semaphore_mem>>
      %dma_wait3A_76 = tpu.memref_squeeze %dma_wait3A_75 : memref<1x!tpu.dma_semaphore, #tpu.memory_space<semaphore_mem>> -> memref<!tpu.dma_semaphore, #tpu.memory_space<semaphore_mem>>
      tpu.wait_indirect_dma semaphore(%dma_wait3A_76 : memref<!tpu.dma_semaphore, #tpu.memory_space<semaphore_mem>>) src(%dma_wait3A_68 : memref<128x16xf32, #tpu.memory_space<vmem>>) dst(%dma_wait3A_74 : memref<10240x16xf32, #tpu.memory_space<vmem_shared>>)
    } else {
    }
    %gt3A_25 = arith.constant 0 : i32
    %gt3A_26 = arith.cmpi sgt, %min3A, %gt3A_25 : i32
    %sub3A_27 = arith.constant 1 : i32
    %sub3A_28 = arith.subi %min3A, %sub3A_27 : i32
    %rem3A_29 = arith.constant 2 : i32
    %rem3A_30 = arith.remsi %sub3A_28, %rem3A_29 : i32
    %eq3A_31 = arith.constant 1 : i32
    %eq3A_32 = arith.cmpi eq, %rem3A_30, %eq3A_31 : i32
    %and3A_33 = arith.andi %gt3A_26, %eq3A_32 : i1
    %convert_element_type3A_34 = arith.extui %and3A_33 : i1 to i32
    %cond3A_35 = arith.constant 0 : i32
    %cond3A_36 = arith.cmpi ne, %convert_element_type3A_34, %cond3A_35 : i32
    scf.if %cond3A_36 {
      %sub3A_46 = arith.constant 1 : i32
      %sub3A_47 = arith.subi %min3A, %sub3A_46 : i32
      %dma_wait3A = arith.constant 1 : i32
      %dma_wait3A_48 = arith.constant 1 : i32
      %dma_wait3A_49 = arith.constant 1 : i32
      %dma_wait3A_50 = arith.constant 0 : i32
      %dma_wait3A_51 = arith.constant 0 : i32
      %dma_wait3A_52 = tpu.memref_slice %arg10[%dma_wait3A, %dma_wait3A_50, %dma_wait3A_51] : memref<2x128x128xf32, #tpu.memory_space<vmem>> -> memref<1x128x128xf32, #tpu.memory_space<vmem>>
      %dma_wait3A_53 = tpu.memref_squeeze %dma_wait3A_52 : memref<1x128x128xf32, #tpu.memory_space<vmem>> -> memref<128x128xf32, #tpu.memory_space<vmem>>
      %dma_wait3A_54 = arith.constant 0 : i32
      %dma_wait3A_55 = tpu.memref_slice %arg9[%dma_wait3A_48, %dma_wait3A_54] : memref<2x128xi32, #tpu.memory_space<vmem>> -> memref<1x128xi32, #tpu.memory_space<vmem>>
      %dma_wait3A_56 = tpu.memref_squeeze %dma_wait3A_55 : memref<1x128xi32, #tpu.memory_space<vmem>> -> memref<128xi32, #tpu.memory_space<vmem>>
      %dma_wait3A_57 = arith.constant 0 : i32
      %dma_wait3A_58 = arith.constant 0 : i32
      %dma_wait3A_59 = tpu.memref_slice %arg12[%dma_wait3A_57, %dma_wait3A_58] : memref<10240x128xf32, #tpu.memory_space<vmem_shared>> -> memref<10240x128xf32, #tpu.memory_space<vmem_shared>>
      %dma_wait3A_60 = tpu.memref_slice %arg15[%dma_wait3A_49] : memref<2x!tpu.dma_semaphore, #tpu.memory_space<semaphore_mem>> -> memref<1x!tpu.dma_semaphore, #tpu.memory_space<semaphore_mem>>
      %dma_wait3A_61 = tpu.memref_squeeze %dma_wait3A_60 : memref<1x!tpu.dma_semaphore, #tpu.memory_space<semaphore_mem>> -> memref<!tpu.dma_semaphore, #tpu.memory_space<semaphore_mem>>
      tpu.wait_indirect_dma semaphore(%dma_wait3A_61 : memref<!tpu.dma_semaphore, #tpu.memory_space<semaphore_mem>>) src(%dma_wait3A_53 : memref<128x128xf32, #tpu.memory_space<vmem>>) dst(%dma_wait3A_59 : memref<10240x128xf32, #tpu.memory_space<vmem_shared>>)
      %dma_wait3A_62 = arith.constant 1 : i32
      %dma_wait3A_63 = arith.constant 1 : i32
      %dma_wait3A_64 = arith.constant 1 : i32
      %dma_wait3A_65 = arith.constant 0 : i32
      %dma_wait3A_66 = arith.constant 0 : i32
      %dma_wait3A_67 = tpu.memref_slice %arg11[%dma_wait3A_62, %dma_wait3A_65, %dma_wait3A_66] : memref<2x128x16xf32, #tpu.memory_space<vmem>> -> memref<1x128x16xf32, #tpu.memory_space<vmem>>
      %dma_wait3A_68 = tpu.memref_squeeze %dma_wait3A_67 : memref<1x128x16xf32, #tpu.memory_space<vmem>> -> memref<128x16xf32, #tpu.memory_space<vmem>>
      %dma_wait3A_69 = arith.constant 0 : i32
      %dma_wait3A_70 = tpu.memref_slice %arg9[%dma_wait3A_63, %dma_wait3A_69] : memref<2x128xi32, #tpu.memory_space<vmem>> -> memref<1x128xi32, #tpu.memory_space<vmem>>
      %dma_wait3A_71 = tpu.memref_squeeze %dma_wait3A_70 : memref<1x128xi32, #tpu.memory_space<vmem>> -> memref<128xi32, #tpu.memory_space<vmem>>
      %dma_wait3A_72 = arith.constant 0 : i32
      %dma_wait3A_73 = arith.constant 0 : i32
      %dma_wait3A_74 = tpu.memref_slice %arg13[%dma_wait3A_72, %dma_wait3A_73] : memref<10240x16xf32, #tpu.memory_space<vmem_shared>> -> memref<10240x16xf32, #tpu.memory_space<vmem_shared>>
      %dma_wait3A_75 = tpu.memref_slice %arg15[%dma_wait3A_64] : memref<2x!tpu.dma_semaphore, #tpu.memory_space<semaphore_mem>> -> memref<1x!tpu.dma_semaphore, #tpu.memory_space<semaphore_mem>>
      %dma_wait3A_76 = tpu.memref_squeeze %dma_wait3A_75 : memref<1x!tpu.dma_semaphore, #tpu.memory_space<semaphore_mem>> -> memref<!tpu.dma_semaphore, #tpu.memory_space<semaphore_mem>>
      tpu.wait_indirect_dma semaphore(%dma_wait3A_76 : memref<!tpu.dma_semaphore, #tpu.memory_space<semaphore_mem>>) src(%dma_wait3A_68 : memref<128x16xf32, #tpu.memory_space<vmem>>) dst(%dma_wait3A_74 : memref<10240x16xf32, #tpu.memory_space<vmem_shared>>)
    } else {
    }
    %barrier3A_37 = arith.constant 0 : index
    tpu.barrier barrier_id(%barrier3A_37)
    %mul3A_38 = arith.constant 640 : i32
    %mul3A_39 = arith.muli %arg1, %mul3A_38 : i32
    %mul3A_40 = arith.constant 640 : i32
    %mul3A_41 = arith.muli %arg1, %mul3A_40 : i32
    "tpu.region"() ({
      %run_scoped3A = tpu.sem_alloc : memref<!tpu.dma_semaphore, #tpu.memory_space<semaphore_mem>>
      %dma_start3A = arith.constant 0 : i32
      %dma_start3A_46 = tpu.memref_slice %arg7[%arg0, %mul3A_41, %dma_start3A] : memref<2x10240x128xf32, #tpu.memory_space<hbm>> -> memref<1x640x128xf32, #tpu.memory_space<hbm>>
      %dma_start3A_47 = tpu.memref_squeeze %dma_start3A_46 : memref<1x640x128xf32, #tpu.memory_space<hbm>> -> memref<640x128xf32, #tpu.memory_space<hbm>>
      %dma_start3A_48 = arith.constant 0 : i32
      %dma_start3A_49 = tpu.memref_slice %arg12[%mul3A_39, %dma_start3A_48] : memref<10240x128xf32, #tpu.memory_space<vmem_shared>> -> memref<640x128xf32, #tpu.memory_space<vmem_shared>>
      tpu.enqueue_dma source(%dma_start3A_49 : memref<640x128xf32, #tpu.memory_space<vmem_shared>>) target(%dma_start3A_47 : memref<640x128xf32, #tpu.memory_space<hbm>>) target_semaphore(%run_scoped3A : memref<!tpu.dma_semaphore, #tpu.memory_space<semaphore_mem>>)
      %dma_wait3A = arith.constant 0 : i32
      %dma_wait3A_50 = tpu.memref_slice %arg7[%arg0, %mul3A_41, %dma_wait3A] : memref<2x10240x128xf32, #tpu.memory_space<hbm>> -> memref<1x640x128xf32, #tpu.memory_space<hbm>>
      %dma_wait3A_51 = tpu.memref_squeeze %dma_wait3A_50 : memref<1x640x128xf32, #tpu.memory_space<hbm>> -> memref<640x128xf32, #tpu.memory_space<hbm>>
      %dma_wait3A_52 = arith.constant 0 : i32
      %dma_wait3A_53 = tpu.memref_slice %arg12[%mul3A_39, %dma_wait3A_52] : memref<10240x128xf32, #tpu.memory_space<vmem_shared>> -> memref<640x128xf32, #tpu.memory_space<vmem_shared>>
      tpu.wait_dma2 semaphore(%run_scoped3A : memref<!tpu.dma_semaphore, #tpu.memory_space<semaphore_mem>>) src(%dma_wait3A_53 : memref<640x128xf32, #tpu.memory_space<vmem_shared>>) dst(%dma_wait3A_51 : memref<640x128xf32, #tpu.memory_space<hbm>>)
      tpu.yield
    }) : () -> ()
    %mul3A_42 = arith.constant 640 : i32
    %mul3A_43 = arith.muli %arg1, %mul3A_42 : i32
    %mul3A_44 = arith.constant 640 : i32
    %mul3A_45 = arith.muli %arg1, %mul3A_44 : i32
    "tpu.region"() ({
      %run_scoped3A = tpu.sem_alloc : memref<!tpu.dma_semaphore, #tpu.memory_space<semaphore_mem>>
      %dma_start3A = arith.constant 0 : i32
      %dma_start3A_46 = tpu.memref_slice %arg8[%arg0, %mul3A_45, %dma_start3A] : memref<2x10240x16xf32, #tpu.memory_space<hbm>> -> memref<1x640x16xf32, #tpu.memory_space<hbm>>
      %dma_start3A_47 = tpu.memref_squeeze %dma_start3A_46 : memref<1x640x16xf32, #tpu.memory_space<hbm>> -> memref<640x16xf32, #tpu.memory_space<hbm>>
      %dma_start3A_48 = arith.constant 0 : i32
      %dma_start3A_49 = tpu.memref_slice %arg13[%mul3A_43, %dma_start3A_48] : memref<10240x16xf32, #tpu.memory_space<vmem_shared>> -> memref<640x16xf32, #tpu.memory_space<vmem_shared>>
      tpu.enqueue_dma source(%dma_start3A_49 : memref<640x16xf32, #tpu.memory_space<vmem_shared>>) target(%dma_start3A_47 : memref<640x16xf32, #tpu.memory_space<hbm>>) target_semaphore(%run_scoped3A : memref<!tpu.dma_semaphore, #tpu.memory_space<semaphore_mem>>)
      %dma_wait3A = arith.constant 0 : i32
      %dma_wait3A_50 = tpu.memref_slice %arg8[%arg0, %mul3A_45, %dma_wait3A] : memref<2x10240x16xf32, #tpu.memory_space<hbm>> -> memref<1x640x16xf32, #tpu.memory_space<hbm>>
      %dma_wait3A_51 = tpu.memref_squeeze %dma_wait3A_50 : memref<1x640x16xf32, #tpu.memory_space<hbm>> -> memref<640x16xf32, #tpu.memory_space<hbm>>
      %dma_wait3A_52 = arith.constant 0 : i32
      %dma_wait3A_53 = tpu.memref_slice %arg13[%mul3A_43, %dma_wait3A_52] : memref<10240x16xf32, #tpu.memory_space<vmem_shared>> -> memref<640x16xf32, #tpu.memory_space<vmem_shared>>
      tpu.wait_dma2 semaphore(%run_scoped3A : memref<!tpu.dma_semaphore, #tpu.memory_space<semaphore_mem>>) src(%dma_wait3A_53 : memref<640x16xf32, #tpu.memory_space<vmem_shared>>) dst(%dma_wait3A_51 : memref<640x16xf32, #tpu.memory_space<hbm>>)
      tpu.yield
    }) : () -> ()
    return
  }
}

module attributes {stable_mosaic.version = 14 : i64} {
  func.func @_msg_body(%arg0: i32, %arg1: memref<8x6400xf32, #tpu.memory_space<vmem>>, %arg2: memref<6400x128xf32, #tpu.memory_space<vmem>>, %arg3: memref<9x6400xf32, #tpu.memory_space<vmem>>, %arg4: memref<8x64xf32, #tpu.memory_space<vmem>>, %arg5: memref<1x64xf32, #tpu.memory_space<vmem>>, %arg6: memref<64x768xbf16, #tpu.memory_space<vmem>>, %arg7: memref<1x768xf32, #tpu.memory_space<vmem>>, %arg8: memref<128x256xbf16, #tpu.memory_space<vmem>>, %arg9: memref<768x144xbf16, #tpu.memory_space<vmem>>, %arg10: memref<9x144xf32, #tpu.memory_space<vmem>>, %arg11: memref<6400x128xf32, #tpu.memory_space<vmem>>, %arg12: memref<6400x16xf32, #tpu.memory_space<vmem>>) attributes {dimension_semantics = [#tpu.dimension_semantics<arbitrary>], iteration_bounds = array<i64: 25>, scalar_prefetch = 0 : i64, scratch_operands = 0 : i64, tpu.core_type = #tpu.core_type<tc>, window_params = [{transform_indices = @transform_0, window_bounds = array<i64: 8, 6400>}, {transform_indices = @transform_1, window_bounds = array<i64: 6400, 128>}, {transform_indices = @transform_2, window_bounds = array<i64: 9, 6400>}, {pipeline_mode = #tpu.pipeline_mode<synchronous>, transform_indices = @transform_3, window_bounds = array<i64: 8, 64>}, {pipeline_mode = #tpu.pipeline_mode<synchronous>, transform_indices = @transform_4, window_bounds = array<i64: 1, 64>}, {pipeline_mode = #tpu.pipeline_mode<synchronous>, transform_indices = @transform_5, window_bounds = array<i64: 64, 768>}, {pipeline_mode = #tpu.pipeline_mode<synchronous>, transform_indices = @transform_6, window_bounds = array<i64: 1, 768>}, {pipeline_mode = #tpu.pipeline_mode<synchronous>, transform_indices = @transform_7, window_bounds = array<i64: 128, 256>}, {pipeline_mode = #tpu.pipeline_mode<synchronous>, transform_indices = @transform_8, window_bounds = array<i64: 768, 144>}, {pipeline_mode = #tpu.pipeline_mode<synchronous>, transform_indices = @transform_9, window_bounds = array<i64: 9, 144>}, {transform_indices = @transform_10, window_bounds = array<i64: 6400, 128>}, {transform_indices = @transform_11, window_bounds = array<i64: 6400, 16>}]} {
    %get3A = arith.constant 0 : index
    %get3A_0 = arith.constant 0 : index
    %get3A_1 = vector.load %arg1[%get3A, %get3A_0] : memref<8x6400xf32, #tpu.memory_space<vmem>>, vector<8x6400xf32>
    %get3A_2 = arith.constant 0 : index
    %get3A_3 = arith.constant 0 : index
    %get3A_4 = vector.load %arg4[%get3A_2, %get3A_3] : memref<8x64xf32, #tpu.memory_space<vmem>>, vector<8x64xf32>
    %dot_general3A = arith.constant dense<0.000000e+00> : vector<6400x64xf32>
    %dot_general3A_5 = tpu.matmul %get3A_1, %get3A_4, %dot_general3A {dimension_numbers = #tpu.dot_dimension_numbers<[0], [0], [1], [1], [0, 1, 1, 1], [], []>, transpose_lhs_hint = false} : vector<8x6400xf32>, vector<8x64xf32>, vector<6400x64xf32> -> vector<6400x64xf32>
    %get3A_6 = arith.constant 0 : index
    %get3A_7 = arith.constant 0 : index
    %get3A_8 = vector.load %arg5[%get3A_6, %get3A_7] : memref<1x64xf32, #tpu.memory_space<vmem>>, vector<1x64xf32>
    %add3A = vector.broadcast %get3A_8 : vector<1x64xf32> to vector<6400x64xf32>
    %add3A_9 = arith.addf %dot_general3A_5, %add3A : vector<6400x64xf32>
    %neg3A = arith.constant 0.000000e+00 : f32
    %neg3A_10 = vector.broadcast %neg3A : f32 to vector<6400x64xf32>
    %neg3A_11 = arith.subf %neg3A_10, %add3A_9 : vector<6400x64xf32>
    %exp3A = math.exp %neg3A_11 : vector<6400x64xf32>
    %add3A_12 = arith.constant 1.000000e+00 : f32
    %add3A_13 = vector.broadcast %add3A_12 : f32 to vector<6400x64xf32>
    %add3A_14 = arith.addf %add3A_13, %exp3A : vector<6400x64xf32>
    %div3A = arith.constant 1.000000e+00 : f32
    %div3A_15 = vector.broadcast %div3A : f32 to vector<6400x64xf32>
    %div3A_16 = arith.divf %div3A_15, %add3A_14 : vector<6400x64xf32>
    %mul3A = arith.mulf %add3A_9, %div3A_16 : vector<6400x64xf32>
    %convert_element_type3A = arith.truncf %mul3A : vector<6400x64xf32> to vector<6400x64xbf16>
    %get3A_17 = arith.constant 0 : index
    %get3A_18 = arith.constant 0 : index
    %get3A_19 = vector.load %arg6[%get3A_17, %get3A_18] : memref<64x768xbf16, #tpu.memory_space<vmem>>, vector<64x768xbf16>
    %dot_general3A_20 = arith.constant dense<0.000000e+00> : vector<6400x768xf32>
    %dot_general3A_21 = tpu.matmul %convert_element_type3A, %get3A_19, %dot_general3A_20 {dimension_numbers = #tpu.dot_dimension_numbers<[1], [0], [0], [1], [0, 0, 1, 1], [], []>, transpose_lhs_hint = false} : vector<6400x64xbf16>, vector<64x768xbf16>, vector<6400x768xf32> -> vector<6400x768xf32>
    %get3A_22 = arith.constant 0 : index
    %get3A_23 = arith.constant 0 : index
    %get3A_24 = vector.load %arg7[%get3A_22, %get3A_23] : memref<1x768xf32, #tpu.memory_space<vmem>>, vector<1x768xf32>
    %add3A_25 = vector.broadcast %get3A_24 : vector<1x768xf32> to vector<6400x768xf32>
    %add3A_26 = arith.addf %dot_general3A_21, %add3A_25 : vector<6400x768xf32>
    %convert_element_type3A_27 = arith.truncf %add3A_26 : vector<6400x768xf32> to vector<6400x768xbf16>
    %get3A_28 = arith.constant 0 : index
    %get3A_29 = arith.constant 0 : index
    %get3A_30 = vector.load %arg2[%get3A_28, %get3A_29] : memref<6400x128xf32, #tpu.memory_space<vmem>>, vector<6400x128xf32>
    %convert_element_type3A_31 = arith.truncf %get3A_30 : vector<6400x128xf32> to vector<6400x128xbf16>
    %get3A_32 = arith.constant 0 : index
    %get3A_33 = arith.constant 0 : index
    %get3A_34 = vector.load %arg8[%get3A_32, %get3A_33] : memref<128x256xbf16, #tpu.memory_space<vmem>>, vector<128x256xbf16>
    %dot_general3A_35 = arith.constant dense<0.000000e+00> : vector<6400x256xf32>
    %dot_general3A_36 = tpu.matmul %convert_element_type3A_31, %get3A_34, %dot_general3A_35 {dimension_numbers = #tpu.dot_dimension_numbers<[1], [0], [0], [1], [0, 0, 1, 1], [], []>, transpose_lhs_hint = false} : vector<6400x128xbf16>, vector<128x256xbf16>, vector<6400x256xf32> -> vector<6400x256xf32>
    %convert_element_type3A_37 = arith.truncf %dot_general3A_36 : vector<6400x256xf32> to vector<6400x256xbf16>
    %concatenate3A = tpu.concatenate %convert_element_type3A_37, %convert_element_type3A_37, %convert_element_type3A_37 in 1 : vector<6400x256xbf16>, vector<6400x256xbf16>, vector<6400x256xbf16> -> vector<6400x768xbf16>
    %mul3A_38 = arith.mulf %concatenate3A, %convert_element_type3A_27 : vector<6400x768xbf16>
    %get3A_39 = arith.constant 0 : index
    %get3A_40 = arith.constant 0 : index
    %get3A_41 = vector.load %arg9[%get3A_39, %get3A_40] : memref<768x144xbf16, #tpu.memory_space<vmem>>, vector<768x144xbf16>
    %dot_general3A_42 = arith.constant dense<0.000000e+00> : vector<6400x144xf32>
    %dot_general3A_43 = tpu.matmul %mul3A_38, %get3A_41, %dot_general3A_42 {dimension_numbers = #tpu.dot_dimension_numbers<[1], [0], [0], [1], [0, 0, 1, 1], [], []>, transpose_lhs_hint = false} : vector<6400x768xbf16>, vector<768x144xbf16>, vector<6400x144xf32> -> vector<6400x144xf32>
    %get3A_44 = arith.constant 0 : index
    %get3A_45 = arith.constant 0 : index
    %get3A_46 = vector.load %arg3[%get3A_44, %get3A_45] : memref<9x6400xf32, #tpu.memory_space<vmem>>, vector<9x6400xf32>
    %get3A_47 = arith.constant 0 : index
    %get3A_48 = arith.constant 0 : index
    %get3A_49 = vector.load %arg10[%get3A_47, %get3A_48] : memref<9x144xf32, #tpu.memory_space<vmem>>, vector<9x144xf32>
    %dot_general3A_50 = arith.constant dense<0.000000e+00> : vector<6400x144xf32>
    %dot_general3A_51 = tpu.matmul %get3A_46, %get3A_49, %dot_general3A_50 {dimension_numbers = #tpu.dot_dimension_numbers<[0], [0], [1], [1], [0, 1, 1, 1], [], []>, transpose_lhs_hint = false} : vector<9x6400xf32>, vector<9x144xf32>, vector<6400x144xf32> -> vector<6400x144xf32>
    %mul3A_52 = arith.mulf %dot_general3A_43, %dot_general3A_51 : vector<6400x144xf32>
    %slice3A = vector.extract_strided_slice %mul3A_52 {offsets = [0, 0], sizes = [6400, 128], strides = [1, 1]} : vector<6400x144xf32> to vector<6400x128xf32>
    %swap3A = arith.constant 0 : index
    %swap3A_53 = arith.constant 0 : index
    %swap3A_54 = vector.load %arg11[%swap3A, %swap3A_53] : memref<6400x128xf32, #tpu.memory_space<vmem>>, vector<6400x128xf32>
    tpu.vector_store %arg11[%swap3A, %swap3A_53], %slice3A {strides = array<i32>} : memref<6400x128xf32, #tpu.memory_space<vmem>>, vector<6400x128xf32>,
    %slice3A_55 = vector.extract_strided_slice %mul3A_52 {offsets = [0, 128], sizes = [6400, 16], strides = [1, 1]} : vector<6400x144xf32> to vector<6400x16xf32>
    %swap3A_56 = arith.constant 0 : index
    %swap3A_57 = arith.constant 0 : index
    %swap3A_58 = vector.load %arg12[%swap3A_56, %swap3A_57] : memref<6400x16xf32, #tpu.memory_space<vmem>>, vector<6400x16xf32>
    tpu.vector_store %arg12[%swap3A_56, %swap3A_57], %slice3A_55 {strides = array<i32>} : memref<6400x16xf32, #tpu.memory_space<vmem>>, vector<6400x16xf32>,
    return
  }
  func.func @transform_0(%arg0: i32) -> (i32, i32) {
    %c0_i32 = arith.constant 0 : i32
    %c0_i32_0 = arith.constant 0 : i32
    return %c0_i32, %arg0 : i32, i32
  }
  func.func @transform_1(%arg0: i32) -> (i32, i32) {
    %c0_i32 = arith.constant 0 : i32
    %c0_i32_0 = arith.constant 0 : i32
    return %arg0, %c0_i32 : i32, i32
  }
  func.func @transform_2(%arg0: i32) -> (i32, i32) {
    %c0_i32 = arith.constant 0 : i32
    %c0_i32_0 = arith.constant 0 : i32
    return %c0_i32, %arg0 : i32, i32
  }
  func.func @transform_3(%arg0: i32) -> (i32, i32) {
    %c0_i32 = arith.constant 0 : i32
    %c0_i32_0 = arith.constant 0 : i32
    %c0_i32_1 = arith.constant 0 : i32
    return %c0_i32, %c0_i32_0 : i32, i32
  }
  func.func @transform_4(%arg0: i32) -> (i32, i32) {
    %c0_i32 = arith.constant 0 : i32
    %c0_i32_0 = arith.constant 0 : i32
    %c0_i32_1 = arith.constant 0 : i32
    return %c0_i32, %c0_i32_0 : i32, i32
  }
  func.func @transform_5(%arg0: i32) -> (i32, i32) {
    %c0_i32 = arith.constant 0 : i32
    %c0_i32_0 = arith.constant 0 : i32
    %c0_i32_1 = arith.constant 0 : i32
    return %c0_i32, %c0_i32_0 : i32, i32
  }
  func.func @transform_6(%arg0: i32) -> (i32, i32) {
    %c0_i32 = arith.constant 0 : i32
    %c0_i32_0 = arith.constant 0 : i32
    %c0_i32_1 = arith.constant 0 : i32
    return %c0_i32, %c0_i32_0 : i32, i32
  }
  func.func @transform_7(%arg0: i32) -> (i32, i32) {
    %c0_i32 = arith.constant 0 : i32
    %c0_i32_0 = arith.constant 0 : i32
    %c0_i32_1 = arith.constant 0 : i32
    return %c0_i32, %c0_i32_0 : i32, i32
  }
  func.func @transform_8(%arg0: i32) -> (i32, i32) {
    %c0_i32 = arith.constant 0 : i32
    %c0_i32_0 = arith.constant 0 : i32
    %c0_i32_1 = arith.constant 0 : i32
    return %c0_i32, %c0_i32_0 : i32, i32
  }
  func.func @transform_9(%arg0: i32) -> (i32, i32) {
    %c0_i32 = arith.constant 0 : i32
    %c0_i32_0 = arith.constant 0 : i32
    %c0_i32_1 = arith.constant 0 : i32
    return %c0_i32, %c0_i32_0 : i32, i32
  }
  func.func @transform_10(%arg0: i32) -> (i32, i32) {
    %c0_i32 = arith.constant 0 : i32
    %c0_i32_0 = arith.constant 0 : i32
    return %arg0, %c0_i32 : i32, i32
  }
  func.func @transform_11(%arg0: i32) -> (i32, i32) {
    %c0_i32 = arith.constant 0 : i32
    %c0_i32_0 = arith.constant 0 : i32
    return %arg0, %c0_i32 : i32, i32
  }
}

module attributes {stable_mosaic.version = 14 : i64} {
  func.func @_combine_body(%arg0: i32, %arg1: memref<2x1000x128xf32, #tpu.memory_space<vmem>>, %arg2: memref<2x1000x16xf32, #tpu.memory_space<vmem>>, %arg3: memref<1000x16xf32, #tpu.memory_space<vmem>>, %arg4: memref<16x16xf32, #tpu.memory_space<vmem>>, %arg5: memref<1000x144xf32, #tpu.memory_space<vmem>>) attributes {dimension_semantics = [#tpu.dimension_semantics<arbitrary>], iteration_bounds = array<i64: 10>, scalar_prefetch = 0 : i64, scratch_operands = 0 : i64, tpu.core_type = #tpu.core_type<tc>, window_params = [{transform_indices = @transform_0, window_bounds = array<i64: 2, 1000, 128>}, {transform_indices = @transform_1, window_bounds = array<i64: 2, 1000, 16>}, {transform_indices = @transform_2, window_bounds = array<i64: 1000, 16>}, {pipeline_mode = #tpu.pipeline_mode<synchronous>, transform_indices = @transform_3, window_bounds = array<i64: 16, 16>}, {transform_indices = @transform_4, window_bounds = array<i64: 1000, 144>}]} {
    %get3A = arith.constant 0 : index
    %get3A_0 = arith.constant 0 : index
    %get3A_1 = vector.load %arg3[%get3A, %get3A_0] : memref<1000x16xf32, #tpu.memory_space<vmem>>, vector<1000x16xf32>
    %get3A_2 = arith.constant 0 : index
    %get3A_3 = arith.constant 0 : index
    %get3A_4 = vector.load %arg4[%get3A_2, %get3A_3] : memref<16x16xf32, #tpu.memory_space<vmem>>, vector<16x16xf32>
    %dot_general3A = arith.constant dense<0.000000e+00> : vector<1000x16xf32>
    %dot_general3A_5 = tpu.matmul %get3A_1, %get3A_4, %dot_general3A {dimension_numbers = #tpu.dot_dimension_numbers<[1], [0], [0], [1], [0, 0, 1, 1], [], []>, transpose_lhs_hint = false} : vector<1000x16xf32>, vector<16x16xf32>, vector<1000x16xf32> -> vector<1000x16xf32>
    %mul3A = arith.constant 2.500000e-01 : f32
    %mul3A_6 = vector.broadcast %mul3A : f32 to vector<1000x16xf32>
    %mul3A_7 = arith.mulf %dot_general3A_5, %mul3A_6 : vector<1000x16xf32>
    %get3A_8 = arith.constant 0 : index
    %get3A_9 = arith.constant 0 : index
    %get3A_10 = arith.constant 0 : index
    %get3A_11 = vector.load %arg1[%get3A_8, %get3A_9, %get3A_10] : memref<2x1000x128xf32, #tpu.memory_space<vmem>>, vector<1x1000x128xf32>
    %get3A_12 = vector.shape_cast %get3A_11 : vector<1x1000x128xf32> to vector<1000x128xf32>
    %get3A_13 = arith.constant 1 : index
    %get3A_14 = arith.constant 0 : index
    %get3A_15 = arith.constant 0 : index
    %get3A_16 = vector.load %arg1[%get3A_13, %get3A_14, %get3A_15] : memref<2x1000x128xf32, #tpu.memory_space<vmem>>, vector<1x1000x128xf32>
    %get3A_17 = vector.shape_cast %get3A_16 : vector<1x1000x128xf32> to vector<1000x128xf32>
    %add3A = arith.addf %get3A_12, %get3A_17 : vector<1000x128xf32>
    %get3A_18 = arith.constant 0 : index
    %get3A_19 = arith.constant 0 : index
    %get3A_20 = arith.constant 0 : index
    %get3A_21 = vector.load %arg2[%get3A_18, %get3A_19, %get3A_20] : memref<2x1000x16xf32, #tpu.memory_space<vmem>>, vector<1x1000x16xf32>
    %get3A_22 = vector.shape_cast %get3A_21 : vector<1x1000x16xf32> to vector<1000x16xf32>
    %get3A_23 = arith.constant 1 : index
    %get3A_24 = arith.constant 0 : index
    %get3A_25 = arith.constant 0 : index
    %get3A_26 = vector.load %arg2[%get3A_23, %get3A_24, %get3A_25] : memref<2x1000x16xf32, #tpu.memory_space<vmem>>, vector<1x1000x16xf32>
    %get3A_27 = vector.shape_cast %get3A_26 : vector<1x1000x16xf32> to vector<1000x16xf32>
    %add3A_28 = arith.addf %get3A_22, %get3A_27 : vector<1000x16xf32>
    %broadcast_in_dim3A = arith.constant 0.000000e+00 : f32
    %broadcast_in_dim3A_29 = vector.broadcast %broadcast_in_dim3A : f32 to vector<1000x112xf32>
    %concatenate3A = tpu.concatenate %mul3A_7, %broadcast_in_dim3A_29 in 1 : vector<1000x16xf32>, vector<1000x112xf32> -> vector<1000x128xf32>
    %add3A_30 = arith.addf %add3A, %concatenate3A : vector<1000x128xf32>
    %concatenate3A_31 = tpu.concatenate %add3A_30, %add3A_28 in 1 : vector<1000x128xf32>, vector<1000x16xf32> -> vector<1000x144xf32>
    %swap3A = arith.constant 0 : index
    %swap3A_32 = arith.constant 0 : index
    %swap3A_33 = vector.load %arg5[%swap3A, %swap3A_32] : memref<1000x144xf32, #tpu.memory_space<vmem>>, vector<1000x144xf32>
    tpu.vector_store %arg5[%swap3A, %swap3A_32], %concatenate3A_31 {strides = array<i32>} : memref<1000x144xf32, #tpu.memory_space<vmem>>, vector<1000x144xf32>,
    return
  }
  func.func @transform_0(%arg0: i32) -> (i32, i32, i32) {
    %c0_i32 = arith.constant 0 : i32
    %c0_i32_0 = arith.constant 0 : i32
    %c0_i32_1 = arith.constant 0 : i32
    return %c0_i32, %arg0, %c0_i32_0 : i32, i32, i32
  }
  func.func @transform_1(%arg0: i32) -> (i32, i32, i32) {
    %c0_i32 = arith.constant 0 : i32
    %c0_i32_0 = arith.constant 0 : i32
    %c0_i32_1 = arith.constant 0 : i32
    return %c0_i32, %arg0, %c0_i32_0 : i32, i32, i32
  }
  func.func @transform_2(%arg0: i32) -> (i32, i32) {
    %c0_i32 = arith.constant 0 : i32
    %c0_i32_0 = arith.constant 0 : i32
    return %arg0, %c0_i32 : i32, i32
  }
  func.func @transform_3(%arg0: i32) -> (i32, i32) {
    %c0_i32 = arith.constant 0 : i32
    %c0_i32_0 = arith.constant 0 : i32
    %c0_i32_1 = arith.constant 0 : i32
    return %c0_i32, %c0_i32_0 : i32, i32
  }
  func.func @transform_4(%arg0: i32) -> (i32, i32) {
    %c0_i32 = arith.constant 0 : i32
    %c0_i32_0 = arith.constant 0 : i32
    return %arg0, %c0_i32 : i32, i32
  }
}

</mosaic_0001>

<sc_bundles>
// kernel: kernel.6.cloned.1.call-start
scs
__scs_entry_jumppad:
0x0: {  	(pc) =	sbr.rel $0x88, $3  }
0x1: {  	(tag) =	ssettag $0x0;
	lr =	simm.s32 $0x1  }
0x2: {  	[smem:$0x3F98] =	sst lr;
	_ =	strace $0xD0000000  }
0x3: {  	_ = 	snop  }
0x4: {  	_ = 	snop  }
0x5: {  	_ = 	snop  }
0x6: {  	_ = 	snop  }
0x7: {  	_ = 	snop  }
__scs_overlays_trampoline_lowered:
0x8: {  	[smem:$0x3FA7] =	sst s0  }
0x9: {  	[smem:$0x3FA8] =	sst s1  }
0xa: {  	[smem:$0x3FA9] =	sst s2  }
0xb: {  	[smem:$0x3FAA] =	sst s3  }
0xc: {  	[smem:$0x3FAB] =	sst s4  }
0xd: {  	[smem:$0x3FAC] =	sst s5  }
0xe: {  	[smem:$0x3FAD] =	sst s6  }
0xf: {  	[smem:$0x3FAE] =	sst s7  }
0x10: {  	[smem:$0x3FAF] =	sst s8  }
0x11: {  	[smem:$0x3FB0] =	sst s9;
	s0 =	simm.s32 @!p0 $0x0  }
0x12: {  	s1 =	sld [smem:$0x3F96];
	s0 =	simm.s32 @p0 $0x1  }
0x13: {  	[smem:$0x3FB1] =	sst s0;
	s0 =	simm.s32 @!p1 $0x0  }
0x14: {  	s2 =	sld [smem:$0x3F95];
	s0 =	simm.s32 @p1 $0x1  }
0x15: {  	[smem:$0x3FB2] =	sst s0;
	s0 =	simm.s32 @!p2 $0x0  }
0x16: {  	s3 =	sld [smem:$0x3FDB];
	s0 =	simm.s32 @p2 $0x1  }
0x17: {  	s4 =	simm.s32 $0x1BF5;
	[smem:$0x3FB4] =	sst s0  }
0x18: {  	s0 =	sld [smem:$0x3F97];
	_ =	swait.ge [sflag:s4], $0x0  }
0x19: {  	s7 =	sld [smem:$0x3F98]  }
0x1a: {  	s8 =	sadd.s32 $0xFFFFE003, lr  }
0x1b: {  	s9 =	sadd.s32 $0xFFFFFEF7, lr;
	s5 =	simm.s32 $0xFFFFFFFF;
	p2 =	slt.u32 s8, $0xFFFFF086  }
0x1c: {  	p1 =	slt.u32 s9, $0xF7A;
	s5 =	simm.s32 @!p2 $0x0  }
0x1d: {  	s5 =	simm.s32 @p1 $0x1;
	p0 =	seq.s32 s7, s2  }
0x1e: {  	s7 =	smul.u32 @!p0 $0xF7A, s2;
	p2 =	seq.s32 @!p0 s5, $0x0  }
0x1f: {  	s9 =	smul.u32 $0xF7A, s1;
	s8 =	simm.s32 @!p0 $0x1BF5;
	p2 =	por !p2, p0  }
0x20: {  	[sflag:s8] =	ssyncset.s32 @!p0 $0xFFFFF086;
	s6 =	sadd.s32 @!p0 s3, s7;
	s7 =	simm.s32 @!p0 $0x108  }
0x21: {  	s3 =	sadd.s32 s3, s9;
	s6 =	sadd.s32 @!p0 $0x88, s6;
	s7 =	simm.s32 @p2 $0x1082  }
0x22: {  	[simem:s7], [sflag:s8] =	dma.local @!p0 [hbm:s6], $0xF7A  }
0x23: {  	s9 =	sor.u32 $0xD0000000, s2;
	s6 =	simm.s32 $0x108;
	_ =	swait.ge @!p0 [sflag:s8], $0x0  }
0x24: {  	s3 =	sadd.s32 $0x88, s3;
	s6 =	simm.s32 @!p1 $0x1082;
	[sflag:s4] =	ssyncset.s32 $0xFFFFF086  }
0x25: {  	[simem:s6], [sflag:s4] =	dma.local [hbm:s3], $0xF7A  }
0x26: {  	[smem:$0x3F98] =	sst s1;
	(tag) =	ssettag s2;
	_ =	strace s9  }
0x27: {  	s1 =	sld [smem:$0x3FA8]  }
0x28: {  	s2 =	sld [smem:$0x3FA9]  }
0x29: {  	s4 =	sld [smem:$0x3FAB]  }
0x2a: {  	p0 =	seq.s32 s5, $0x0;
	s5 =	sld [smem:$0x3FAC]  }
0x2b: {  	s6 =	sld [smem:$0x3FAD]  }
0x2c: {  	s7 =	sld [smem:$0x3FAE]  }
0x2d: {  	s3 =	simm.s32 $0x108;
	s8 =	sld [smem:$0x3FAF]  }
0x2e: {  	s3 =	simm.s32 @!p0 $0x1082;
	s9 =	sld [smem:$0x3FB0]  }
0x2f: {  	lr =	sadd.s32 s0, s3;
	s0 =	sld [smem:$0x3FA7]  }
0x30: {  	s3 =	sld [smem:$0x3FAA]  }
0x31: {  	[smem:$0x3FB3] =	sst s10  }
0x32: {  	s10 =	sld [smem:$0x3FB1];
	_ =	sdelay $0x3  }
0x33: {  	p0 =	seq.s32 s10, $0x1;
	s10 =	sld [smem:$0x3FB3];
	_ =	sdelay $0x3  }
0x34: {  	[smem:$0x3FB3] =	sst s10  }
0x35: {  	s10 =	sld [smem:$0x3FB2];
	_ =	sdelay $0x3  }
0x36: {  	p1 =	seq.s32 s10, $0x1;
	s10 =	sld [smem:$0x3FB3];
	_ =	sdelay $0x3  }
0x37: {  	[smem:$0x3FB3] =	sst s10  }
0x38: {  	s10 =	sld [smem:$0x3FB4]  }
0x39: {  	_ = 	snop;
	(pc) =	sbr.ind lr, $3  }
0x3a: {  	_ = 	snop  }
0x3b: {  	_ = 	snop  }
0x3c: {  	p2 =	seq.s32 s10, $0x1;
	s10 =	sld [smem:$0x3FB3]  }
0x3d: {  	_ =	shalt  }
0x3e: {  	_ =	shalt  }
0x3f: {  	_ =	shalt  }
0x40: {  	_ =	shalt  }
0x41: {  	_ =	shalt  }
0x42: {  	_ =	shalt  }
0x43: {  	_ =	shalt  }
0x44: {  	_ =	shalt  }
0x45: {  	_ =	shalt  }
0x46: {  	_ =	shalt  }
0x47: {  	_ =	shalt  }
0x48: {  	_ =	shalt  }
0x49: {  	_ =	shalt  }
0x4a: {  	_ =	shalt  }
0x4b: {  	_ =	shalt  }
0x4c: {  	_ =	shalt  }
0x4d: {  	_ =	shalt  }
0x4e: {  	_ =	shalt  }
0x4f: {  	_ =	shalt  }
0x50: {  	_ =	shalt  }
0x51: {  	_ =	shalt  }
0x52: {  	_ =	shalt  }
0x53: {  	_ =	shalt  }
0x54: {  	_ =	shalt  }
0x55: {  	_ =	shalt  }
0x56: {  	_ =	shalt  }
0x57: {  	_ =	shalt  }
0x58: {  	_ =	shalt  }
0x59: {  	_ =	shalt  }
0x5a: {  	_ =	shalt  }
0x5b: {  	_ =	shalt  }
0x5c: {  	_ =	shalt  }
0x5d: {  	_ =	shalt  }
0x5e: {  	_ =	shalt  }
0x5f: {  	_ =	shalt  }
0x60: {  	_ =	shalt  }
0x61: {  	_ =	shalt  }
0x62: {  	_ =	shalt  }
0x63: {  	_ =	shalt  }
0x64: {  	_ =	shalt  }
0x65: {  	_ =	shalt  }
0x66: {  	_ =	shalt  }
0x67: {  	_ =	shalt  }
0x68: {  	_ =	shalt  }
0x69: {  	_ =	shalt  }
0x6a: {  	_ =	shalt  }
0x6b: {  	_ =	shalt  }
0x6c: {  	_ =	shalt  }
0x6d: {  	_ =	shalt  }
0x6e: {  	_ =	shalt  }
0x6f: {  	_ =	shalt  }
0x70: {  	_ =	shalt  }
0x71: {  	_ =	shalt  }
0x72: {  	_ =	shalt  }
0x73: {  	_ =	shalt  }
0x74: {  	_ =	shalt  }
0x75: {  	_ =	shalt  }
0x76: {  	_ =	shalt  }
0x77: {  	_ =	shalt  }
0x78: {  	_ =	shalt  }
0x79: {  	_ =	shalt  }
0x7a: {  	_ =	shalt  }
0x7b: {  	_ =	shalt  }
0x7c: {  	_ =	shalt  }
0x7d: {  	_ =	shalt  }
0x7e: {  	_ =	shalt  }
0x7f: {  	_ =	shalt  }
0x80: {  	_ =	shalt  }
0x81: {  	_ =	shalt  }
0x82: {  	_ =	shalt  }
0x83: {  	_ =	shalt  }
0x84: {  	_ =	shalt  }
0x85: {  	_ =	shalt  }
0x86: {  	_ =	shalt  }
0x87: {  	_ =	shalt  }
.Lfunc_end0:
.L_simem_size_0:
called_computation_lowered:
.L_overlay_start_0:
0x88: {  	s2 =	sld [smem:$0x3FD9]  }
0x89: {  	s3 =	sld [smem:$0x3FFE];
	_ =	sdelay $0x1  }
0x8a: {  	s1 =	srdreg.scid  }
0x8b: {  	s0 =	sand.u32 $0x1, s1  }
0x8c: {  	s17 =	sshll.u32 s0, $0xA;
	s2 =	sadd.s32 s3, s2  }
0x8d: {  	s2 =	sadd.s32 s2, s17  }
0x8e: {  	[smem:$0x3FBF] =	sst s2  }
0x8f: {  	_ = 	snop  }
0x90: {  	s2 =	sld [smem:$0x3FD0];
	(tm) =	ssettm $0x1  }
0x91: {  	s18 =	sld [smem:$0x3FFB];
	_ =	sdelay $0x3  }
0x92: {  	_ =	strace s18  }
0x93: {  	s3 =	sld [smem:$0x3FFC];
	_ =	sdelay $0x3  }
0x94: {  	_ =	strace s3  }
0x95: {  	s3 =	sld [smem:$0x3FFD];
	_ =	sdelay $0x3  }
0x96: {  	_ =	strace s3  }
0x97: {  	_ =	strace $0x8FFFFFFF  }
0x98: {  	s19 =	sld [smem:$0x3FDB];
	_ =	sdelay $0x1  }
0x99: {  	s4 =	simm.s32 $_scs_section_size  }
0x9a: {  	s5 =	simm.s32 $_size__tile_overlayer_lowered;
	s6 =	simm.s32 $_tile_overlayer_lowered  }
0x9b: {  	s22 =	simm.s32 $0x1BFF;
	s21 =	sshll.u32 s6, $0x1;
	s3 =	sadd.s32 s4, s19  }
0x9c: {  	s7 =	simm.s32 $0x0;
	s20 =	sshll.u32 s5, $0x1;
	s5 =	sadd.s32 s21, s3  }
0x9d: {  	[timem:s7], [sflag:s22] =	dma.local [hbm:s5], s20  }
0x9e: {  	_ =	swait.ge [sflag:s22], s20  }
0x9f: {  	s4 =	ssub.s32 $0x0, s20;
	[sflag:s22] =	ssyncset.done $0x0  }
0xa0: {  	[sflag:s22] =	ssyncadd.s32 s4;
	_ =	sdelay $0x1  }
0xa1: {  	s23 =	simm.s32 $0x1B8B  }
0xa2: {  	_ =	swait.ge [sflag:s23], $0x1  }
0xa3: {  	[sflag:s23] =	ssyncset.done $0x0  }
0xa4: {  	s25 =	simm.s32 $0x1B8E;
	s24 =	sld [smem:$0x3FFE];
	[sflag:s23] =	ssyncadd.s32 $0xFFFFFFFF  }
0xa5: {  	s26 =	simm.s32 $execute0_lowered;
	[smem:$0x3FD2] =	sst s25  }
0xa6: {  	s5 =	sshll.u32 s26, $0x1;
	_ =	strace $0x80000046;
	[dreg:$0x1] =	wrdreg $0xFFFFFFFF  }
0xa7: {  	s28 =	simm.s32 $_size_execute0_lowered;
	s3 =	sadd.s32 s3, s5;
	[dreg:$0x0] =	wrdreg $0x0  }
0xa8: {  	s5 =	sshll.u32 s28, $0x1;
	[dreg:$0x2] =	wrdreg s3  }
0xa9: {  	[dreg:$0x3] =	wrdreg s5  }
0xaa: {  	[dreg:$0x4] =	wrdreg $0xC0  }
0xab: {  	_ =	task [dreg:s7], $0x5FFFF  }
0xac: {  	[dreg:$0x1] =	wrdreg $0xFFFFFFFF  }
0xad: {  	[dreg:$0x0] =	wrdreg $0x60  }
0xae: {  	[dreg:$0x2] =	wrdreg s2  }
0xaf: {  	[dreg:$0x3] =	wrdreg s24  }
0xb0: {  	[dreg:$0x4] =	wrdreg $0x9  }
0xb1: {  	_ =	task.clear_ibuf [dreg:s7], $0x5FFFF;
	_ =	strace $0x90000046  }
0xb2: {  	s29 =	simm.s32 $0x9;
	_ =	strace $0x80000048  }
0xb3: {  	_ =	swait.ge [sflag:s29], $0x1  }
0xb4: {  	[sflag:s29] =	ssyncadd.s32 $0xFFFFFFFF  }
0xb5: {  	_ =	strace $0x90000048  }
0xb6: {  	_ =	sfence  }
0xb7: {  	s30 =	sld [smem:$0x0];
	_ =	sdelay $0x2  }
0xb8: {  	s31 =	sshll.u32 s1, $0xD;
	s1 =	sshrl.u32 s1, $0x2  }
0xb9: {  	s3 =	sand.u32 $0x4000, s31;
	s1 =	sadd.s32 s1, s30  }
0xba: {  	s0 =	sor.u32 s3, s0;
	s1 =	sshll.u32 s1, $0x11  }
0xbb: {  	s0 =	sor.u32 s1, s0  }
0xbc: {  	s0 =	sadd.s32 $0x8F2B, s0  }
0xbd: {  	[sflag:s0] =	ssyncadd.remote.s32 $0x1  }
0xbe: {  	_ =	sfence.sel $0xFFFF  }
0xbf: {  	[dreg:$0x0] =	wrdreg $0xFFFFFFFF;
	(pc) =	sbr.abs _section_cstart, $3  }
0xc0: {  	[dreg:$0x1] =	wrdreg $0xFFFFFFFF  }
0xc1: {  	_ =	task.clear_ibuf [dreg:s7], $0x2FFFF;
	_ =	strace $0x9FFFFFFF  }
0xc2: {  	(tm) =	ssettm $0x7FFFFFFF  }
0xc3: {  	_ =	shalt  }
tec
execute0_lowered:
.L_overlay_start_1:
0x0: {  	(tag) =	ssettag $0x1  }
0x1: {  	s1 =	srdreg.scid  }
0x2: {  	s0 =	stileid.u32;
	s2 =	rddreg [dreg:$0x0]  }
0x3: {  	s6 =	rddreg [dreg:$0x1];
	s3 =	simm.s32 $0x0;
	s5 =	sand.u32 $0x1, s1  }
0x4: {  	s26 =	sshll.u32 s0, $0x1;
	s1 =	rddreg [dreg:$0x2];
	s8 =	smul.u32 $0x28000, s0  }
0x5: {  	s4 =	sor.u32 s5, s26;
	s9 =	ssub.s32 $0x2, s5;
	s12 =	smul.u32 $0x14000, s5  }
0x6: {  	[smem:$0x7FF] =	sst s3;
	s7 =	smul.u32 $0x280, s4;
	s11 =	sshrl.u32 s9, $0x1  }
0x7: {  	_ =	strace $0x80000047;
	s4 =	smul.u32 $0xFFFFFFD8, s4;
	s28 =	ssub.s32 s9, s11  }
0x8: {  	s9 =	simm.s32 $0x80;
	s11 =	simm.s32 $0x5400;
	s7 =	sadd.s32 s7, s6  }
0x9: {  	s4 =	sadd.s32 $0x4E2, s4;
	s6 =	sadd.s32 s8, s6;
	s8 =	simm.s32 $0x5  }
0xa: {  	s10 =	smin.u32 s4, $0x28;
	s5 =	sadd.s32 $0x28C00, s7;
	s30 =	sadd.s32 s12, s6  }
0xb: {  	s6 =	smax.u32 s28, $0x1;
	s12 =	simm.s32 $0x0;
	s4 =	sshrl.u32 s10, $0x1  }
0xc: {  	s31 =	sand.u32 $0x2, s10;
	s7 =	sadd.s32 $0x2DC00, s30;
	s29 =	sand.u32 $0x1, s4  }
0xd: {  	s10 =	simm.s32 $0x1400;
	p1 =	sne.s32 s31, $0x0;
	p0 =	seq.s32 s29, $0x1  }
.LBB2_1:
0xe: {  	[tilespmem:s3], [sflag:$0x5] =	stream.linear.gather [hbm4b:s5+s3], $0x1400, $0x38;
	[tilespmem:$0x11400] =	vst v63  }
0xf: {  	_ =	swait.ge [sflag:s8], $0x1400  }
0x10: {  	[sflag:s8] =	ssyncset.done $0x0  }
0x11: {  	p3 =	sle.u32 s4, $0x0;
	[sflag:s8] =	ssyncadd.s32 $0xFFFFEC00  }
0x12: {  	[tilespmem:s10], [sflag:$0x1] =	stream.indirect.gather [hbm4b:s2+s9], $0x80, s3, s9, $0xb8;
	[tilespmem:$0x11400] =	vst v63  }
0x13: {  	s13 =	simm.s32 @!p3 $0x1  }
0x14: {  	[tilespmem:s11], [sflag:$0x1] =	stream.indirect.gather [hbm4b:s2+s9], $0x80, s9, s9, $0xb8;
	[tilespmem:$0x11400] =	vst v63  }
0x15: {  	_ =	swait.ge @!p3 [sflag:s13], $0x4000  }
0x16: {  	[sflag:s13] =	ssyncset.done @!p3 $0x0  }
0x17: {  	[sflag:s13] =	ssyncadd.s32 @!p3 $0xFFFFC000  }
0x18: {  	p2 =	por @!p3 $0x1, $0x1;
	_ =	swait.ge @!p3 [sflag:s13], $0x4000  }
0x19: {  	p2 =	por p2, p3;
	[sflag:s13] =	ssyncset.done @!p3 $0x0  }
0x1a: {  	s14 =	simm.s32 @!p2 $0x4;
	[sflag:s13] =	ssyncadd.s32 @!p3 $0xFFFFC000  }
0x1b: {  	_ =	swait.ge @!p2 [sflag:s14], $0x4000  }
0x1c: {  	[sflag:s14] =	ssyncset.done @!p2 $0x0  }
0x1d: {  	p4 =	sle.u32 @!p3 s4, $0x1;
	[sflag:s14] =	ssyncadd.s32 @!p2 $0xFFFFC000  }
0x1e: {  	p4 =	por p4, p3;
	_ =	swait.ge @!p2 [sflag:s14], $0x4000  }
0x1f: {  	s15 =	simm.s32 @!p4 $0x80;
	[sflag:s14] =	ssyncset.done @!p2 $0x0  }
0x20: {  	s16 =	simm.s32 @!p4 $0x9400;
	s13 =	simm.s32 @!p4 $0x100;
	[sflag:s14] =	ssyncadd.s32 @!p2 $0xFFFFC000  }
0x21: {  	[tilespmem:s16], [sflag:$0x2] =	stream.indirect.gather @!p4 [hbm4b:s2+s15], $0x80, s13, s15, $0xb8;
	[tilespmem:$0x11400] =	vst v63  }
0x22: {  	s14 =	simm.s32 $0x180;
	p2 =	sle.u32 s4, $0x1;
	s13 =	simm.s32 @!p4 $0xD400  }
0x23: {  	[tilespmem:s13], [sflag:$0x2] =	stream.indirect.gather @!p4 [hbm4b:s2+s15], $0x80, s14, s15, $0xb8;
	[tilespmem:$0x11400] =	vst v63  }
0x24: {  	s16 =	simm.s32 @!p3 $0x1400;
	s13 =	sadd.s32 @!p3 $0x0, s7;
	s15 =	simm.s32 @!p3 $0x0  }
0x25: {  	[hbm4b:s13+s15] =	stream.linear.scatter @!p3 [tilespmem:s16], [sflag:$0x3], $0x4000, $0x38;
	[tilespmem:$0x11400] =	vst v63  }
0x26: {  	s17 =	simm.s32 @!p2 $0x2;
	s13 =	sadd.s32 @!p3 $0x800, s13;
	s16 =	simm.s32 @!p3 $0x5400  }
0x27: {  	[hbm4b:s13+s15] =	stream.linear.scatter @!p3 [tilespmem:s16], [sflag:$0x3], $0x4000, $0x38;
	[tilespmem:$0x11400] =	vst v63  }
0x28: {  	_ =	swait.ge @!p2 [sflag:s17], $0x4000  }
0x29: {  	[sflag:s17] =	ssyncset.done @!p2 $0x0  }
0x2a: {  	[sflag:s17] =	ssyncadd.s32 @!p2 $0xFFFFC000  }
0x2b: {  	_ =	swait.ge @!p2 [sflag:s17], $0x4000  }
0x2c: {  	[sflag:s17] =	ssyncset.done @!p2 $0x0  }
0x2d: {  	s15 =	simm.s32 @!p2 $0x3;
	[sflag:s17] =	ssyncadd.s32 @!p2 $0xFFFFC000  }
0x2e: {  	p3 =	sle.u32 @!p2 s4, $0x2;
	_ =	swait.ge @!p2 [sflag:s15], $0x4000  }
0x2f: {  	p5 =	por p3, p2;
	[sflag:s15] =	ssyncset.done @!p2 $0x0  }
0x30: {  	s13 =	simm.s32 $0x2000;
	s16 =	simm.s32 @!p5 $0x200;
	[sflag:s15] =	ssyncadd.s32 @!p2 $0xFFFFC000  }
0x31: {  	s20 =	simm.s32 @!p5 $0x80;
	s18 =	simm.s32 @!p5 $0x1400;
	_ =	swait.ge @!p2 [sflag:s15], $0x4000  }
0x32: {  	s21 =	simm.s32 @!p5 $0x280;
	s17 =	sadd.s32 @!p2 $0x0, s7;
	[sflag:s15] =	ssyncset.done @!p2 $0x0  }
0x33: {  	s22 =	simm.s32 @!p5 $0x5400;
	s19 =	sadd.s32 @!p2 $0x1000, s17;
	[sflag:s15] =	ssyncadd.s32 @!p2 $0xFFFFC000  }
0x34: {  	[tilespmem:s18], [sflag:$0x1] =	stream.indirect.gather @!p5 [hbm4b:s2+s20], $0x80, s16, s20, $0xb8;
	[tilespmem:$0x11400] =	vst v63  }
0x35: {  	s15 =	simm.s32 $0x2;
	s16 =	simm.s32 $0x4000;
	s18 =	sadd.s32 @!p2 $0x1800, s17  }
.LBB2_2:
0x36: {  	p4 =	sge.u32 s15, s4  }
0x37: {  	s14 =	sadd.s32 $0x200, s14;
	s17 =	smov.u32 s16;
	s16 =	sadd.s32 $0x2000, s16  }
0x38: {  	[tilespmem:s22], [sflag:$0x1] =	stream.indirect.gather @!p5 [hbm4b:s2+s20], $0x80, s21, s20, $0xb8;
	[tilespmem:$0x11400] =	vst v63  }
0x39: {  	s20 =	simm.s32 @!p2 $0x0;
	s21 =	simm.s32 @!p2 $0x9400;
	s22 =	simm.s32 @!p2 $0xD400  }
0x3a: {  	[hbm4b:s19+s20] =	stream.linear.scatter @!p2 [tilespmem:s21], [sflag:$0x4], $0x4000, $0x38;
	[tilespmem:$0x11400] =	vst v63  }
0x3b: {  	p3 =	seq.s32 @!p4 s13, $0x0;
	s19 =	simm.s32 @!p4 $0x1;
	s21 =	sadd.s32 @!p4 $0x1, s15  }
0x3c: {  	[hbm4b:s18+s20] =	stream.linear.scatter @!p2 [tilespmem:s22], [sflag:$0x4], $0x4000, $0x38;
	[tilespmem:$0x11400] =	vst v63  }
0x3d: {  	p5 =	sge.u32 @!p4 s21, s4;
	p2 =	por p3, p4;
	_ =	swait.ge @!p4 [sflag:s19], $0x4000  }
0x3e: {  	p3 =	sne.s32 s16, $0x14000;
	s18 =	simm.s32 @!p2 $0x4;
	[sflag:s19] =	ssyncset.done @!p4 $0x0  }
0x3f: {  	[sflag:s19] =	ssyncadd.s32 @!p4 $0xFFFFC000  }
0x40: {  	_ =	swait.ge @!p4 [sflag:s19], $0x4000  }
0x41: {  	[sflag:s19] =	ssyncset.done @!p4 $0x0  }
0x42: {  	[sflag:s19] =	ssyncadd.s32 @!p4 $0xFFFFC000  }
0x43: {  	p5 =	por p5, p4;
	_ =	swait.ge @!p2 [sflag:s18], $0x4000  }
0x44: {  	s20 =	simm.s32 @!p5 $0x80;
	s19 =	sadd.s32 @!p5 $0xFFFFFF80, s14;
	[sflag:s18] =	ssyncset.done @!p2 $0x0  }
0x45: {  	s21 =	simm.s32 @!p5 $0x9400;
	s22 =	simm.s32 @!p5 $0xD400;
	[sflag:s18] =	ssyncadd.s32 @!p2 $0xFFFFC000  }
0x46: {  	_ =	swait.ge @!p2 [sflag:s18], $0x4000  }
0x47: {  	[sflag:s18] =	ssyncset.done @!p2 $0x0  }
0x48: {  	[sflag:s18] =	ssyncadd.s32 @!p2 $0xFFFFC000  }
0x49: {  	[tilespmem:s21], [sflag:$0x2] =	stream.indirect.gather @!p5 [hbm4b:s2+s20], $0x80, s19, s20, $0xb8;
	[tilespmem:$0x11400] =	vst v63  }
0x4a: {  	s18 =	sadd.s32 $0x1, s15  }
0x4b: {  	[tilespmem:s22], [sflag:$0x2] =	stream.indirect.gather @!p5 [hbm4b:s2+s20], $0x80, s14, s20, $0xb8;
	[tilespmem:$0x11400] =	vst v63  }
0x4c: {  	s19 =	sadd.s32 @!p4 s13, s7;
	s21 =	simm.s32 @!p4 $0x1400;
	s20 =	simm.s32 @!p4 $0x0  }
0x4d: {  	[hbm4b:s19+s20] =	stream.linear.scatter @!p4 [tilespmem:s21], [sflag:$0x3], $0x4000, $0x38;
	[tilespmem:$0x11400] =	vst v63  }
0x4e: {  	p2 =	sge.u32 s18, s4;
	s19 =	sadd.s32 @!p4 $0x800, s19;
	s21 =	simm.s32 @!p4 $0x5400  }
0x4f: {  	s18 =	sadd.s32 @!p2 $0x2, s15;
	s13 =	sadd.s32 @!p2 s13, s7;
	s22 =	simm.s32 @!p2 $0x2  }
0x50: {  	[hbm4b:s19+s20] =	stream.linear.scatter @!p4 [tilespmem:s21], [sflag:$0x3], $0x4000, $0x38;
	[tilespmem:$0x11400] =	vst v63  }
0x51: {  	p4 =	sge.u32 @!p2 s18, s4;
	s19 =	sadd.s32 @!p2 $0x1000, s13;
	_ =	swait.ge @!p2 [sflag:s22], $0x4000  }
0x52: {  	s18 =	sadd.s32 @!p2 $0x1800, s13;
	s13 =	smov.u32 s17;
	[sflag:s22] =	ssyncset.done @!p2 $0x0  }
0x53: {  	[sflag:s22] =	ssyncadd.s32 @!p2 $0xFFFFC000  }
0x54: {  	s17 =	simm.s32 @!p2 $0x3;
	_ =	swait.ge @!p2 [sflag:s22], $0x4000  }
0x55: {  	[sflag:s22] =	ssyncset.done @!p2 $0x0  }
0x56: {  	[sflag:s22] =	ssyncadd.s32 @!p2 $0xFFFFC000  }
0x57: {  	_ =	swait.ge @!p2 [sflag:s17], $0x4000  }
0x58: {  	[sflag:s17] =	ssyncset.done @!p2 $0x0  }
.Ltmp0:
0x59: {  	p5 =	por p4, p2;
	[sflag:s17] =	ssyncadd.s32 @!p2 $0xFFFFC000;
	(pc) =	sbr.rel @p3 .LBB2_2-.Ltmp0, $4  }
0x5a: {  	s23 =	sadd.s32 @!p5 $0x80, s14;
	s20 =	simm.s32 @!p5 $0x80;
	_ =	swait.ge @!p2 [sflag:s17], $0x4000  }
0x5b: {  	s24 =	simm.s32 @!p5 $0x1400;
	s21 =	sadd.s32 @!p5 $0x100, s14;
	[sflag:s17] =	ssyncset.done @!p2 $0x0  }
0x5c: {  	s15 =	sadd.s32 $0x2, s15;
	s22 =	simm.s32 @!p5 $0x5400;
	[sflag:s17] =	ssyncadd.s32 @!p2 $0xFFFFC000  }
0x5d: {  	[tilespmem:s24], [sflag:$0x1] =	stream.indirect.gather @!p5 [hbm4b:s2+s20], $0x80, s23, s20, $0xb8;
	[tilespmem:$0x11400] =	vst v63  }
0x5e: {  	[tilespmem:s22], [sflag:$0x1] =	stream.indirect.gather @!p5 [hbm4b:s2+s20], $0x80, s21, s20, $0xb8;
	[tilespmem:$0x11400] =	vst v63  }
0x5f: {  	p3 =	sge.u32 s15, s4;
	s16 =	simm.s32 @!p2 $0x0;
	s17 =	simm.s32 @!p2 $0x9400  }
0x60: {  	[hbm4b:s19+s16] =	stream.linear.scatter @!p2 [tilespmem:s17], [sflag:$0x4], $0x4000, $0x38;
	[tilespmem:$0x11400] =	vst v63  }
0x61: {  	s17 =	simm.s32 @!p2 $0xD400;
	s19 =	simm.s32 @!p3 $0x1  }
0x62: {  	[hbm4b:s18+s16] =	stream.linear.scatter @!p2 [tilespmem:s17], [sflag:$0x4], $0x4000, $0x38;
	[tilespmem:$0x11400] =	vst v63  }
0x63: {  	_ =	swait.ge @!p3 [sflag:s19], $0x4000  }
0x64: {  	[sflag:s19] =	ssyncset.done @!p3 $0x0  }
0x65: {  	[sflag:s19] =	ssyncadd.s32 @!p3 $0xFFFFC000  }
0x66: {  	p2 =	seq.s32 @!p3 s13, $0x0;
	_ =	swait.ge @!p3 [sflag:s19], $0x4000  }
0x67: {  	p2 =	por p2, p3;
	[sflag:s19] =	ssyncset.done @!p3 $0x0  }
0x68: {  	s16 =	simm.s32 @!p2 $0x4;
	[sflag:s19] =	ssyncadd.s32 @!p3 $0xFFFFC000  }
0x69: {  	_ =	swait.ge @!p2 [sflag:s16], $0x4000  }
0x6a: {  	s17 =	sadd.s32 @!p3 $0x1, s15;
	[sflag:s16] =	ssyncset.done @!p2 $0x0  }
0x6b: {  	p4 =	sge.u32 @!p3 s17, s4;
	[sflag:s16] =	ssyncadd.s32 @!p2 $0xFFFFC000  }
0x6c: {  	s14 =	sadd.s32 $0x200, s14;
	p4 =	por p4, p3;
	_ =	swait.ge @!p2 [sflag:s16], $0x4000  }
0x6d: {  	s31 =	sadd.s32 $0x1, s15;
	s17 =	sadd.s32 @!p4 $0xFFFFFF80, s14;
	[sflag:s16] =	ssyncset.done @!p2 $0x0  }
0x6e: {  	s18 =	simm.s32 @!p4 $0x80;
	s19 =	simm.s32 @!p4 $0x9400;
	[sflag:s16] =	ssyncadd.s32 @!p2 $0xFFFFC000  }
0x6f: {  	[tilespmem:s19], [sflag:$0x2] =	stream.indirect.gather @!p4 [hbm4b:s2+s18], $0x80, s17, s18, $0xb8;
	[tilespmem:$0x11400] =	vst v63  }
0x70: {  	s16 =	simm.s32 @!p4 $0xD400;
	p2 =	sge.u32 s31, s4  }
0x71: {  	[tilespmem:s16], [sflag:$0x2] =	stream.indirect.gather @!p4 [hbm4b:s2+s18], $0x80, s14, s18, $0xb8;
	[tilespmem:$0x11400] =	vst v63  }
0x72: {  	s19 =	simm.s32 @!p3 $0x1400;
	s16 =	sadd.s32 @!p3 s13, s7;
	s18 =	simm.s32 @!p3 $0x0  }
0x73: {  	[hbm4b:s16+s18] =	stream.linear.scatter @!p3 [tilespmem:s19], [sflag:$0x3], $0x4000, $0x38;
	[tilespmem:$0x11400] =	vst v63  }
0x74: {  	s17 =	simm.s32 @!p3 $0x5400;
	s16 =	sadd.s32 @!p3 $0x800, s16;
	s19 =	simm.s32 @!p2 $0x2  }
0x75: {  	[hbm4b:s16+s18] =	stream.linear.scatter @!p3 [tilespmem:s17], [sflag:$0x3], $0x4000, $0x38;
	[tilespmem:$0x11400] =	vst v63  }
0x76: {  	_ =	swait.ge @!p2 [sflag:s19], $0x4000  }
0x77: {  	[sflag:s19] =	ssyncset.done @!p2 $0x0  }
0x78: {  	[sflag:s19] =	ssyncadd.s32 @!p2 $0xFFFFC000  }
0x79: {  	_ =	swait.ge @!p2 [sflag:s19], $0x4000  }
0x7a: {  	[sflag:s19] =	ssyncset.done @!p2 $0x0  }
0x7b: {  	s16 =	simm.s32 @!p2 $0x3;
	[sflag:s19] =	ssyncadd.s32 @!p2 $0xFFFFC000  }
0x7c: {  	_ =	swait.ge @!p2 [sflag:s16], $0x4000  }
0x7d: {  	s15 =	sadd.s32 @!p2 $0x2, s15;
	[sflag:s16] =	ssyncset.done @!p2 $0x0  }
0x7e: {  	p3 =	sge.u32 @!p2 s15, s4;
	[sflag:s16] =	ssyncadd.s32 @!p2 $0xFFFFC000  }
0x7f: {  	p3 =	por p3, p2;
	_ =	swait.ge @!p2 [sflag:s16], $0x4000  }
0x80: {  	s15 =	sadd.s32 @!p3 $0x80, s14;
	[sflag:s16] =	ssyncset.done @!p2 $0x0  }
0x81: {  	s17 =	simm.s32 @!p3 $0x80;
	s18 =	simm.s32 @!p3 $0x1400;
	[sflag:s16] =	ssyncadd.s32 @!p2 $0xFFFFC000  }
0x82: {  	[tilespmem:s18], [sflag:$0x1] =	stream.indirect.gather @!p3 [hbm4b:s2+s17], $0x80, s15, s17, $0xb8;
	[tilespmem:$0x11400] =	vst v63  }
0x83: {  	s13 =	sadd.s32 @!p2 s13, s7;
	s14 =	sadd.s32 @!p3 $0x100, s14;
	s15 =	simm.s32 @!p3 $0x5400  }
0x84: {  	[tilespmem:s15], [sflag:$0x1] =	stream.indirect.gather @!p3 [hbm4b:s2+s17], $0x80, s14, s17, $0xb8;
	[tilespmem:$0x11400] =	vst v63  }
0x85: {  	s16 =	simm.s32 @!p2 $0x9400;
	s14 =	sadd.s32 @!p2 $0x1000, s13;
	s15 =	simm.s32 @!p2 $0x0  }
0x86: {  	[hbm4b:s14+s15] =	stream.linear.scatter @!p2 [tilespmem:s16], [sflag:$0x4], $0x4000, $0x38;
	[tilespmem:$0x11400] =	vst v63  }
0x87: {  	s13 =	sadd.s32 @!p2 $0x1800, s13;
	s14 =	simm.s32 @!p2 $0xD400  }
0x88: {  	[hbm4b:s13+s15] =	stream.linear.scatter @!p2 [tilespmem:s14], [sflag:$0x4], $0x4000, $0x38;
	[tilespmem:$0x11400] =	vst v63  }
0x89: {  	s13 =	simm.s32 @p0 $0x3  }
0x8a: {  	_ =	swait.ge @p0 [sflag:s13], $0x4000  }
0x8b: {  	[sflag:s13] =	ssyncset.done @p0 $0x0  }
0x8c: {  	[sflag:s13] =	ssyncadd.s32 @p0 $0xFFFFC000  }
0x8d: {  	_ =	swait.ge @p0 [sflag:s13], $0x4000  }
0x8e: {  	[sflag:s13] =	ssyncset.done @p0 $0x0  }
0x8f: {  	s12 =	sadd.s32 $0x1, s12;
	[sflag:s13] =	ssyncadd.s32 @p0 $0xFFFFC000;
	s13 =	simm.s32 @!p1 $0x4  }
0x90: {  	p2 =	sne.s32 s12, s6;
	_ =	swait.ge @!p1 [sflag:s13], $0x4000  }
.Ltmp1:
0x91: {  	[sflag:s13] =	ssyncset.done @!p1 $0x0;
	(pc) =	sbr.rel @p2 .LBB2_1-.Ltmp1, $4  }
0x92: {  	[sflag:s13] =	ssyncadd.s32 @!p1 $0xFFFFC000  }
0x93: {  	_ =	swait.ge @!p1 [sflag:s13], $0x4000  }
0x94: {  	[sflag:s13] =	ssyncset.done @!p1 $0x0  }
0x95: {  	[sflag:s13] =	ssyncadd.s32 @!p1 $0xFFFFC000  }
0x96: {  	_ =	sfence.sel $0x180000  }
0x97: {  	[bflag:$0x0] =	sbarrier.arrive $0xFFFF  }
0x98: {  	p0 =	sne.s32 s0, $0x0;
	_ =	strace $0x90000047  }
0x99: {  	s0 =	sadd.s32 @!p0 $0x100000, s1;
	[bflag:$0x2] =	sbarrier.arrive $0xFFFF  }
0x9a: {  	[sflag:s0] =	ssyncadd.tile.s32 @!p0 $0x1;
	_ =	shalt  }
.Lfunc_end2:
_tile_overlayer_lowered:
.L_overlay_start_2:
0x9b: {  	(tag) =	ssettag $0x2  }
0x9c: {  	s0 =	rddreg [dreg:$0x0];
	s2 =	stileid.u32  }
0x9d: {  	s1 =	rddreg [dreg:$0x1];
	p0 =	sne.s32 s2, $0x0  }
0x9e: {  	s3 =	rddreg [dreg:$0x2];
	[bflag:$0x3] =	sbarrier.arrive $0xFFFF;
	s2 =	simm.s32 @!p0 $0x1C05  }
0x9f: {  	[timem:s3], [sflag:s2] =	dma.local @!p0 [hbm:s0], s1  }
0xa0: {  	s0 =	simm.s32 @!p0 $0x5  }
0xa1: {  	_ =	swait.ge @!p0 [sflag:s0], s1  }
0xa2: {  	s1 =	ssub.s32 @!p0 $0x0, s1;
	[sflag:s0] =	ssyncset.done @!p0 $0x0  }
0xa3: {  	[sflag:s0] =	ssyncadd.s32 @!p0 s1  }
0xa4: {  	[bflag:$0x3] =	sbarrier.arrive $0xFFFF  }
0xa5: {  	_ =	shalt  }

// kernel: kernel.9.cloned.1.call-start
scs
__scs_entry_jumppad:
0x0: {  	(pc) =	sbr.rel $0x88, $3  }
0x1: {  	(tag) =	ssettag $0x0;
	lr =	simm.s32 $0x1  }
0x2: {  	[smem:$0x3F98] =	sst lr;
	_ =	strace $0xD0000000  }
0x3: {  	_ = 	snop  }
0x4: {  	_ = 	snop  }
0x5: {  	_ = 	snop  }
0x6: {  	_ = 	snop  }
0x7: {  	_ = 	snop  }
__scs_overlays_trampoline_lowered:
0x8: {  	[smem:$0x3FA7] =	sst s0  }
0x9: {  	[smem:$0x3FA8] =	sst s1  }
0xa: {  	[smem:$0x3FA9] =	sst s2  }
0xb: {  	[smem:$0x3FAA] =	sst s3  }
0xc: {  	[smem:$0x3FAB] =	sst s4  }
0xd: {  	[smem:$0x3FAC] =	sst s5  }
0xe: {  	[smem:$0x3FAD] =	sst s6  }
0xf: {  	[smem:$0x3FAE] =	sst s7  }
0x10: {  	[smem:$0x3FAF] =	sst s8  }
0x11: {  	[smem:$0x3FB0] =	sst s9;
	s0 =	simm.s32 @!p0 $0x0  }
0x12: {  	s1 =	sld [smem:$0x3F96];
	s0 =	simm.s32 @p0 $0x1  }
0x13: {  	[smem:$0x3FB1] =	sst s0;
	s0 =	simm.s32 @!p1 $0x0  }
0x14: {  	s2 =	sld [smem:$0x3F95];
	s0 =	simm.s32 @p1 $0x1  }
0x15: {  	[smem:$0x3FB2] =	sst s0;
	s0 =	simm.s32 @!p2 $0x0  }
0x16: {  	s3 =	sld [smem:$0x3FDB];
	s0 =	simm.s32 @p2 $0x1  }
0x17: {  	s4 =	simm.s32 $0x1BF5;
	[smem:$0x3FB4] =	sst s0  }
0x18: {  	s0 =	sld [smem:$0x3F97];
	_ =	swait.ge [sflag:s4], $0x0  }
0x19: {  	s7 =	sld [smem:$0x3F98]  }
0x1a: {  	s8 =	sadd.s32 $0xFFFFE003, lr  }
0x1b: {  	s9 =	sadd.s32 $0xFFFFFEF7, lr;
	s5 =	simm.s32 $0xFFFFFFFF;
	p2 =	slt.u32 s8, $0xFFFFF086  }
0x1c: {  	p1 =	slt.u32 s9, $0xF7A;
	s5 =	simm.s32 @!p2 $0x0  }
0x1d: {  	s5 =	simm.s32 @p1 $0x1;
	p0 =	seq.s32 s7, s2  }
0x1e: {  	s7 =	smul.u32 @!p0 $0xF7A, s2;
	p2 =	seq.s32 @!p0 s5, $0x0  }
0x1f: {  	s9 =	smul.u32 $0xF7A, s1;
	s8 =	simm.s32 @!p0 $0x1BF5;
	p2 =	por !p2, p0  }
0x20: {  	[sflag:s8] =	ssyncset.s32 @!p0 $0xFFFFF086;
	s6 =	sadd.s32 @!p0 s3, s7;
	s7 =	simm.s32 @!p0 $0x108  }
0x21: {  	s3 =	sadd.s32 s3, s9;
	s6 =	sadd.s32 @!p0 $0x88, s6;
	s7 =	simm.s32 @p2 $0x1082  }
0x22: {  	[simem:s7], [sflag:s8] =	dma.local @!p0 [hbm:s6], $0xF7A  }
0x23: {  	s9 =	sor.u32 $0xD0000000, s2;
	s6 =	simm.s32 $0x108;
	_ =	swait.ge @!p0 [sflag:s8], $0x0  }
0x24: {  	s3 =	sadd.s32 $0x88, s3;
	s6 =	simm.s32 @!p1 $0x1082;
	[sflag:s4] =	ssyncset.s32 $0xFFFFF086  }
0x25: {  	[simem:s6], [sflag:s4] =	dma.local [hbm:s3], $0xF7A  }
0x26: {  	[smem:$0x3F98] =	sst s1;
	(tag) =	ssettag s2;
	_ =	strace s9  }
0x27: {  	s1 =	sld [smem:$0x3FA8]  }
0x28: {  	s2 =	sld [smem:$0x3FA9]  }
0x29: {  	s4 =	sld [smem:$0x3FAB]  }
0x2a: {  	p0 =	seq.s32 s5, $0x0;
	s5 =	sld [smem:$0x3FAC]  }
0x2b: {  	s6 =	sld [smem:$0x3FAD]  }
0x2c: {  	s7 =	sld [smem:$0x3FAE]  }
0x2d: {  	s3 =	simm.s32 $0x108;
	s8 =	sld [smem:$0x3FAF]  }
0x2e: {  	s3 =	simm.s32 @!p0 $0x1082;
	s9 =	sld [smem:$0x3FB0]  }
0x2f: {  	lr =	sadd.s32 s0, s3;
	s0 =	sld [smem:$0x3FA7]  }
0x30: {  	s3 =	sld [smem:$0x3FAA]  }
0x31: {  	[smem:$0x3FB3] =	sst s10  }
0x32: {  	s10 =	sld [smem:$0x3FB1];
	_ =	sdelay $0x3  }
0x33: {  	p0 =	seq.s32 s10, $0x1;
	s10 =	sld [smem:$0x3FB3];
	_ =	sdelay $0x3  }
0x34: {  	[smem:$0x3FB3] =	sst s10  }
0x35: {  	s10 =	sld [smem:$0x3FB2];
	_ =	sdelay $0x3  }
0x36: {  	p1 =	seq.s32 s10, $0x1;
	s10 =	sld [smem:$0x3FB3];
	_ =	sdelay $0x3  }
0x37: {  	[smem:$0x3FB3] =	sst s10  }
0x38: {  	s10 =	sld [smem:$0x3FB4]  }
0x39: {  	_ = 	snop;
	(pc) =	sbr.ind lr, $3  }
0x3a: {  	_ = 	snop  }
0x3b: {  	_ = 	snop  }
0x3c: {  	p2 =	seq.s32 s10, $0x1;
	s10 =	sld [smem:$0x3FB3]  }
0x3d: {  	_ =	shalt  }
0x3e: {  	_ =	shalt  }
0x3f: {  	_ =	shalt  }
0x40: {  	_ =	shalt  }
0x41: {  	_ =	shalt  }
0x42: {  	_ =	shalt  }
0x43: {  	_ =	shalt  }
0x44: {  	_ =	shalt  }
0x45: {  	_ =	shalt  }
0x46: {  	_ =	shalt  }
0x47: {  	_ =	shalt  }
0x48: {  	_ =	shalt  }
0x49: {  	_ =	shalt  }
0x4a: {  	_ =	shalt  }
0x4b: {  	_ =	shalt  }
0x4c: {  	_ =	shalt  }
0x4d: {  	_ =	shalt  }
0x4e: {  	_ =	shalt  }
0x4f: {  	_ =	shalt  }
0x50: {  	_ =	shalt  }
0x51: {  	_ =	shalt  }
0x52: {  	_ =	shalt  }
0x53: {  	_ =	shalt  }
0x54: {  	_ =	shalt  }
0x55: {  	_ =	shalt  }
0x56: {  	_ =	shalt  }
0x57: {  	_ =	shalt  }
0x58: {  	_ =	shalt  }
0x59: {  	_ =	shalt  }
0x5a: {  	_ =	shalt  }
0x5b: {  	_ =	shalt  }
0x5c: {  	_ =	shalt  }
0x5d: {  	_ =	shalt  }
0x5e: {  	_ =	shalt  }
0x5f: {  	_ =	shalt  }
0x60: {  	_ =	shalt  }
0x61: {  	_ =	shalt  }
0x62: {  	_ =	shalt  }
0x63: {  	_ =	shalt  }
0x64: {  	_ =	shalt  }
0x65: {  	_ =	shalt  }
0x66: {  	_ =	shalt  }
0x67: {  	_ =	shalt  }
0x68: {  	_ =	shalt  }
0x69: {  	_ =	shalt  }
0x6a: {  	_ =	shalt  }
0x6b: {  	_ =	shalt  }
0x6c: {  	_ =	shalt  }
0x6d: {  	_ =	shalt  }
0x6e: {  	_ =	shalt  }
0x6f: {  	_ =	shalt  }
0x70: {  	_ =	shalt  }
0x71: {  	_ =	shalt  }
0x72: {  	_ =	shalt  }
0x73: {  	_ =	shalt  }
0x74: {  	_ =	shalt  }
0x75: {  	_ =	shalt  }
0x76: {  	_ =	shalt  }
0x77: {  	_ =	shalt  }
0x78: {  	_ =	shalt  }
0x79: {  	_ =	shalt  }
0x7a: {  	_ =	shalt  }
0x7b: {  	_ =	shalt  }
0x7c: {  	_ =	shalt  }
0x7d: {  	_ =	shalt  }
0x7e: {  	_ =	shalt  }
0x7f: {  	_ =	shalt  }
0x80: {  	_ =	shalt  }
0x81: {  	_ =	shalt  }
0x82: {  	_ =	shalt  }
0x83: {  	_ =	shalt  }
0x84: {  	_ =	shalt  }
0x85: {  	_ =	shalt  }
0x86: {  	_ =	shalt  }
0x87: {  	_ =	shalt  }
.Lfunc_end0:
.L_simem_size_0:
called_computation.1_lowered:
.L_overlay_start_0:
0x88: {  	s2 =	sld [smem:$0x3FD9]  }
0x89: {  	s3 =	sld [smem:$0x3FFE];
	_ =	sdelay $0x1  }
0x8a: {  	s1 =	srdreg.scid  }
0x8b: {  	s0 =	sand.u32 $0x1, s1  }
0x8c: {  	s17 =	sshll.u32 s0, $0xA;
	s2 =	sadd.s32 s3, s2  }
0x8d: {  	s2 =	sadd.s32 s2, s17  }
0x8e: {  	[smem:$0x3FBF] =	sst s2  }
0x8f: {  	_ = 	snop  }
0x90: {  	s2 =	sld [smem:$0x3FD0];
	(tm) =	ssettm $0x1  }
0x91: {  	s18 =	sld [smem:$0x3FFB];
	_ =	sdelay $0x3  }
0x92: {  	_ =	strace s18  }
0x93: {  	s3 =	sld [smem:$0x3FFC];
	_ =	sdelay $0x3  }
0x94: {  	_ =	strace s3  }
0x95: {  	s3 =	sld [smem:$0x3FFD];
	_ =	sdelay $0x3  }
0x96: {  	_ =	strace s3  }
0x97: {  	_ =	strace $0x8FFFFFFF  }
0x98: {  	s19 =	sld [smem:$0x3FDB];
	_ =	sdelay $0x1  }
0x99: {  	s4 =	simm.s32 $_scs_section_size  }
0x9a: {  	s5 =	simm.s32 $_size__tile_overlayer_lowered;
	s6 =	simm.s32 $_tile_overlayer_lowered  }
0x9b: {  	s22 =	simm.s32 $0x1BFF;
	s21 =	sshll.u32 s6, $0x1;
	s3 =	sadd.s32 s4, s19  }
0x9c: {  	s7 =	simm.s32 $0x0;
	s20 =	sshll.u32 s5, $0x1;
	s5 =	sadd.s32 s21, s3  }
0x9d: {  	[timem:s7], [sflag:s22] =	dma.local [hbm:s5], s20  }
0x9e: {  	_ =	swait.ge [sflag:s22], s20  }
0x9f: {  	s4 =	ssub.s32 $0x0, s20;
	[sflag:s22] =	ssyncset.done $0x0  }
0xa0: {  	[sflag:s22] =	ssyncadd.s32 s4;
	_ =	sdelay $0x1  }
0xa1: {  	s23 =	simm.s32 $0x1B8B  }
0xa2: {  	_ =	swait.ge [sflag:s23], $0x1  }
0xa3: {  	[sflag:s23] =	ssyncset.done $0x0  }
0xa4: {  	s25 =	simm.s32 $0x1B8E;
	s24 =	sld [smem:$0x3FFE];
	[sflag:s23] =	ssyncadd.s32 $0xFFFFFFFF  }
0xa5: {  	s26 =	simm.s32 $execute0_lowered;
	[smem:$0x3FD2] =	sst s25  }
0xa6: {  	s5 =	sshll.u32 s26, $0x1;
	_ =	strace $0x80000049;
	[dreg:$0x1] =	wrdreg $0xFFFFFFFF  }
0xa7: {  	s28 =	simm.s32 $_size_execute0_lowered;
	s3 =	sadd.s32 s3, s5;
	[dreg:$0x0] =	wrdreg $0x0  }
0xa8: {  	s5 =	sshll.u32 s28, $0x1;
	[dreg:$0x2] =	wrdreg s3  }
0xa9: {  	[dreg:$0x3] =	wrdreg s5  }
0xaa: {  	[dreg:$0x4] =	wrdreg $0xC0  }
0xab: {  	_ =	task [dreg:s7], $0x5FFFF  }
0xac: {  	[dreg:$0x1] =	wrdreg $0xFFFFFFFF  }
0xad: {  	[dreg:$0x0] =	wrdreg $0x60  }
0xae: {  	[dreg:$0x2] =	wrdreg s24  }
0xaf: {  	[dreg:$0x3] =	wrdreg s2  }
0xb0: {  	[dreg:$0x4] =	wrdreg $0x91000  }
0xb1: {  	[dreg:$0x5] =	wrdreg $0x1D1000  }
0xb2: {  	[dreg:$0x6] =	wrdreg $0x9  }
0xb3: {  	_ =	task.clear_ibuf [dreg:s7], $0x7FFFF;
	_ =	strace $0x90000049  }
0xb4: {  	s29 =	simm.s32 $0x9;
	_ =	strace $0x8000004B  }
0xb5: {  	_ =	swait.ge [sflag:s29], $0x1  }
0xb6: {  	[sflag:s29] =	ssyncadd.s32 $0xFFFFFFFF  }
0xb7: {  	_ =	strace $0x9000004B  }
0xb8: {  	_ =	sfence  }
0xb9: {  	s30 =	sld [smem:$0x0];
	_ =	sdelay $0x2  }
0xba: {  	s31 =	sshll.u32 s1, $0xD;
	s1 =	sshrl.u32 s1, $0x2  }
0xbb: {  	s3 =	sand.u32 $0x4000, s31;
	s1 =	sadd.s32 s1, s30  }
0xbc: {  	s0 =	sor.u32 s3, s0;
	s1 =	sshll.u32 s1, $0x11  }
0xbd: {  	s0 =	sor.u32 s1, s0  }
0xbe: {  	s0 =	sadd.s32 $0x8F2B, s0  }
0xbf: {  	[sflag:s0] =	ssyncadd.remote.s32 $0x1  }
0xc0: {  	_ =	sfence.sel $0xFFFF  }
0xc1: {  	[dreg:$0x0] =	wrdreg $0xFFFFFFFF;
	(pc) =	sbr.abs _section_cstart, $3  }
0xc2: {  	[dreg:$0x1] =	wrdreg $0xFFFFFFFF  }
0xc3: {  	_ =	task.clear_ibuf [dreg:s7], $0x2FFFF;
	_ =	strace $0x9FFFFFFF  }
0xc4: {  	(tm) =	ssettm $0x7FFFFFFF  }
0xc5: {  	_ =	shalt  }
tec
execute0_lowered:
.L_overlay_start_1:
0x0: {  	(tag) =	ssettag $0x1  }
0x1: {  	s0 =	rddreg [dreg:$0x0]  }
0x2: {  	s5 =	rddreg [dreg:$0x1]  }
0x3: {  	s1 =	rddreg [dreg:$0x2]  }
0x4: {  	s2 =	rddreg [dreg:$0x3];
	s19 =	stileid.u32  }
0x5: {  	s3 =	srdreg.scid;
	s7 =	smul.u32 $0x14000, s19  }
0x6: {  	s4 =	simm.s32 $0x0;
	s6 =	sand.u32 $0x1, s3;
	s15 =	smul.u32 $0x2800, s19  }
0x7: {  	[smem:$0x7FF] =	sst s4;
	s26 =	sshll.u32 s19, $0x1;
	s8 =	smul.u32 $0x140000, s6  }
0x8: {  	s9 =	sadd.s32 $0x519200, s0;
	s11 =	sadd.s32 $0x28C00, s0;
	s31 =	smul.u32 $0x28000, s6  }
0x9: {  	s10 =	sor.u32 s6, s26;
	s30 =	ssub.s32 $0x2, s6;
	s6 =	smul.u32 $0x28, s6  }
0xa: {  	s13 =	sadd.s32 $0x76E00, s0;
	s28 =	sadd.s32 $0x79600, s0;
	s12 =	smul.u32 $0x28, s10  }
0xb: {  	_ =	strace $0x8000004A;
	[dreg:$0x7] =	wrdreg s13;
	s29 =	smul.u32 $0x14000, s10  }
0xc: {  	s3 =	sadd.s32 $0x2A2600, s0;
	[dreg:$0x8] =	wrdreg s28;
	s14 =	smul.u32 $0x2800, s10  }
0xd: {  	s16 =	sshrl.u32 s30, $0x1;
	s17 =	smul.u32 $0x280, s10;
	s10 =	sshll.u32 s19, $0x6  }
0xe: {  	s19 =	smul.u32 $0x50, s19;
	s8 =	sadd.s32 s7, s8;
	s18 =	ssub.s32 s30, s16  }
0xf: {  	s7 =	sadd.s32 s7, s1;
	s10 =	sor.u32 $0x1C05, s10;
	s8 =	sshrl.u32 s8, $0x3  }
0x10: {  	s12 =	ssub.s32 $0x4E2, s12;
	[dreg:$0x9] =	wrdreg s7;
	s20 =	sadd.s32 s9, s29  }
0x11: {  	s21 =	sadd.s32 s11, s14;
	s14 =	sadd.s32 s3, s17;
	s6 =	sadd.s32 s6, s19  }
0x12: {  	s17 =	smax.u32 s18, $0x1;
	s0 =	sadd.s32 s8, s0;
	[dreg:$0xb] =	wrdreg s20  }
0x13: {  	s8 =	smin.u32 s12, $0x28;
	s12 =	sadd.s32 s15, s2;
	[dreg:$0xc] =	wrdreg s21  }
0x14: {  	s15 =	sadd.s32 s15, s31;
	s23 =	sshll.u32 s6, $0x4;
	s25 =	sshll.u32 s6, $0x8  }
0x15: {  	s26 =	sshll.u32 s6, $0xB;
	s6 =	sor.u32 $0x2, s6;
	[dreg:$0xa] =	wrdreg s12  }
0x16: {  	s22 =	sadd.s32 $0xFFFFFFFF, s8;
	s16 =	sshrl.u32 s15, $0x3;
	s15 =	sadd.s32 $0x79C00, s0  }
0x17: {  	s24 =	sor.u32 $0x10, s23;
	s0 =	sadd.s32 s25, s11;
	s28 =	sadd.s32 s26, s9  }
0x18: {  	s29 =	sshrl.u32 s6, $0x1;
	s25 =	simm.s32 $0x0;
	s7 =	sand.u32 $0x80000001, s22  }
0x19: {  	s16 =	sadd.s32 s5, s16;
	[dreg:$0x5] =	wrdreg s24;
	s18 =	sadd.s32 $0x100, s0  }
0x1a: {  	s19 =	sadd.s32 $0x800, s28;
	s30 =	sshll.u32 s29, $0x5;
	p0 =	sne.s32 s7, $0x1  }
0x1b: {  	s6 =	sshll.u32 s29, $0x9;
	s31 =	sshll.u32 s29, $0xC;
	s0 =	simm.s32 @!p0 $0x0  }
0x1c: {  	s22 =	simm.s32 $0x5;
	[dreg:$0x6] =	wrdreg s30;
	s0 =	simm.s32 @p0 $0x1  }
0x1d: {  	s20 =	sadd.s32 s6, s11;
	s21 =	sadd.s32 s31, s9;
	[smem:$0x7FD] =	sst s0  }
.LBB2_1:
0x1e: {  	s0 =	rddreg [dreg:$0x9]  }
0x1f: {  	s9 =	rddreg [dreg:$0x7];
	s26 =	sshrl.u32 s0, $0x3  }
0x20: {  	[spmem:s26], [sflag:s10] =	dma.local [hbm:s9], $0x2800  }
0x21: {  	_ =	swait.ge [sflag:s22], $0x2800  }
0x22: {  	[sflag:s22] =	ssyncset.done $0x0;
	s11 =	rddreg [dreg:$0xa]  }
0x23: {  	s12 =	rddreg [dreg:$0x8];
	[sflag:s22] =	ssyncadd.s32 $0xFFFFD800;
	s28 =	sshrl.u32 s11, $0x3  }
0x24: {  	[spmem:s28], [sflag:s10] =	dma.local [hbm:s12], $0x500  }
0x25: {  	_ =	swait.ge [sflag:s22], $0x500  }
0x26: {  	[sflag:s22] =	ssyncset.done $0x0  }
0x27: {  	[sflag:s22] =	ssyncadd.s32 $0xFFFFFB00  }
0x28: {  	[bflag:$0x0] =	sbarrier.arrive $0xFFFF  }
0x29: {  	s5 =	simm.s32 $0x100;
	p0 =	sle.u32 s8, $0x0;
	s13 =	rddreg [dreg:$0xb]  }
0x2a: {  	[tilespmem:s5], [sflag:$0x1] =	stream.linear.gather [hbm4b:s13+s4], $0x4000, $0x38;
	[tilespmem:$0x1F900] =	vst v63  }
0x2b: {  	s24 =	simm.s32 $0x8100;
	p1 =	por p0, p0;
	s23 =	rddreg [dreg:$0xc]  }
0x2c: {  	[tilespmem:s24], [sflag:$0x1] =	stream.linear.gather [hbm4b:s23+s4], $0x800, $0x38;
	[tilespmem:$0x1F900] =	vst v63  }
0x2d: {  	s0 =	simm.s32 @!p1 $0x1  }
0x2e: {  	[tilespmem:s4], [sflag:$0x1] =	stream.linear.gather [hbm4b:s14+s4], $0x80, $0x38;
	[tilespmem:$0x1F900] =	vst v63  }
0x2f: {  	_ =	swait.ge @!p1 [sflag:s0], $0x4000  }
0x30: {  	[sflag:s0] =	ssyncset.done @!p1 $0x0  }
0x31: {  	[sflag:s0] =	ssyncadd.s32 @!p1 $0xFFFFC000  }
0x32: {  	_ =	swait.ge @!p1 [sflag:s0], $0x800  }
0x33: {  	[sflag:s0] =	ssyncset.done @!p1 $0x0  }
0x34: {  	[sflag:s0] =	ssyncadd.s32 @!p1 $0xFFFFF800  }
0x35: {  	p2 =	por @!p1 $0x1, $0x1;
	_ =	swait.ge @!p1 [sflag:s0], $0x80  }
0x36: {  	p2 =	por p2, p1;
	[sflag:s0] =	ssyncset.done @!p1 $0x0  }
0x37: {  	s5 =	simm.s32 @!p2 $0x4;
	[sflag:s0] =	ssyncadd.s32 @!p1 $0xFFFFFF80  }
0x38: {  	_ =	swait.ge @!p2 [sflag:s5], $0x4000  }
0x39: {  	[sflag:s5] =	ssyncset.done @!p2 $0x0  }
0x3a: {  	p0 =	sle.u32 @!p0 s8, $0x1;
	[sflag:s5] =	ssyncadd.s32 @!p2 $0xFFFFC000  }
0x3b: {  	p0 =	por p0, p0;
	_ =	swait.ge @!p2 [sflag:s5], $0x800  }
0x3c: {  	p0 =	por p0, p1;
	[sflag:s5] =	ssyncset.done @!p2 $0x0  }
0x3d: {  	s6 =	simm.s32 @!p0 $0x4100;
	s0 =	simm.s32 @!p0 $0x0;
	[sflag:s5] =	ssyncadd.s32 @!p2 $0xFFFFF800  }
0x3e: {  	[tilespmem:s6], [sflag:$0x2] =	stream.linear.gather @!p0 [hbm4b:s19+s0], $0x4000, $0x38;
	[tilespmem:$0x1F900] =	vst v63  }
0x3f: {  	s5 =	rddreg [dreg:$0x5];
	s6 =	simm.s32 @!p0 $0x8900  }
0x40: {  	[tilespmem:s6], [sflag:$0x2] =	stream.linear.gather @!p0 [hbm4b:s18+s0], $0x800, $0x38;
	[tilespmem:$0x1F900] =	vst v63  }
0x41: {  	s5 =	sadd.s32 @!p0 s3, s5;
	s6 =	simm.s32 @!p0 $0x80  }
0x42: {  	[tilespmem:s6], [sflag:$0x2] =	stream.linear.gather @!p0 [hbm4b:s5+s0], $0x80, $0x38;
	[tilespmem:$0x1F900] =	vst v63  }
0x43: {  	s0 =	simm.s32 @!p1 $0x80;
	s5 =	simm.s32 @!p1 $0x0;
	s6 =	simm.s32 @!p1 $0x100  }
0x44: {  	[spmem:s1] =	stream.indirect.scatter.add.f32 @!p1 [tilespmem:s6], [sflag:$0x3], $0x80, s5, s0, $0xb8;
	[tilespmem:$0x1F900] =	vst v63  }
0x45: {  	p3 =	sle.u32 s8, $0x1;
	s6 =	simm.s32 @!p1 $0x8100  }
0x46: {  	[spmem:s2] =	stream.indirect.scatter.add.f32 @!p1 [tilespmem:s6], [sflag:$0x3], $0x10, s5, s0, $0xb8;
	[tilespmem:$0x1F900] =	vst v63  }
0x47: {  	s0 =	simm.s32 @!p3 $0x2  }
0x48: {  	_ =	swait.ge @!p3 [sflag:s0], $0x4000  }
0x49: {  	[sflag:s0] =	ssyncset.done @!p3 $0x0  }
0x4a: {  	[sflag:s0] =	ssyncadd.s32 @!p3 $0xFFFFC000  }
0x4b: {  	_ =	swait.ge @!p3 [sflag:s0], $0x800  }
0x4c: {  	[sflag:s0] =	ssyncset.done @!p3 $0x0  }
0x4d: {  	[sflag:s0] =	ssyncadd.s32 @!p3 $0xFFFFF800  }
0x4e: {  	_ =	swait.ge @!p3 [sflag:s0], $0x80  }
0x4f: {  	[sflag:s0] =	ssyncset.done @!p3 $0x0  }
0x50: {  	[sflag:s0] =	ssyncadd.s32 @!p3 $0xFFFFFF80;
	s0 =	simm.s32 @!p3 $0x3  }
0x51: {  	s29 =	simm.s32 $0x2;
	_ =	swait.ge @!p3 [sflag:s0], $0x4000  }
0x52: {  	s30 =	sadd.s32 $0x200, s20;
	s31 =	sadd.s32 $0x1000, s21;
	[sflag:s0] =	ssyncset.done @!p3 $0x0  }
0x53: {  	s9 =	simm.s32 @!p3 $0x80;
	s11 =	simm.s32 @!p3 $0x4100;
	[sflag:s0] =	ssyncadd.s32 @!p3 $0xFFFFC000  }
0x54: {  	s24 =	simm.s32 $0x4;
	p1 =	sle.u32 @!p3 s8, $0x2;
	_ =	swait.ge @!p3 [sflag:s0], $0x800  }
0x55: {  	p0 =	sle.u32 s8, $0x2;
	p1 =	por p1, p3;
	[sflag:s0] =	ssyncset.done @!p3 $0x0  }
0x56: {  	s6 =	simm.s32 @!p1 $0x100;
	[sflag:s0] =	ssyncadd.s32 @!p3 $0xFFFFF800;
	s0 =	simm.s32 @!p1 $0x0  }
0x57: {  	[tilespmem:s6], [sflag:$0x1] =	stream.linear.gather @!p1 [hbm4b:s21+s0], $0x4000, $0x38;
	[tilespmem:$0x1F900] =	vst v63  }
0x58: {  	p2 =	sle.u32 @!p0 s8, $0x3;
	s5 =	rddreg [dreg:$0x6];
	s6 =	simm.s32 @!p1 $0x8100  }
0x59: {  	[tilespmem:s6], [sflag:$0x1] =	stream.linear.gather @!p1 [hbm4b:s20+s0], $0x800, $0x38;
	[tilespmem:$0x1F900] =	vst v63  }
0x5a: {  	s23 =	sadd.s32 $0x1000, s19;
	p2 =	por p2, p2;
	s5 =	sadd.s32 @!p1 s3, s5  }
0x5b: {  	[tilespmem:s0], [sflag:$0x1] =	stream.linear.gather @!p1 [hbm4b:s5+s0], $0x80, $0x38;
	[tilespmem:$0x1F900] =	vst v63  }
0x5c: {  	p1 =	por p0, p0;
	s0 =	sadd.s32 $0x200, s18;
	s5 =	smov.u32 s3  }
.LBB2_2:
0x5d: {  	[spmem:s1] =	stream.indirect.scatter.add.f32 @!p3 [tilespmem:s11], [sflag:$0x4], $0x80, s9, s9, $0xb8;
	[tilespmem:$0x1F900] =	vst v63  }
0x5e: {  	s12 =	simm.s32 @!p1 $0x1;
	s13 =	simm.s32 @!p3 $0x8900  }
0x5f: {  	[spmem:s2] =	stream.indirect.scatter.add.f32 @!p3 [tilespmem:s13], [sflag:$0x4], $0x10, s9, s9, $0xb8;
	[tilespmem:$0x1F900] =	vst v63  }
0x60: {  	_ =	swait.ge @!p1 [sflag:s12], $0x4000  }
0x61: {  	[sflag:s12] =	ssyncset.done @!p1 $0x0  }
0x62: {  	[sflag:s12] =	ssyncadd.s32 @!p1 $0xFFFFC000  }
0x63: {  	_ =	swait.ge @!p1 [sflag:s12], $0x800  }
0x64: {  	[sflag:s12] =	ssyncset.done @!p1 $0x0  }
0x65: {  	[sflag:s12] =	ssyncadd.s32 @!p1 $0xFFFFF800  }
0x66: {  	p0 =	seq.s32 @!p1 s29, $0x0;
	_ =	swait.ge @!p1 [sflag:s12], $0x80  }
0x67: {  	p6 =	por p0, p1;
	[sflag:s12] =	ssyncset.done @!p1 $0x0  }
0x68: {  	s9 =	simm.s32 @!p6 $0x4;
	[sflag:s12] =	ssyncadd.s32 @!p1 $0xFFFFFF80  }
0x69: {  	_ =	swait.ge @!p6 [sflag:s9], $0x4000  }
0x6a: {  	[sflag:s9] =	ssyncset.done @!p6 $0x0  }
0x6b: {  	p5 =	sge.u32 s24, s8;
	s7 =	smov.u32 s24;
	[sflag:s9] =	ssyncadd.s32 @!p6 $0xFFFFC000  }
0x6c: {  	s11 =	sadd.s32 @!p5 $0x1, s7;
	_ =	swait.ge @!p6 [sflag:s9], $0x800  }
0x6d: {  	p0 =	por p2, p1;
	p3 =	sge.u32 @!p5 s11, s8;
	[sflag:s9] =	ssyncset.done @!p6 $0x0  }
0x6e: {  	s11 =	simm.s32 @!p0 $0x0;
	s12 =	simm.s32 @!p0 $0x4100;
	[sflag:s9] =	ssyncadd.s32 @!p6 $0xFFFFF800  }
0x6f: {  	[tilespmem:s12], [sflag:$0x2] =	stream.linear.gather @!p0 [hbm4b:s23+s11], $0x4000, $0x38;
	[tilespmem:$0x1F900] =	vst v63  }
0x70: {  	s5 =	sadd.s32 $0x20, s5;
	s13 =	simm.s32 @!p0 $0x8900;
	s9 =	rddreg [dreg:$0x5]  }
0x71: {  	[tilespmem:s13], [sflag:$0x2] =	stream.linear.gather @!p0 [hbm4b:s0+s11], $0x800, $0x38;
	[tilespmem:$0x1F900] =	vst v63  }
0x72: {  	s9 =	sadd.s32 @!p0 s5, s9;
	s12 =	simm.s32 @!p0 $0x80;
	s13 =	sadd.s32 $0x1, s29  }
0x73: {  	[tilespmem:s12], [sflag:$0x2] =	stream.linear.gather @!p0 [hbm4b:s9+s11], $0x80, $0x38;
	[tilespmem:$0x1F900] =	vst v63  }
0x74: {  	s9 =	simm.s32 @!p1 $0x80;
	s11 =	simm.s32 @!p1 $0x0;
	s12 =	simm.s32 @!p1 $0x100  }
0x75: {  	[spmem:s1] =	stream.indirect.scatter.add.f32 @!p1 [tilespmem:s12], [sflag:$0x3], $0x80, s11, s9, $0xb8;
	[tilespmem:$0x1F900] =	vst v63  }
0x76: {  	p2 =	por p3, p3;
	p3 =	sge.u32 s13, s8;
	s12 =	simm.s32 @!p1 $0x8100  }
0x77: {  	[spmem:s2] =	stream.indirect.scatter.add.f32 @!p1 [tilespmem:s12], [sflag:$0x3], $0x10, s11, s9, $0xb8;
	[tilespmem:$0x1F900] =	vst v63  }
0x78: {  	s12 =	simm.s32 @!p3 $0x2  }
0x79: {  	_ =	swait.ge @!p3 [sflag:s12], $0x4000  }
0x7a: {  	[sflag:s12] =	ssyncset.done @!p3 $0x0  }
0x7b: {  	[sflag:s12] =	ssyncadd.s32 @!p3 $0xFFFFC000  }
0x7c: {  	_ =	swait.ge @!p3 [sflag:s12], $0x800  }
0x7d: {  	[sflag:s12] =	ssyncset.done @!p3 $0x0  }
0x7e: {  	[sflag:s12] =	ssyncadd.s32 @!p3 $0xFFFFF800  }
0x7f: {  	_ =	swait.ge @!p3 [sflag:s12], $0x80  }
0x80: {  	s11 =	sadd.s32 @!p3 $0x2, s29;
	[sflag:s12] =	ssyncset.done @!p3 $0x0  }
0x81: {  	s29 =	smov.u32 s7;
	s7 =	simm.s32 @!p3 $0x3;
	[sflag:s12] =	ssyncadd.s32 @!p3 $0xFFFFFF80  }
0x82: {  	_ =	swait.ge @!p3 [sflag:s7], $0x4000  }
0x83: {  	s24 =	sadd.s32 $0x2, s24;
	[sflag:s7] =	ssyncset.done @!p3 $0x0  }
0x84: {  	s6 =	smov.u32 s30;
	s30 =	sadd.s32 $0x200, s30;
	[sflag:s7] =	ssyncadd.s32 @!p3 $0xFFFFC000  }
0x85: {  	p4 =	sne.s32 s24, $0x28;
	p6 =	sge.u32 @!p3 s11, s8;
	_ =	swait.ge @!p3 [sflag:s7], $0x800  }
0x86: {  	s23 =	sadd.s32 $0x1000, s23;
	p0 =	por p6, p3;
	[sflag:s7] =	ssyncset.done @!p3 $0x0  }
0x87: {  	s13 =	simm.s32 @!p0 $0x100;
	[sflag:s7] =	ssyncadd.s32 @!p3 $0xFFFFF800;
	s7 =	simm.s32 @!p0 $0x0  }
0x88: {  	[tilespmem:s13], [sflag:$0x1] =	stream.linear.gather @!p0 [hbm4b:s31+s7], $0x4000, $0x38;
	[tilespmem:$0x1F900] =	vst v63  }
.Ltmp0:
0x89: {  	s0 =	sadd.s32 $0x200, s0;
	s9 =	simm.s32 @!p3 $0x80;
	(pc) =	sbr.rel @p4 .LBB2_2-.Ltmp0, $4  }
0x8a: {  	p1 =	por p5, p5;
	s12 =	rddreg [dreg:$0x6];
	s13 =	simm.s32 @!p0 $0x8100  }
0x8b: {  	[tilespmem:s13], [sflag:$0x1] =	stream.linear.gather @!p0 [hbm4b:s6+s7], $0x800, $0x38;
	[tilespmem:$0x1F900] =	vst v63  }
0x8c: {  	s11 =	simm.s32 @!p3 $0x4100;
	s31 =	sadd.s32 $0x1000, s31;
	s6 =	sadd.s32 @!p0 s5, s12  }
0x8d: {  	[tilespmem:s7], [sflag:$0x1] =	stream.linear.gather @!p0 [hbm4b:s6+s7], $0x80, $0x38;
	[tilespmem:$0x1F900] =	vst v63  }
0x8e: {  	[spmem:s1] =	stream.indirect.scatter.add.f32 @!p3 [tilespmem:s11], [sflag:$0x4], $0x80, s9, s9, $0xb8;
	[tilespmem:$0x1F900] =	vst v63  }
0x8f: {  	s6 =	simm.s32 @!p1 $0x1;
	s7 =	simm.s32 @!p3 $0x8900  }
0x90: {  	[spmem:s2] =	stream.indirect.scatter.add.f32 @!p3 [tilespmem:s7], [sflag:$0x4], $0x10, s9, s9, $0xb8;
	[tilespmem:$0x1F900] =	vst v63  }
0x91: {  	_ =	swait.ge @!p1 [sflag:s6], $0x4000  }
0x92: {  	[sflag:s6] =	ssyncset.done @!p1 $0x0  }
0x93: {  	[sflag:s6] =	ssyncadd.s32 @!p1 $0xFFFFC000  }
0x94: {  	_ =	swait.ge @!p1 [sflag:s6], $0x800  }
0x95: {  	[sflag:s6] =	ssyncset.done @!p1 $0x0  }
0x96: {  	[sflag:s6] =	ssyncadd.s32 @!p1 $0xFFFFF800  }
0x97: {  	p0 =	seq.s32 @!p1 s29, $0x0;
	_ =	swait.ge @!p1 [sflag:s6], $0x80  }
0x98: {  	p0 =	por p0, p1;
	[sflag:s6] =	ssyncset.done @!p1 $0x0  }
0x99: {  	s7 =	simm.s32 @!p0 $0x4;
	[sflag:s6] =	ssyncadd.s32 @!p1 $0xFFFFFF80  }
0x9a: {  	_ =	swait.ge @!p0 [sflag:s7], $0x4000  }
0x9b: {  	[sflag:s7] =	ssyncset.done @!p0 $0x0  }
0x9c: {  	[sflag:s7] =	ssyncadd.s32 @!p0 $0xFFFFC000  }
0x9d: {  	_ =	swait.ge @!p0 [sflag:s7], $0x800  }
0x9e: {  	p2 =	por p2, p1;
	[sflag:s7] =	ssyncset.done @!p0 $0x0  }
0x9f: {  	s9 =	simm.s32 @!p2 $0x4100;
	s6 =	simm.s32 @!p2 $0x0;
	[sflag:s7] =	ssyncadd.s32 @!p0 $0xFFFFF800  }
0xa0: {  	[tilespmem:s9], [sflag:$0x2] =	stream.linear.gather @!p2 [hbm4b:s23+s6], $0x4000, $0x38;
	[tilespmem:$0x1F900] =	vst v63  }
0xa1: {  	s5 =	sadd.s32 $0x20, s5;
	s7 =	rddreg [dreg:$0x5];
	s9 =	simm.s32 @!p2 $0x8900  }
0xa2: {  	[tilespmem:s9], [sflag:$0x2] =	stream.linear.gather @!p2 [hbm4b:s0+s6], $0x800, $0x38;
	[tilespmem:$0x1F900] =	vst v63  }
0xa3: {  	s24 =	sadd.s32 $0x1, s29;
	s0 =	sadd.s32 @!p2 s5, s7;
	s7 =	simm.s32 @!p2 $0x80  }
0xa4: {  	[tilespmem:s7], [sflag:$0x2] =	stream.linear.gather @!p2 [hbm4b:s0+s6], $0x80, $0x38;
	[tilespmem:$0x1F900] =	vst v63  }
0xa5: {  	s0 =	simm.s32 @!p1 $0x80;
	s6 =	simm.s32 @!p1 $0x0;
	s7 =	simm.s32 @!p1 $0x100  }
0xa6: {  	[spmem:s1] =	stream.indirect.scatter.add.f32 @!p1 [tilespmem:s7], [sflag:$0x3], $0x80, s6, s0, $0xb8;
	[tilespmem:$0x1F900] =	vst v63  }
0xa7: {  	p2 =	sge.u32 s24, s8;
	s7 =	simm.s32 @!p1 $0x8100  }
0xa8: {  	[spmem:s2] =	stream.indirect.scatter.add.f32 @!p1 [tilespmem:s7], [sflag:$0x3], $0x10, s6, s0, $0xb8;
	[tilespmem:$0x1F900] =	vst v63  }
0xa9: {  	s0 =	simm.s32 @!p2 $0x2  }
0xaa: {  	_ =	swait.ge @!p2 [sflag:s0], $0x4000  }
0xab: {  	[sflag:s0] =	ssyncset.done @!p2 $0x0  }
0xac: {  	[sflag:s0] =	ssyncadd.s32 @!p2 $0xFFFFC000  }
0xad: {  	_ =	swait.ge @!p2 [sflag:s0], $0x800  }
0xae: {  	[sflag:s0] =	ssyncset.done @!p2 $0x0  }
0xaf: {  	[sflag:s0] =	ssyncadd.s32 @!p2 $0xFFFFF800  }
0xb0: {  	_ =	swait.ge @!p2 [sflag:s0], $0x80  }
0xb1: {  	[sflag:s0] =	ssyncset.done @!p2 $0x0  }
0xb2: {  	[sflag:s0] =	ssyncadd.s32 @!p2 $0xFFFFFF80;
	s0 =	simm.s32 @!p2 $0x3  }
0xb3: {  	_ =	swait.ge @!p2 [sflag:s0], $0x4000  }
0xb4: {  	[sflag:s0] =	ssyncset.done @!p2 $0x0  }
0xb5: {  	s6 =	sadd.s32 @!p2 $0x2, s29;
	[sflag:s0] =	ssyncadd.s32 @!p2 $0xFFFFC000  }
0xb6: {  	p0 =	sge.u32 @!p2 s6, s8;
	_ =	swait.ge @!p2 [sflag:s0], $0x800  }
0xb7: {  	p0 =	por p0, p2;
	[sflag:s0] =	ssyncset.done @!p2 $0x0  }
0xb8: {  	s7 =	simm.s32 @!p0 $0x100;
	[sflag:s0] =	ssyncadd.s32 @!p2 $0xFFFFF800;
	s0 =	simm.s32 @!p0 $0x0  }
0xb9: {  	[tilespmem:s7], [sflag:$0x1] =	stream.linear.gather @!p0 [hbm4b:s31+s0], $0x4000, $0x38;
	[tilespmem:$0x1F900] =	vst v63  }
0xba: {  	s6 =	rddreg [dreg:$0x6];
	s7 =	simm.s32 @!p0 $0x8100  }
0xbb: {  	[tilespmem:s7], [sflag:$0x1] =	stream.linear.gather @!p0 [hbm4b:s30+s0], $0x800, $0x38;
	[tilespmem:$0x1F900] =	vst v63  }
0xbc: {  	s5 =	sadd.s32 @!p0 s5, s6;
	s31 =	sld [smem:$0x7FD]  }
0xbd: {  	[tilespmem:s0], [sflag:$0x1] =	stream.linear.gather @!p0 [hbm4b:s5+s0], $0x80, $0x38;
	[tilespmem:$0x1F900] =	vst v63  }
0xbe: {  	s0 =	simm.s32 @!p2 $0x80;
	s5 =	simm.s32 @!p2 $0x4100  }
0xbf: {  	[spmem:s1] =	stream.indirect.scatter.add.f32 @!p2 [tilespmem:s5], [sflag:$0x4], $0x80, s0, s0, $0xb8;
	[tilespmem:$0x1F900] =	vst v63  }
0xc0: {  	p0 =	seq.s32 s31, $0x1;
	s5 =	simm.s32 @!p2 $0x8900  }
0xc1: {  	[spmem:s2] =	stream.indirect.scatter.add.f32 @!p2 [tilespmem:s5], [sflag:$0x4], $0x10, s0, s0, $0xb8;
	[tilespmem:$0x1F900] =	vst v63  }
0xc2: {  	s0 =	simm.s32 @!p0 $0x4  }
0xc3: {  	_ =	swait.ge @!p0 [sflag:s0], $0x4000  }
0xc4: {  	[sflag:s0] =	ssyncset.done @!p0 $0x0  }
0xc5: {  	[sflag:s0] =	ssyncadd.s32 @!p0 $0xFFFFC000  }
0xc6: {  	_ =	swait.ge @!p0 [sflag:s0], $0x800  }
0xc7: {  	[sflag:s0] =	ssyncset.done @!p0 $0x0  }
0xc8: {  	[sflag:s0] =	ssyncadd.s32 @!p0 $0xFFFFF800  }
0xc9: {  	[bflag:$0x0] =	sbarrier.arrive $0xFFFF  }
0xca: {  	[hbm:s15], [sflag:s10] =	dma.local [spmem:s26], $0x2800  }
0xcb: {  	s25 =	sadd.s32 $0x1, s25;
	_ =	swait.ge [sflag:s22], $0x2800  }
0xcc: {  	p0 =	sne.s32 s25, s17;
	[sflag:s22] =	ssyncset.done $0x0  }
.Ltmp1:
0xcd: {  	[sflag:s22] =	ssyncadd.s32 $0xFFFFD800;
	(pc) =	sbr.rel @p0 .LBB2_1-.Ltmp1, $4  }
0xce: {  	[hbm:s16], [sflag:s10] =	dma.local [spmem:s28], $0x500  }
0xcf: {  	_ =	swait.ge [sflag:s22], $0x500  }
0xd0: {  	[sflag:s22] =	ssyncset.done $0x0  }
0xd1: {  	[sflag:s22] =	ssyncadd.s32 $0xFFFFFB00  }
0xd2: {  	_ =	sfence.sel $0x180000  }
0xd3: {  	[bflag:$0x0] =	sbarrier.arrive $0xFFFF  }
0xd4: {  	_ =	strace $0x9000004A  }
0xd5: {  	s0 =	stileid.u32;
	[bflag:$0x2] =	sbarrier.arrive $0xFFFF  }
0xd6: {  	p0 =	sne.s32 s0, $0x0;
	s0 =	rddreg [dreg:$0x4]  }
0xd7: {  	s0 =	sadd.s32 @!p0 $0x100000, s0  }
0xd8: {  	[sflag:s0] =	ssyncadd.tile.s32 @!p0 $0x1;
	_ =	shalt  }
.Lfunc_end2:
_tile_overlayer_lowered:
.L_overlay_start_2:
0xd9: {  	(tag) =	ssettag $0x2  }
0xda: {  	s0 =	rddreg [dreg:$0x0];
	s2 =	stileid.u32  }
0xdb: {  	s1 =	rddreg [dreg:$0x1];
	p0 =	sne.s32 s2, $0x0  }
0xdc: {  	s3 =	rddreg [dreg:$0x2];
	[bflag:$0x3] =	sbarrier.arrive $0xFFFF;
	s2 =	simm.s32 @!p0 $0x1C05  }
0xdd: {  	[timem:s3], [sflag:s2] =	dma.local @!p0 [hbm:s0], s1  }
0xde: {  	s0 =	simm.s32 @!p0 $0x5  }
0xdf: {  	_ =	swait.ge @!p0 [sflag:s0], s1  }
0xe0: {  	s1 =	ssub.s32 @!p0 $0x0, s1;
	[sflag:s0] =	ssyncset.done @!p0 $0x0  }
0xe1: {  	[sflag:s0] =	ssyncadd.s32 @!p0 s1  }
0xe2: {  	[bflag:$0x3] =	sbarrier.arrive $0xFFFF  }
0xe3: {  	_ =	shalt  }

</sc_bundles>
